<compile_context>
chip_gen: v7x
topology: tpu7x:2x2x1
jax: 0.10.2.dev20260603
libtpu: 0.0.44.dev20260713+nightly
codegen_flags: <defaults>
</compile_context>

<pallas_src>
import functools
import numpy as np
from math import comb, factorial, floor

import jax
import jax.numpy as jnp
from jax import lax
from jax.experimental import pallas as pl
from jax.experimental.pallas import tpu as pltpu
from jax.experimental.pallas import tpu_sc as plsc

_MAX_L = 4


def _tables(max_l):
    dst, pows, cs, ns = [], [], [], []
    for l in range(max_l + 1):
        for m in range(-l, l + 1):
            am = abs(m)
            n_lm = (1.0 / (2.0 ** am * factorial(l))) * np.sqrt(
                2.0 * factorial(l + am) * factorial(l - am) / (2.0 if m == 0 else 1.0))
            ns.append(n_lm)
            vm = 0.5 if m < 0 else 0.0
            vmax = floor(am / 2.0 - vm) + vm
            for t in range(0, (l - am) // 2 + 1):
                for u in range(0, t + 1):
                    v = vm
                    while v <= vmax + 1e-9:
                        c = ((-1.0) ** int(round(t + v - vm))) * (0.25 ** t) \
                            * comb(l, t) * comb(l - t, am + t) * comb(t, u) * comb(am, int(round(2 * v)))
                        dst.append(l * (l + 1) + m)
                        pows.append([int(round(2 * t + am - 2 * (u + v))),
                                     int(round(2 * (u + v))),
                                     int(l - 2 * t - am)])
                        cs.append(c)
                        v += 1.0
    return dst, pows, cs, ns


def _channel_terms():
    dst, pows, cs, ns = _tables(_MAX_L)
    n_out = len(ns)
    terms = {}
    for d, p, c in zip(dst, pows, cs):
        key = (d, tuple(p))
        terms[key] = terms.get(key, 0.0) + c
    chans = [[] for _ in range(n_out)]
    for (d, p), c in terms.items():
        chans[d].append((float(c) * float(ns[d]), p))
    return chans


_CHANS = _channel_terms()
_N_OUT = len(_CHANS)

_C = 1280
_NW = 32
_LANES = 16


def _eval_channels(x, y, z, o_ref, b, off):
    xp = [None, x, x * x, None, None]
    yp = [None, y, y * y, None, None]
    zp = [None, z, z * z, None, None]
    xp[3], xp[4] = xp[2] * x, xp[2] * xp[2]
    yp[3], yp[4] = yp[2] * y, yp[2] * yp[2]
    zp[3], zp[4] = zp[2] * z, zp[2] * zp[2]
    pw = (xp, yp, zp)
    mono = {}
    for terms in _CHANS:
        for _, p in terms:
            if p in mono:
                continue
            m = None
            for pwc, e in zip(pw, p):
                if e:
                    m = pwc[e] if m is None else m * pwc[e]
            mono[p] = m
    for j, terms in enumerate(_CHANS):
        acc = None
        for coef, p in terms:
            m = mono[p]
            t = jnp.full_like(x, coef) if m is None else m * coef
            acc = t if acc is None else acc + t
        o_ref[b, j, pl.ds(off, _LANES)] = acc


def kernel(xyz):
    in_shape = xyz.shape
    rows = xyz.reshape(-1, 3)
    n = rows.shape[0]
    xt = rows.T
    nchunks = n // _C
    rounds = (nchunks + _NW - 1) // _NW
    rounds += rounds % 2

    mesh = plsc.VectorSubcoreMesh(core_axis_name="c", subcore_axis_name="s")

    @functools.partial(
        pl.kernel,
        mesh=mesh,
        out_type=jax.ShapeDtypeStruct((_N_OUT, n), jnp.float32),
        scratch_types=[
            pltpu.VMEM((2, 3, _C), jnp.float32),
            pltpu.VMEM((2, _N_OUT, _C), jnp.float32),
            pltpu.SemaphoreType.DMA,
            pltpu.SemaphoreType.DMA,
            pltpu.SemaphoreType.DMA,
            pltpu.SemaphoreType.DMA,
        ],
    )
    def sc_kernel(xt_hbm, out_hbm, xin, o, si0, si1, so0, so1):
        wid = lax.axis_index("s") * 2 + lax.axis_index("c")

        def valid(r):
            return r * _NW + wid < nchunks

        def base_of(r):
            return (r * _NW + wid) * _C

        def issue_in(r, b, sem):
            base = base_of(r)
            pltpu.async_copy(xt_hbm.at[:, pl.ds(base, _C)], xin.at[b], sem)

        def wait_in(b, sem):
            pltpu.make_async_copy(xt_hbm.at[:, pl.ds(0, _C)],
                                  xin.at[b], sem).wait()

        def fire_out(r, b, sem):
            base = base_of(r)
            pltpu.async_copy(o.at[b], out_hbm.at[:, pl.ds(base, _C)], sem)

        def wait_out(b, sem):
            pltpu.make_async_copy(out_hbm.at[:, pl.ds(0, _C)],
                                  o.at[b], sem).wait()

        def compute(b):
            @plsc.parallel_loop(0, _C, step=_LANES, unroll=8)
            def vec_body(off):
                x = xin[b, 0, pl.ds(off, _LANES)]
                y = xin[b, 1, pl.ds(off, _LANES)]
                z = xin[b, 2, pl.ds(off, _LANES)]
                _eval_channels(x, y, z, o, b, off)

        @pl.when(valid(0))
        def _():
            issue_in(0, 0, si0)

        @pl.when(valid(1))
        def _():
            issue_in(1, 1, si1)

        def dbl_body(d, carry):
            r0 = 2 * d
            for (b, sem_i, sem_o, r) in ((0, si0, so0, r0), (1, si1, so1, r0 + 1)):
                @pl.when(valid(r))
                def _():
                    wait_in(b, sem_i)

                    @pl.when(d > 0)
                    def _():
                        wait_out(b, sem_o)

                    compute(b)
                    fire_out(r, b, sem_o)

                    @pl.when(valid(r + 2))
                    def _():
                        issue_in(r + 2, b, sem_i)

            return carry

        lax.fori_loop(0, rounds // 2, dbl_body, 0)

        @pl.when(valid(0))
        def _():
            wait_out(0, so0)

        @pl.when(valid(1))
        def _():
            wait_out(1, so1)

    out = sc_kernel(xt)
    return out.reshape(_N_OUT, n).T.reshape(*in_shape[:-1], _N_OUT)

# --- scband reference (transcript-rebuilt; emitter-appended) ---
"""Pipeline reference for scband-rshxyz-81664508166970 (READ-ONLY COPY).

The authoritative reference and input builder live on the scoring server;
editing this copy changes nothing except your own understanding.
"""

import jax, jax.numpy as jnp
import numpy as np
from math import comb, factorial, floor

MAX_L = 4


def _build_coeffs(max_l):
    dst, pows, cs, ns = [], [], [], []
    for l in range(max_l + 1):
        for m in range(-l, l + 1):
            am = abs(m)
            n_lm = (1.0 / (2.0 ** am * factorial(l))) * np.sqrt(
                2.0 * factorial(l + am) * factorial(l - am) / (2.0 if m == 0 else 1.0))
            ns.append(n_lm)
            vm = 0.5 if m < 0 else 0.0
            vmax = floor(am / 2.0 - vm) + vm
            for t in range(0, (l - am) // 2 + 1):
                for u in range(0, t + 1):
                    v = vm
                    while v <= vmax + 1e-9:
                        c = ((-1.0) ** int(round(t + v - vm))) * (0.25 ** t) \
                            * comb(l, t) * comb(l - t, am + t) * comb(t, u) * comb(am, int(round(2 * v)))
                        dst.append(l * (l + 1) + m)
                        pows.append([int(round(2 * t + am - 2 * (u + v))),
                                     int(round(2 * (u + v))),
                                     int(l - 2 * t - am)])
                        cs.append(c)
                        v += 1.0
    return (np.array(dst, dtype=np.int32),
            np.array(pows, dtype=np.int32).T,
            np.array(cs, dtype=np.float32),
            np.array(ns, dtype=np.float32))


DST, XYZPOWS, CLM, NS = _build_coeffs(MAX_L)


def setup_inputs(seed: int = 0):
    key = jax.random.key(seed)
    xyz = jax.random.normal(key, (800000, 3), dtype=jnp.float32)
    return {"xyz": xyz}


def reference(xyz):
    in_shape = xyz.shape
    x = xyz.reshape(-1, 3)
    pows = jnp.asarray(XYZPOWS)                      # [3, T]
    mask = (pows == 0)                               # [3, T]
    # torch code leaves entries with zero exponent as 1.0 and only powers the rest
    base = jnp.where(mask[None, :, :], 1.0, x[:, :, None])
    xyz_poly = jnp.where(mask[None, :, :], 1.0,
                         jnp.power(base, pows[None, :, :].astype(x.dtype)))
    xyz_poly = jnp.prod(xyz_poly, axis=1)            # [N, T]
    src = xyz_poly * jnp.asarray(CLM)[None, :]       # [N, T]
    n_out = NS.shape[0]
    out = jnp.zeros((x.shape[0], n_out), dtype=x.dtype)
    out = out.at[:, jnp.asarray(DST)].add(src)       # scatter-add along feature dim
    out = out * jnp.asarray(NS)[None, :]
    return out.reshape(*in_shape[:-1], n_out)

if __name__ == "__main__":
    import jax
    _d = setup_inputs()
    print(jax.jit(kernel)(*tuple(_d.values())))

</pallas_src>

<mosaic_0001>
#map = affine_map<(d0, d1) -> (0, 0)>
module attributes {stable_mosaic.version = 14 : i64} {
  func.func @sc_kernel(%arg0: i32, %arg1: i32, %arg2: memref<3x800000xf32, #tpu.memory_space<hbm>>, %arg3: memref<25x800000xf32, #tpu.memory_space<hbm>>, %arg4: memref<2x3x1280xf32, #tpu.memory_space<vmem>>, %arg5: memref<2x25x1280xf32, #tpu.memory_space<vmem>>, %arg6: memref<!tpu.dma_semaphore, #tpu.memory_space<semaphore_mem>>, %arg7: memref<!tpu.dma_semaphore, #tpu.memory_space<semaphore_mem>>, %arg8: memref<!tpu.dma_semaphore, #tpu.memory_space<semaphore_mem>>, %arg9: memref<!tpu.dma_semaphore, #tpu.memory_space<semaphore_mem>>) attributes {dimension_semantics = [#tpu.dimension_semantics<core_parallel>, #tpu.dimension_semantics<subcore_parallel>], iteration_bounds = array<i64: 2, 16>, scalar_prefetch = 0 : i64, scratch_operands = 6 : i64, tpu.core_type = #tpu.core_type<sc_vector_subcore>, window_params = [{transform_indices = #map}, {transform_indices = #map}]} {
    %mul3A = arith.constant 2 : i32
    %mul3A_0 = arith.muli %arg1, %mul3A : i32
    %add3A = arith.addi %mul3A_0, %arg0 : i32
    %add3A_1 = arith.constant 0 : i32
    %add3A_2 = arith.addi %add3A_1, %add3A : i32
    %lt3A = arith.constant 625 : i32
    %lt3A_3 = arith.cmpi slt, %add3A_2, %lt3A : i32
    %convert_element_type3A = arith.extui %lt3A_3 : i1 to i32
    %cond3A = arith.constant 0 : i32
    %cond3A_4 = arith.cmpi ne, %convert_element_type3A, %cond3A : i32
    scf.if %cond3A_4 {
      %add3A_31 = arith.constant 0 : i32
      %add3A_32 = arith.addi %add3A_31, %add3A : i32
      %mul3A_33 = arith.constant 1280 : i32
      %mul3A_34 = arith.muli %add3A_32, %mul3A_33 : i32
      %dma_start3A = arith.constant 0 : i32
      %dma_start3A_35 = arith.constant 0 : i32
      %dma_start3A_36 = arith.constant 0 : i32
      %dma_start3A_37 = tpu.memref_slice %arg4[%dma_start3A, %dma_start3A_35, %dma_start3A_36] : memref<2x3x1280xf32, #tpu.memory_space<vmem>> -> memref<1x3x1280xf32, #tpu.memory_space<vmem>>
      %dma_start3A_38 = tpu.memref_squeeze %dma_start3A_37 : memref<1x3x1280xf32, #tpu.memory_space<vmem>> -> memref<3x1280xf32, #tpu.memory_space<vmem>>
      %dma_start3A_39 = arith.constant 0 : i32
      %dma_start3A_40 = tpu.memref_slice %arg2[%dma_start3A_39, %mul3A_34] : memref<3x800000xf32, #tpu.memory_space<hbm>> -> memref<3x1280xf32, #tpu.memory_space<hbm>>
      %dma_start3A_41 = arith.constant 0 : i32
      %dma_start3A_42 = arith.constant 0 : i32
      %dma_start3A_43 = tpu.memref_slice %arg4[%dma_start3A, %dma_start3A_41, %dma_start3A_42] : memref<2x3x1280xf32, #tpu.memory_space<vmem>> -> memref<1x3x1280xf32, #tpu.memory_space<vmem>>
      %dma_start3A_44 = tpu.memref_squeeze %dma_start3A_43 : memref<1x3x1280xf32, #tpu.memory_space<vmem>> -> memref<3x1280xf32, #tpu.memory_space<vmem>>
      %dma_start3A_45 = arith.constant 0 : i32
      %dma_start3A_46 = tpu.memref_slice %arg2[%dma_start3A_45, %mul3A_34] : memref<3x800000xf32, #tpu.memory_space<hbm>> -> memref<3x1280xf32, #tpu.memory_space<hbm>>
      tpu.enqueue_dma source(%dma_start3A_46 : memref<3x1280xf32, #tpu.memory_space<hbm>>) target(%dma_start3A_44 : memref<3x1280xf32, #tpu.memory_space<vmem>>) target_semaphore(%arg6 : memref<!tpu.dma_semaphore, #tpu.memory_space<semaphore_mem>>)
    } else {
    }
    %add3A_5 = arith.constant 32 : i32
    %add3A_6 = arith.addi %add3A_5, %add3A : i32
    %lt3A_7 = arith.constant 625 : i32
    %lt3A_8 = arith.cmpi slt, %add3A_6, %lt3A_7 : i32
    %convert_element_type3A_9 = arith.extui %lt3A_8 : i1 to i32
    %cond3A_10 = arith.constant 0 : i32
    %cond3A_11 = arith.cmpi ne, %convert_element_type3A_9, %cond3A_10 : i32
    scf.if %cond3A_11 {
      %add3A_31 = arith.constant 32 : i32
      %add3A_32 = arith.addi %add3A_31, %add3A : i32
      %mul3A_33 = arith.constant 1280 : i32
      %mul3A_34 = arith.muli %add3A_32, %mul3A_33 : i32
      %dma_start3A = arith.constant 1 : i32
      %dma_start3A_35 = arith.constant 0 : i32
      %dma_start3A_36 = arith.constant 0 : i32
      %dma_start3A_37 = tpu.memref_slice %arg4[%dma_start3A, %dma_start3A_35, %dma_start3A_36] : memref<2x3x1280xf32, #tpu.memory_space<vmem>> -> memref<1x3x1280xf32, #tpu.memory_space<vmem>>
      %dma_start3A_38 = tpu.memref_squeeze %dma_start3A_37 : memref<1x3x1280xf32, #tpu.memory_space<vmem>> -> memref<3x1280xf32, #tpu.memory_space<vmem>>
      %dma_start3A_39 = arith.constant 0 : i32
      %dma_start3A_40 = tpu.memref_slice %arg2[%dma_start3A_39, %mul3A_34] : memref<3x800000xf32, #tpu.memory_space<hbm>> -> memref<3x1280xf32, #tpu.memory_space<hbm>>
      %dma_start3A_41 = arith.constant 0 : i32
      %dma_start3A_42 = arith.constant 0 : i32
      %dma_start3A_43 = tpu.memref_slice %arg4[%dma_start3A, %dma_start3A_41, %dma_start3A_42] : memref<2x3x1280xf32, #tpu.memory_space<vmem>> -> memref<1x3x1280xf32, #tpu.memory_space<vmem>>
      %dma_start3A_44 = tpu.memref_squeeze %dma_start3A_43 : memref<1x3x1280xf32, #tpu.memory_space<vmem>> -> memref<3x1280xf32, #tpu.memory_space<vmem>>
      %dma_start3A_45 = arith.constant 0 : i32
      %dma_start3A_46 = tpu.memref_slice %arg2[%dma_start3A_45, %mul3A_34] : memref<3x800000xf32, #tpu.memory_space<hbm>> -> memref<3x1280xf32, #tpu.memory_space<hbm>>
      tpu.enqueue_dma source(%dma_start3A_46 : memref<3x1280xf32, #tpu.memory_space<hbm>>) target(%dma_start3A_44 : memref<3x1280xf32, #tpu.memory_space<vmem>>) target_semaphore(%arg7 : memref<!tpu.dma_semaphore, #tpu.memory_space<semaphore_mem>>)
    } else {
    }
    %scan3A = arith.constant 0 : i32
    %scan3A_12 = arith.constant 0 : i32
    %scan3A_13 = arith.constant 10 : i32
    %scan3A_14 = arith.addi %scan3A_12, %scan3A_13 : i32
    %scan3A_15 = arith.constant 1 : i32
    scf.for %scan3A_31 = %scan3A_12 to %scan3A_14 step %scan3A_15  : i32 {
      %mul3A_32 = arith.constant 2 : i32
      %mul3A_33 = arith.muli %mul3A_32, %scan3A_31 : i32
      %add3A_34 = arith.constant 1 : i32
      %add3A_35 = arith.addi %mul3A_33, %add3A_34 : i32
      %mul3A_36 = arith.constant 32 : i32
      %mul3A_37 = arith.muli %mul3A_33, %mul3A_36 : i32
      %add3A_38 = arith.addi %mul3A_37, %add3A : i32
      %lt3A_39 = arith.constant 625 : i32
      %lt3A_40 = arith.cmpi slt, %add3A_38, %lt3A_39 : i32
      %convert_element_type3A_41 = arith.extui %lt3A_40 : i1 to i32
      %cond3A_42 = arith.constant 0 : i32
      %cond3A_43 = arith.cmpi ne, %convert_element_type3A_41, %cond3A_42 : i32
      scf.if %cond3A_43 {
        %dma_wait3A = arith.constant 0 : i32
        %dma_wait3A_52 = arith.constant 0 : i32
        %dma_wait3A_53 = arith.constant 0 : i32
        %dma_wait3A_54 = tpu.memref_slice %arg4[%dma_wait3A, %dma_wait3A_52, %dma_wait3A_53] : memref<2x3x1280xf32, #tpu.memory_space<vmem>> -> memref<1x3x1280xf32, #tpu.memory_space<vmem>>
        %dma_wait3A_55 = tpu.memref_squeeze %dma_wait3A_54 : memref<1x3x1280xf32, #tpu.memory_space<vmem>> -> memref<3x1280xf32, #tpu.memory_space<vmem>>
        %dma_wait3A_56 = arith.constant 0 : i32
        %dma_wait3A_57 = arith.constant 0 : i32
        %dma_wait3A_58 = tpu.memref_slice %arg2[%dma_wait3A_56, %dma_wait3A_57] : memref<3x800000xf32, #tpu.memory_space<hbm>> -> memref<3x1280xf32, #tpu.memory_space<hbm>>
        %dma_wait3A_59 = arith.constant 0 : i32
        %dma_wait3A_60 = arith.constant 0 : i32
        %dma_wait3A_61 = tpu.memref_slice %arg4[%dma_wait3A, %dma_wait3A_59, %dma_wait3A_60] : memref<2x3x1280xf32, #tpu.memory_space<vmem>> -> memref<1x3x1280xf32, #tpu.memory_space<vmem>>
        %dma_wait3A_62 = tpu.memref_squeeze %dma_wait3A_61 : memref<1x3x1280xf32, #tpu.memory_space<vmem>> -> memref<3x1280xf32, #tpu.memory_space<vmem>>
        %dma_wait3A_63 = arith.constant 0 : i32
        %dma_wait3A_64 = arith.constant 0 : i32
        %dma_wait3A_65 = tpu.memref_slice %arg2[%dma_wait3A_63, %dma_wait3A_64] : memref<3x800000xf32, #tpu.memory_space<hbm>> -> memref<3x1280xf32, #tpu.memory_space<hbm>>
        tpu.wait_dma2 semaphore(%arg6 : memref<!tpu.dma_semaphore, #tpu.memory_space<semaphore_mem>>) src(%dma_wait3A_65 : memref<3x1280xf32, #tpu.memory_space<hbm>>) dst(%dma_wait3A_62 : memref<3x1280xf32, #tpu.memory_space<vmem>>)
        %gt3A = arith.constant 0 : i32
        %gt3A_66 = arith.cmpi sgt, %scan3A_31, %gt3A : i32
        %convert_element_type3A_67 = arith.extui %gt3A_66 : i1 to i32
        %cond3A_68 = arith.constant 0 : i32
        %cond3A_69 = arith.cmpi ne, %convert_element_type3A_67, %cond3A_68 : i32
        scf.if %cond3A_69 {
          %dma_wait3A_99 = arith.constant 0 : i32
          %dma_wait3A_100 = arith.constant 0 : i32
          %dma_wait3A_101 = arith.constant 0 : i32
          %dma_wait3A_102 = tpu.memref_slice %arg5[%dma_wait3A_99, %dma_wait3A_100, %dma_wait3A_101] : memref<2x25x1280xf32, #tpu.memory_space<vmem>> -> memref<1x25x1280xf32, #tpu.memory_space<vmem>>
          %dma_wait3A_103 = tpu.memref_squeeze %dma_wait3A_102 : memref<1x25x1280xf32, #tpu.memory_space<vmem>> -> memref<25x1280xf32, #tpu.memory_space<vmem>>
          %dma_wait3A_104 = arith.constant 0 : i32
          %dma_wait3A_105 = arith.constant 0 : i32
          %dma_wait3A_106 = tpu.memref_slice %arg3[%dma_wait3A_104, %dma_wait3A_105] : memref<25x800000xf32, #tpu.memory_space<hbm>> -> memref<25x1280xf32, #tpu.memory_space<hbm>>
          %dma_wait3A_107 = arith.constant 0 : i32
          %dma_wait3A_108 = arith.constant 0 : i32
          %dma_wait3A_109 = tpu.memref_slice %arg5[%dma_wait3A_99, %dma_wait3A_107, %dma_wait3A_108] : memref<2x25x1280xf32, #tpu.memory_space<vmem>> -> memref<1x25x1280xf32, #tpu.memory_space<vmem>>
          %dma_wait3A_110 = tpu.memref_squeeze %dma_wait3A_109 : memref<1x25x1280xf32, #tpu.memory_space<vmem>> -> memref<25x1280xf32, #tpu.memory_space<vmem>>
          %dma_wait3A_111 = arith.constant 0 : i32
          %dma_wait3A_112 = arith.constant 0 : i32
          %dma_wait3A_113 = tpu.memref_slice %arg3[%dma_wait3A_111, %dma_wait3A_112] : memref<25x800000xf32, #tpu.memory_space<hbm>> -> memref<25x1280xf32, #tpu.memory_space<hbm>>
          tpu.wait_dma2 semaphore(%arg8 : memref<!tpu.dma_semaphore, #tpu.memory_space<semaphore_mem>>) src(%dma_wait3A_113 : memref<25x1280xf32, #tpu.memory_space<hbm>>) dst(%dma_wait3A_110 : memref<25x1280xf32, #tpu.memory_space<vmem>>)
        } else {
        }
        %parallel_loop3A = arith.constant 0 : i32
        %parallel_loop3A_70 = arith.constant 1280 : i32
        %parallel_loop3A_71 = arith.constant 16 : i32
        scf.for %parallel_loop3A_99 = %parallel_loop3A to %parallel_loop3A_70 step %parallel_loop3A_71  : i32 {
          %parallel_loop3A_100 = arith.constant 0 : i32
          %parallel_loop3A_101 = arith.constant 0 : i32
          %parallel_loop3A_102 = arith.index_cast %parallel_loop3A_100 : i32 to index
          %parallel_loop3A_103 = arith.index_cast %parallel_loop3A_101 : i32 to index
          %parallel_loop3A_104 = arith.index_cast %parallel_loop3A_99 : i32 to index
          %parallel_loop3A_105 = tpu.vector_load %arg4[%parallel_loop3A_102, %parallel_loop3A_103, %parallel_loop3A_104] {strides = array<i32>} : memref<2x3x1280xf32, #tpu.memory_space<vmem>>, vector<1x1x16xf32>,
          %parallel_loop3A_106 = vector.shape_cast %parallel_loop3A_105 : vector<1x1x16xf32> to vector<16xf32>
          %parallel_loop3A_107 = arith.constant 0 : i32
          %parallel_loop3A_108 = arith.constant 1 : i32
          %parallel_loop3A_109 = arith.index_cast %parallel_loop3A_107 : i32 to index
          %parallel_loop3A_110 = arith.index_cast %parallel_loop3A_108 : i32 to index
          %parallel_loop3A_111 = arith.index_cast %parallel_loop3A_99 : i32 to index
          %parallel_loop3A_112 = tpu.vector_load %arg4[%parallel_loop3A_109, %parallel_loop3A_110, %parallel_loop3A_111] {strides = array<i32>} : memref<2x3x1280xf32, #tpu.memory_space<vmem>>, vector<1x1x16xf32>,
          %parallel_loop3A_113 = vector.shape_cast %parallel_loop3A_112 : vector<1x1x16xf32> to vector<16xf32>
          %parallel_loop3A_114 = arith.constant 0 : i32
          %parallel_loop3A_115 = arith.constant 2 : i32
          %parallel_loop3A_116 = arith.index_cast %parallel_loop3A_114 : i32 to index
          %parallel_loop3A_117 = arith.index_cast %parallel_loop3A_115 : i32 to index
          %parallel_loop3A_118 = arith.index_cast %parallel_loop3A_99 : i32 to index
          %parallel_loop3A_119 = tpu.vector_load %arg4[%parallel_loop3A_116, %parallel_loop3A_117, %parallel_loop3A_118] {strides = array<i32>} : memref<2x3x1280xf32, #tpu.memory_space<vmem>>, vector<1x1x16xf32>,
          %parallel_loop3A_120 = vector.shape_cast %parallel_loop3A_119 : vector<1x1x16xf32> to vector<16xf32>
          %parallel_loop3A_121 = arith.mulf %parallel_loop3A_106, %parallel_loop3A_106 : vector<16xf32>
          %parallel_loop3A_122 = arith.mulf %parallel_loop3A_113, %parallel_loop3A_113 : vector<16xf32>
          %parallel_loop3A_123 = arith.mulf %parallel_loop3A_120, %parallel_loop3A_120 : vector<16xf32>
          %parallel_loop3A_124 = arith.mulf %parallel_loop3A_121, %parallel_loop3A_106 : vector<16xf32>
          %parallel_loop3A_125 = arith.mulf %parallel_loop3A_121, %parallel_loop3A_121 : vector<16xf32>
          %parallel_loop3A_126 = arith.mulf %parallel_loop3A_122, %parallel_loop3A_113 : vector<16xf32>
          %parallel_loop3A_127 = arith.mulf %parallel_loop3A_122, %parallel_loop3A_122 : vector<16xf32>
          %parallel_loop3A_128 = arith.mulf %parallel_loop3A_123, %parallel_loop3A_120 : vector<16xf32>
          %parallel_loop3A_129 = arith.mulf %parallel_loop3A_123, %parallel_loop3A_123 : vector<16xf32>
          %parallel_loop3A_130 = arith.mulf %parallel_loop3A_106, %parallel_loop3A_113 : vector<16xf32>
          %parallel_loop3A_131 = arith.mulf %parallel_loop3A_113, %parallel_loop3A_120 : vector<16xf32>
          %parallel_loop3A_132 = arith.mulf %parallel_loop3A_106, %parallel_loop3A_120 : vector<16xf32>
          %parallel_loop3A_133 = arith.mulf %parallel_loop3A_121, %parallel_loop3A_113 : vector<16xf32>
          %parallel_loop3A_134 = arith.mulf %parallel_loop3A_106, %parallel_loop3A_113 : vector<16xf32>
          %parallel_loop3A_135 = arith.mulf %parallel_loop3A_134, %parallel_loop3A_120 : vector<16xf32>
          %parallel_loop3A_136 = arith.mulf %parallel_loop3A_113, %parallel_loop3A_123 : vector<16xf32>
          %parallel_loop3A_137 = arith.mulf %parallel_loop3A_121, %parallel_loop3A_120 : vector<16xf32>
          %parallel_loop3A_138 = arith.mulf %parallel_loop3A_122, %parallel_loop3A_120 : vector<16xf32>
          %parallel_loop3A_139 = arith.mulf %parallel_loop3A_106, %parallel_loop3A_123 : vector<16xf32>
          %parallel_loop3A_140 = arith.mulf %parallel_loop3A_106, %parallel_loop3A_122 : vector<16xf32>
          %parallel_loop3A_141 = arith.mulf %parallel_loop3A_124, %parallel_loop3A_113 : vector<16xf32>
          %parallel_loop3A_142 = arith.mulf %parallel_loop3A_106, %parallel_loop3A_126 : vector<16xf32>
          %parallel_loop3A_143 = arith.mulf %parallel_loop3A_121, %parallel_loop3A_113 : vector<16xf32>
          %parallel_loop3A_144 = arith.mulf %parallel_loop3A_143, %parallel_loop3A_120 : vector<16xf32>
          %parallel_loop3A_145 = arith.mulf %parallel_loop3A_126, %parallel_loop3A_120 : vector<16xf32>
          %parallel_loop3A_146 = arith.mulf %parallel_loop3A_106, %parallel_loop3A_113 : vector<16xf32>
          %parallel_loop3A_147 = arith.mulf %parallel_loop3A_146, %parallel_loop3A_123 : vector<16xf32>
          %parallel_loop3A_148 = arith.mulf %parallel_loop3A_113, %parallel_loop3A_128 : vector<16xf32>
          %parallel_loop3A_149 = arith.mulf %parallel_loop3A_121, %parallel_loop3A_123 : vector<16xf32>
          %parallel_loop3A_150 = arith.mulf %parallel_loop3A_122, %parallel_loop3A_123 : vector<16xf32>
          %parallel_loop3A_151 = arith.mulf %parallel_loop3A_121, %parallel_loop3A_122 : vector<16xf32>
          %parallel_loop3A_152 = arith.mulf %parallel_loop3A_106, %parallel_loop3A_128 : vector<16xf32>
          %parallel_loop3A_153 = arith.mulf %parallel_loop3A_124, %parallel_loop3A_120 : vector<16xf32>
          %parallel_loop3A_154 = arith.mulf %parallel_loop3A_106, %parallel_loop3A_122 : vector<16xf32>
          %parallel_loop3A_155 = arith.mulf %parallel_loop3A_154, %parallel_loop3A_120 : vector<16xf32>
          %parallel_loop3A_156 = arith.constant 1.000000e+00 : f32
          %parallel_loop3A_157 = vector.broadcast %parallel_loop3A_156 : f32 to vector<16xf32>
          %parallel_loop3A_158 = arith.constant 0 : i32
          %parallel_loop3A_159 = arith.constant 0 : i32
          %parallel_loop3A_160 = arith.index_cast %parallel_loop3A_158 : i32 to index
          %parallel_loop3A_161 = arith.index_cast %parallel_loop3A_159 : i32 to index
          %parallel_loop3A_162 = arith.index_cast %parallel_loop3A_99 : i32 to index
          %parallel_loop3A_163 = tpu.vector_load %arg5[%parallel_loop3A_160, %parallel_loop3A_161, %parallel_loop3A_162] {strides = array<i32>} : memref<2x25x1280xf32, #tpu.memory_space<vmem>>, vector<1x1x16xf32>,
          %parallel_loop3A_164 = vector.shape_cast %parallel_loop3A_163 : vector<1x1x16xf32> to vector<16xf32>
          %parallel_loop3A_165 = vector.shape_cast %parallel_loop3A_157 : vector<16xf32> to vector<1x1x16xf32>
          tpu.vector_store %arg5[%parallel_loop3A_160, %parallel_loop3A_161, %parallel_loop3A_162], %parallel_loop3A_165 {strides = array<i32>} : memref<2x25x1280xf32, #tpu.memory_space<vmem>>, vector<1x1x16xf32>,
          %parallel_loop3A_166 = arith.constant 1.000000e+00 : f32
          %parallel_loop3A_167 = vector.broadcast %parallel_loop3A_166 : f32 to vector<16xf32>
          %parallel_loop3A_168 = arith.mulf %parallel_loop3A_113, %parallel_loop3A_167 : vector<16xf32>
          %parallel_loop3A_169 = arith.constant 0 : i32
          %parallel_loop3A_170 = arith.constant 1 : i32
          %parallel_loop3A_171 = arith.index_cast %parallel_loop3A_169 : i32 to index
          %parallel_loop3A_172 = arith.index_cast %parallel_loop3A_170 : i32 to index
          %parallel_loop3A_173 = arith.index_cast %parallel_loop3A_99 : i32 to index
          %parallel_loop3A_174 = tpu.vector_load %arg5[%parallel_loop3A_171, %parallel_loop3A_172, %parallel_loop3A_173] {strides = array<i32>} : memref<2x25x1280xf32, #tpu.memory_space<vmem>>, vector<1x1x16xf32>,
          %parallel_loop3A_175 = vector.shape_cast %parallel_loop3A_174 : vector<1x1x16xf32> to vector<16xf32>
          %parallel_loop3A_176 = vector.shape_cast %parallel_loop3A_168 : vector<16xf32> to vector<1x1x16xf32>
          tpu.vector_store %arg5[%parallel_loop3A_171, %parallel_loop3A_172, %parallel_loop3A_173], %parallel_loop3A_176 {strides = array<i32>} : memref<2x25x1280xf32, #tpu.memory_space<vmem>>, vector<1x1x16xf32>,
          %parallel_loop3A_177 = arith.constant 1.000000e+00 : f32
          %parallel_loop3A_178 = vector.broadcast %parallel_loop3A_177 : f32 to vector<16xf32>
          %parallel_loop3A_179 = arith.mulf %parallel_loop3A_120, %parallel_loop3A_178 : vector<16xf32>
          %parallel_loop3A_180 = arith.constant 0 : i32
          %parallel_loop3A_181 = arith.constant 2 : i32
          %parallel_loop3A_182 = arith.index_cast %parallel_loop3A_180 : i32 to index
          %parallel_loop3A_183 = arith.index_cast %parallel_loop3A_181 : i32 to index
          %parallel_loop3A_184 = arith.index_cast %parallel_loop3A_99 : i32 to index
          %parallel_loop3A_185 = tpu.vector_load %arg5[%parallel_loop3A_182, %parallel_loop3A_183, %parallel_loop3A_184] {strides = array<i32>} : memref<2x25x1280xf32, #tpu.memory_space<vmem>>, vector<1x1x16xf32>,
          %parallel_loop3A_186 = vector.shape_cast %parallel_loop3A_185 : vector<1x1x16xf32> to vector<16xf32>
          %parallel_loop3A_187 = vector.shape_cast %parallel_loop3A_179 : vector<16xf32> to vector<1x1x16xf32>
          tpu.vector_store %arg5[%parallel_loop3A_182, %parallel_loop3A_183, %parallel_loop3A_184], %parallel_loop3A_187 {strides = array<i32>} : memref<2x25x1280xf32, #tpu.memory_space<vmem>>, vector<1x1x16xf32>,
          %parallel_loop3A_188 = arith.constant 1.000000e+00 : f32
          %parallel_loop3A_189 = vector.broadcast %parallel_loop3A_188 : f32 to vector<16xf32>
          %parallel_loop3A_190 = arith.mulf %parallel_loop3A_106, %parallel_loop3A_189 : vector<16xf32>
          %parallel_loop3A_191 = arith.constant 0 : i32
          %parallel_loop3A_192 = arith.constant 3 : i32
          %parallel_loop3A_193 = arith.index_cast %parallel_loop3A_191 : i32 to index
          %parallel_loop3A_194 = arith.index_cast %parallel_loop3A_192 : i32 to index
          %parallel_loop3A_195 = arith.index_cast %parallel_loop3A_99 : i32 to index
          %parallel_loop3A_196 = tpu.vector_load %arg5[%parallel_loop3A_193, %parallel_loop3A_194, %parallel_loop3A_195] {strides = array<i32>} : memref<2x25x1280xf32, #tpu.memory_space<vmem>>, vector<1x1x16xf32>,
          %parallel_loop3A_197 = vector.shape_cast %parallel_loop3A_196 : vector<1x1x16xf32> to vector<16xf32>
          %parallel_loop3A_198 = vector.shape_cast %parallel_loop3A_190 : vector<16xf32> to vector<1x1x16xf32>
          tpu.vector_store %arg5[%parallel_loop3A_193, %parallel_loop3A_194, %parallel_loop3A_195], %parallel_loop3A_198 {strides = array<i32>} : memref<2x25x1280xf32, #tpu.memory_space<vmem>>, vector<1x1x16xf32>,
          %parallel_loop3A_199 = arith.constant 1.73205078 : f32
          %parallel_loop3A_200 = vector.broadcast %parallel_loop3A_199 : f32 to vector<16xf32>
          %parallel_loop3A_201 = arith.mulf %parallel_loop3A_130, %parallel_loop3A_200 : vector<16xf32>
          %parallel_loop3A_202 = arith.constant 0 : i32
          %parallel_loop3A_203 = arith.constant 4 : i32
          %parallel_loop3A_204 = arith.index_cast %parallel_loop3A_202 : i32 to index
          %parallel_loop3A_205 = arith.index_cast %parallel_loop3A_203 : i32 to index
          %parallel_loop3A_206 = arith.index_cast %parallel_loop3A_99 : i32 to index
          %parallel_loop3A_207 = tpu.vector_load %arg5[%parallel_loop3A_204, %parallel_loop3A_205, %parallel_loop3A_206] {strides = array<i32>} : memref<2x25x1280xf32, #tpu.memory_space<vmem>>, vector<1x1x16xf32>,
          %parallel_loop3A_208 = vector.shape_cast %parallel_loop3A_207 : vector<1x1x16xf32> to vector<16xf32>
          %parallel_loop3A_209 = vector.shape_cast %parallel_loop3A_201 : vector<16xf32> to vector<1x1x16xf32>
          tpu.vector_store %arg5[%parallel_loop3A_204, %parallel_loop3A_205, %parallel_loop3A_206], %parallel_loop3A_209 {strides = array<i32>} : memref<2x25x1280xf32, #tpu.memory_space<vmem>>, vector<1x1x16xf32>,
          %parallel_loop3A_210 = arith.constant 1.73205078 : f32
          %parallel_loop3A_211 = vector.broadcast %parallel_loop3A_210 : f32 to vector<16xf32>
          %parallel_loop3A_212 = arith.mulf %parallel_loop3A_131, %parallel_loop3A_211 : vector<16xf32>
          %parallel_loop3A_213 = arith.constant 0 : i32
          %parallel_loop3A_214 = arith.constant 5 : i32
          %parallel_loop3A_215 = arith.index_cast %parallel_loop3A_213 : i32 to index
          %parallel_loop3A_216 = arith.index_cast %parallel_loop3A_214 : i32 to index
          %parallel_loop3A_217 = arith.index_cast %parallel_loop3A_99 : i32 to index
          %parallel_loop3A_218 = tpu.vector_load %arg5[%parallel_loop3A_215, %parallel_loop3A_216, %parallel_loop3A_217] {strides = array<i32>} : memref<2x25x1280xf32, #tpu.memory_space<vmem>>, vector<1x1x16xf32>,
          %parallel_loop3A_219 = vector.shape_cast %parallel_loop3A_218 : vector<1x1x16xf32> to vector<16xf32>
          %parallel_loop3A_220 = vector.shape_cast %parallel_loop3A_212 : vector<16xf32> to vector<1x1x16xf32>
          tpu.vector_store %arg5[%parallel_loop3A_215, %parallel_loop3A_216, %parallel_loop3A_217], %parallel_loop3A_220 {strides = array<i32>} : memref<2x25x1280xf32, #tpu.memory_space<vmem>>, vector<1x1x16xf32>,
          %parallel_loop3A_221 = arith.constant 1.000000e+00 : f32
          %parallel_loop3A_222 = vector.broadcast %parallel_loop3A_221 : f32 to vector<16xf32>
          %parallel_loop3A_223 = arith.mulf %parallel_loop3A_123, %parallel_loop3A_222 : vector<16xf32>
          %parallel_loop3A_224 = arith.constant -5.000000e-01 : f32
          %parallel_loop3A_225 = vector.broadcast %parallel_loop3A_224 : f32 to vector<16xf32>
          %parallel_loop3A_226 = arith.mulf %parallel_loop3A_121, %parallel_loop3A_225 : vector<16xf32>
          %parallel_loop3A_227 = arith.addf %parallel_loop3A_223, %parallel_loop3A_226 : vector<16xf32>
          %parallel_loop3A_228 = arith.constant -5.000000e-01 : f32
          %parallel_loop3A_229 = vector.broadcast %parallel_loop3A_228 : f32 to vector<16xf32>
          %parallel_loop3A_230 = arith.mulf %parallel_loop3A_122, %parallel_loop3A_229 : vector<16xf32>
          %parallel_loop3A_231 = arith.addf %parallel_loop3A_227, %parallel_loop3A_230 : vector<16xf32>
          %parallel_loop3A_232 = arith.constant 0 : i32
          %parallel_loop3A_233 = arith.constant 6 : i32
          %parallel_loop3A_234 = arith.index_cast %parallel_loop3A_232 : i32 to index
          %parallel_loop3A_235 = arith.index_cast %parallel_loop3A_233 : i32 to index
          %parallel_loop3A_236 = arith.index_cast %parallel_loop3A_99 : i32 to index
          %parallel_loop3A_237 = tpu.vector_load %arg5[%parallel_loop3A_234, %parallel_loop3A_235, %parallel_loop3A_236] {strides = array<i32>} : memref<2x25x1280xf32, #tpu.memory_space<vmem>>, vector<1x1x16xf32>,
          %parallel_loop3A_238 = vector.shape_cast %parallel_loop3A_237 : vector<1x1x16xf32> to vector<16xf32>
          %parallel_loop3A_239 = vector.shape_cast %parallel_loop3A_231 : vector<16xf32> to vector<1x1x16xf32>
          tpu.vector_store %arg5[%parallel_loop3A_234, %parallel_loop3A_235, %parallel_loop3A_236], %parallel_loop3A_239 {strides = array<i32>} : memref<2x25x1280xf32, #tpu.memory_space<vmem>>, vector<1x1x16xf32>,
          %parallel_loop3A_240 = arith.constant 1.73205078 : f32
          %parallel_loop3A_241 = vector.broadcast %parallel_loop3A_240 : f32 to vector<16xf32>
          %parallel_loop3A_242 = arith.mulf %parallel_loop3A_132, %parallel_loop3A_241 : vector<16xf32>
          %parallel_loop3A_243 = arith.constant 0 : i32
          %parallel_loop3A_244 = arith.constant 7 : i32
          %parallel_loop3A_245 = arith.index_cast %parallel_loop3A_243 : i32 to index
          %parallel_loop3A_246 = arith.index_cast %parallel_loop3A_244 : i32 to index
          %parallel_loop3A_247 = arith.index_cast %parallel_loop3A_99 : i32 to index
          %parallel_loop3A_248 = tpu.vector_load %arg5[%parallel_loop3A_245, %parallel_loop3A_246, %parallel_loop3A_247] {strides = array<i32>} : memref<2x25x1280xf32, #tpu.memory_space<vmem>>, vector<1x1x16xf32>,
          %parallel_loop3A_249 = vector.shape_cast %parallel_loop3A_248 : vector<1x1x16xf32> to vector<16xf32>
          %parallel_loop3A_250 = vector.shape_cast %parallel_loop3A_242 : vector<16xf32> to vector<1x1x16xf32>
          tpu.vector_store %arg5[%parallel_loop3A_245, %parallel_loop3A_246, %parallel_loop3A_247], %parallel_loop3A_250 {strides = array<i32>} : memref<2x25x1280xf32, #tpu.memory_space<vmem>>, vector<1x1x16xf32>,
          %parallel_loop3A_251 = arith.constant 0.866025388 : f32
          %parallel_loop3A_252 = vector.broadcast %parallel_loop3A_251 : f32 to vector<16xf32>
          %parallel_loop3A_253 = arith.mulf %parallel_loop3A_121, %parallel_loop3A_252 : vector<16xf32>
          %parallel_loop3A_254 = arith.constant -0.866025388 : f32
          %parallel_loop3A_255 = vector.broadcast %parallel_loop3A_254 : f32 to vector<16xf32>
          %parallel_loop3A_256 = arith.mulf %parallel_loop3A_122, %parallel_loop3A_255 : vector<16xf32>
          %parallel_loop3A_257 = arith.addf %parallel_loop3A_253, %parallel_loop3A_256 : vector<16xf32>
          %parallel_loop3A_258 = arith.constant 0 : i32
          %parallel_loop3A_259 = arith.constant 8 : i32
          %parallel_loop3A_260 = arith.index_cast %parallel_loop3A_258 : i32 to index
          %parallel_loop3A_261 = arith.index_cast %parallel_loop3A_259 : i32 to index
          %parallel_loop3A_262 = arith.index_cast %parallel_loop3A_99 : i32 to index
          %parallel_loop3A_263 = tpu.vector_load %arg5[%parallel_loop3A_260, %parallel_loop3A_261, %parallel_loop3A_262] {strides = array<i32>} : memref<2x25x1280xf32, #tpu.memory_space<vmem>>, vector<1x1x16xf32>,
          %parallel_loop3A_264 = vector.shape_cast %parallel_loop3A_263 : vector<1x1x16xf32> to vector<16xf32>
          %parallel_loop3A_265 = vector.shape_cast %parallel_loop3A_257 : vector<16xf32> to vector<1x1x16xf32>
          tpu.vector_store %arg5[%parallel_loop3A_260, %parallel_loop3A_261, %parallel_loop3A_262], %parallel_loop3A_265 {strides = array<i32>} : memref<2x25x1280xf32, #tpu.memory_space<vmem>>, vector<1x1x16xf32>,
          %parallel_loop3A_266 = arith.constant 2.37170815 : f32
          %parallel_loop3A_267 = vector.broadcast %parallel_loop3A_266 : f32 to vector<16xf32>
          %parallel_loop3A_268 = arith.mulf %parallel_loop3A_133, %parallel_loop3A_267 : vector<16xf32>
          %parallel_loop3A_269 = arith.constant -0.790569424 : f32
          %parallel_loop3A_270 = vector.broadcast %parallel_loop3A_269 : f32 to vector<16xf32>
          %parallel_loop3A_271 = arith.mulf %parallel_loop3A_126, %parallel_loop3A_270 : vector<16xf32>
          %parallel_loop3A_272 = arith.addf %parallel_loop3A_268, %parallel_loop3A_271 : vector<16xf32>
          %parallel_loop3A_273 = arith.constant 0 : i32
          %parallel_loop3A_274 = arith.constant 9 : i32
          %parallel_loop3A_275 = arith.index_cast %parallel_loop3A_273 : i32 to index
          %parallel_loop3A_276 = arith.index_cast %parallel_loop3A_274 : i32 to index
          %parallel_loop3A_277 = arith.index_cast %parallel_loop3A_99 : i32 to index
          %parallel_loop3A_278 = tpu.vector_load %arg5[%parallel_loop3A_275, %parallel_loop3A_276, %parallel_loop3A_277] {strides = array<i32>} : memref<2x25x1280xf32, #tpu.memory_space<vmem>>, vector<1x1x16xf32>,
          %parallel_loop3A_279 = vector.shape_cast %parallel_loop3A_278 : vector<1x1x16xf32> to vector<16xf32>
          %parallel_loop3A_280 = vector.shape_cast %parallel_loop3A_272 : vector<16xf32> to vector<1x1x16xf32>
          tpu.vector_store %arg5[%parallel_loop3A_275, %parallel_loop3A_276, %parallel_loop3A_277], %parallel_loop3A_280 {strides = array<i32>} : memref<2x25x1280xf32, #tpu.memory_space<vmem>>, vector<1x1x16xf32>,
          %parallel_loop3A_281 = arith.constant 3.87298346 : f32
          %parallel_loop3A_282 = vector.broadcast %parallel_loop3A_281 : f32 to vector<16xf32>
          %parallel_loop3A_283 = arith.mulf %parallel_loop3A_135, %parallel_loop3A_282 : vector<16xf32>
          %parallel_loop3A_284 = arith.constant 0 : i32
          %parallel_loop3A_285 = arith.constant 10 : i32
          %parallel_loop3A_286 = arith.index_cast %parallel_loop3A_284 : i32 to index
          %parallel_loop3A_287 = arith.index_cast %parallel_loop3A_285 : i32 to index
          %parallel_loop3A_288 = arith.index_cast %parallel_loop3A_99 : i32 to index
          %parallel_loop3A_289 = tpu.vector_load %arg5[%parallel_loop3A_286, %parallel_loop3A_287, %parallel_loop3A_288] {strides = array<i32>} : memref<2x25x1280xf32, #tpu.memory_space<vmem>>, vector<1x1x16xf32>,
          %parallel_loop3A_290 = vector.shape_cast %parallel_loop3A_289 : vector<1x1x16xf32> to vector<16xf32>
          %parallel_loop3A_291 = vector.shape_cast %parallel_loop3A_283 : vector<16xf32> to vector<1x1x16xf32>
          tpu.vector_store %arg5[%parallel_loop3A_286, %parallel_loop3A_287, %parallel_loop3A_288], %parallel_loop3A_291 {strides = array<i32>} : memref<2x25x1280xf32, #tpu.memory_space<vmem>>, vector<1x1x16xf32>,
          %parallel_loop3A_292 = arith.constant 2.44948983 : f32
          %parallel_loop3A_293 = vector.broadcast %parallel_loop3A_292 : f32 to vector<16xf32>
          %parallel_loop3A_294 = arith.mulf %parallel_loop3A_136, %parallel_loop3A_293 : vector<16xf32>
          %parallel_loop3A_295 = arith.constant -0.612372457 : f32
          %parallel_loop3A_296 = vector.broadcast %parallel_loop3A_295 : f32 to vector<16xf32>
          %parallel_loop3A_297 = arith.mulf %parallel_loop3A_133, %parallel_loop3A_296 : vector<16xf32>
          %parallel_loop3A_298 = arith.addf %parallel_loop3A_294, %parallel_loop3A_297 : vector<16xf32>
          %parallel_loop3A_299 = arith.constant -0.612372457 : f32
          %parallel_loop3A_300 = vector.broadcast %parallel_loop3A_299 : f32 to vector<16xf32>
          %parallel_loop3A_301 = arith.mulf %parallel_loop3A_126, %parallel_loop3A_300 : vector<16xf32>
          %parallel_loop3A_302 = arith.addf %parallel_loop3A_298, %parallel_loop3A_301 : vector<16xf32>
          %parallel_loop3A_303 = arith.constant 0 : i32
          %parallel_loop3A_304 = arith.constant 11 : i32
          %parallel_loop3A_305 = arith.index_cast %parallel_loop3A_303 : i32 to index
          %parallel_loop3A_306 = arith.index_cast %parallel_loop3A_304 : i32 to index
          %parallel_loop3A_307 = arith.index_cast %parallel_loop3A_99 : i32 to index
          %parallel_loop3A_308 = tpu.vector_load %arg5[%parallel_loop3A_305, %parallel_loop3A_306, %parallel_loop3A_307] {strides = array<i32>} : memref<2x25x1280xf32, #tpu.memory_space<vmem>>, vector<1x1x16xf32>,
          %parallel_loop3A_309 = vector.shape_cast %parallel_loop3A_308 : vector<1x1x16xf32> to vector<16xf32>
          %parallel_loop3A_310 = vector.shape_cast %parallel_loop3A_302 : vector<16xf32> to vector<1x1x16xf32>
          tpu.vector_store %arg5[%parallel_loop3A_305, %parallel_loop3A_306, %parallel_loop3A_307], %parallel_loop3A_310 {strides = array<i32>} : memref<2x25x1280xf32, #tpu.memory_space<vmem>>, vector<1x1x16xf32>,
          %parallel_loop3A_311 = arith.constant 1.000000e+00 : f32
          %parallel_loop3A_312 = vector.broadcast %parallel_loop3A_311 : f32 to vector<16xf32>
          %parallel_loop3A_313 = arith.mulf %parallel_loop3A_128, %parallel_loop3A_312 : vector<16xf32>
          %parallel_loop3A_314 = arith.constant -1.500000e+00 : f32
          %parallel_loop3A_315 = vector.broadcast %parallel_loop3A_314 : f32 to vector<16xf32>
          %parallel_loop3A_316 = arith.mulf %parallel_loop3A_137, %parallel_loop3A_315 : vector<16xf32>
          %parallel_loop3A_317 = arith.addf %parallel_loop3A_313, %parallel_loop3A_316 : vector<16xf32>
          %parallel_loop3A_318 = arith.constant -1.500000e+00 : f32
          %parallel_loop3A_319 = vector.broadcast %parallel_loop3A_318 : f32 to vector<16xf32>
          %parallel_loop3A_320 = arith.mulf %parallel_loop3A_138, %parallel_loop3A_319 : vector<16xf32>
          %parallel_loop3A_321 = arith.addf %parallel_loop3A_317, %parallel_loop3A_320 : vector<16xf32>
          %parallel_loop3A_322 = arith.constant 0 : i32
          %parallel_loop3A_323 = arith.constant 12 : i32
          %parallel_loop3A_324 = arith.index_cast %parallel_loop3A_322 : i32 to index
          %parallel_loop3A_325 = arith.index_cast %parallel_loop3A_323 : i32 to index
          %parallel_loop3A_326 = arith.index_cast %parallel_loop3A_99 : i32 to index
          %parallel_loop3A_327 = tpu.vector_load %arg5[%parallel_loop3A_324, %parallel_loop3A_325, %parallel_loop3A_326] {strides = array<i32>} : memref<2x25x1280xf32, #tpu.memory_space<vmem>>, vector<1x1x16xf32>,
          %parallel_loop3A_328 = vector.shape_cast %parallel_loop3A_327 : vector<1x1x16xf32> to vector<16xf32>
          %parallel_loop3A_329 = vector.shape_cast %parallel_loop3A_321 : vector<16xf32> to vector<1x1x16xf32>
          tpu.vector_store %arg5[%parallel_loop3A_324, %parallel_loop3A_325, %parallel_loop3A_326], %parallel_loop3A_329 {strides = array<i32>} : memref<2x25x1280xf32, #tpu.memory_space<vmem>>, vector<1x1x16xf32>,
          %parallel_loop3A_330 = arith.constant 2.44948983 : f32
          %parallel_loop3A_331 = vector.broadcast %parallel_loop3A_330 : f32 to vector<16xf32>
          %parallel_loop3A_332 = arith.mulf %parallel_loop3A_139, %parallel_loop3A_331 : vector<16xf32>
          %parallel_loop3A_333 = arith.constant -0.612372457 : f32
          %parallel_loop3A_334 = vector.broadcast %parallel_loop3A_333 : f32 to vector<16xf32>
          %parallel_loop3A_335 = arith.mulf %parallel_loop3A_124, %parallel_loop3A_334 : vector<16xf32>
          %parallel_loop3A_336 = arith.addf %parallel_loop3A_332, %parallel_loop3A_335 : vector<16xf32>
          %parallel_loop3A_337 = arith.constant -0.612372457 : f32
          %parallel_loop3A_338 = vector.broadcast %parallel_loop3A_337 : f32 to vector<16xf32>
          %parallel_loop3A_339 = arith.mulf %parallel_loop3A_140, %parallel_loop3A_338 : vector<16xf32>
          %parallel_loop3A_340 = arith.addf %parallel_loop3A_336, %parallel_loop3A_339 : vector<16xf32>
          %parallel_loop3A_341 = arith.constant 0 : i32
          %parallel_loop3A_342 = arith.constant 13 : i32
          %parallel_loop3A_343 = arith.index_cast %parallel_loop3A_341 : i32 to index
          %parallel_loop3A_344 = arith.index_cast %parallel_loop3A_342 : i32 to index
          %parallel_loop3A_345 = arith.index_cast %parallel_loop3A_99 : i32 to index
          %parallel_loop3A_346 = tpu.vector_load %arg5[%parallel_loop3A_343, %parallel_loop3A_344, %parallel_loop3A_345] {strides = array<i32>} : memref<2x25x1280xf32, #tpu.memory_space<vmem>>, vector<1x1x16xf32>,
          %parallel_loop3A_347 = vector.shape_cast %parallel_loop3A_346 : vector<1x1x16xf32> to vector<16xf32>
          %parallel_loop3A_348 = vector.shape_cast %parallel_loop3A_340 : vector<16xf32> to vector<1x1x16xf32>
          tpu.vector_store %arg5[%parallel_loop3A_343, %parallel_loop3A_344, %parallel_loop3A_345], %parallel_loop3A_348 {strides = array<i32>} : memref<2x25x1280xf32, #tpu.memory_space<vmem>>, vector<1x1x16xf32>,
          %parallel_loop3A_349 = arith.constant 1.93649173 : f32
          %parallel_loop3A_350 = vector.broadcast %parallel_loop3A_349 : f32 to vector<16xf32>
          %parallel_loop3A_351 = arith.mulf %parallel_loop3A_137, %parallel_loop3A_350 : vector<16xf32>
          %parallel_loop3A_352 = arith.constant -1.93649173 : f32
          %parallel_loop3A_353 = vector.broadcast %parallel_loop3A_352 : f32 to vector<16xf32>
          %parallel_loop3A_354 = arith.mulf %parallel_loop3A_138, %parallel_loop3A_353 : vector<16xf32>
          %parallel_loop3A_355 = arith.addf %parallel_loop3A_351, %parallel_loop3A_354 : vector<16xf32>
          %parallel_loop3A_356 = arith.constant 0 : i32
          %parallel_loop3A_357 = arith.constant 14 : i32
          %parallel_loop3A_358 = arith.index_cast %parallel_loop3A_356 : i32 to index
          %parallel_loop3A_359 = arith.index_cast %parallel_loop3A_357 : i32 to index
          %parallel_loop3A_360 = arith.index_cast %parallel_loop3A_99 : i32 to index
          %parallel_loop3A_361 = tpu.vector_load %arg5[%parallel_loop3A_358, %parallel_loop3A_359, %parallel_loop3A_360] {strides = array<i32>} : memref<2x25x1280xf32, #tpu.memory_space<vmem>>, vector<1x1x16xf32>,
          %parallel_loop3A_362 = vector.shape_cast %parallel_loop3A_361 : vector<1x1x16xf32> to vector<16xf32>
          %parallel_loop3A_363 = vector.shape_cast %parallel_loop3A_355 : vector<16xf32> to vector<1x1x16xf32>
          tpu.vector_store %arg5[%parallel_loop3A_358, %parallel_loop3A_359, %parallel_loop3A_360], %parallel_loop3A_363 {strides = array<i32>} : memref<2x25x1280xf32, #tpu.memory_space<vmem>>, vector<1x1x16xf32>,
          %parallel_loop3A_364 = arith.constant 0.790569424 : f32
          %parallel_loop3A_365 = vector.broadcast %parallel_loop3A_364 : f32 to vector<16xf32>
          %parallel_loop3A_366 = arith.mulf %parallel_loop3A_124, %parallel_loop3A_365 : vector<16xf32>
          %parallel_loop3A_367 = arith.constant -2.37170815 : f32
          %parallel_loop3A_368 = vector.broadcast %parallel_loop3A_367 : f32 to vector<16xf32>
          %parallel_loop3A_369 = arith.mulf %parallel_loop3A_140, %parallel_loop3A_368 : vector<16xf32>
          %parallel_loop3A_370 = arith.addf %parallel_loop3A_366, %parallel_loop3A_369 : vector<16xf32>
          %parallel_loop3A_371 = arith.constant 0 : i32
          %parallel_loop3A_372 = arith.constant 15 : i32
          %parallel_loop3A_373 = arith.index_cast %parallel_loop3A_371 : i32 to index
          %parallel_loop3A_374 = arith.index_cast %parallel_loop3A_372 : i32 to index
          %parallel_loop3A_375 = arith.index_cast %parallel_loop3A_99 : i32 to index
          %parallel_loop3A_376 = tpu.vector_load %arg5[%parallel_loop3A_373, %parallel_loop3A_374, %parallel_loop3A_375] {strides = array<i32>} : memref<2x25x1280xf32, #tpu.memory_space<vmem>>, vector<1x1x16xf32>,
          %parallel_loop3A_377 = vector.shape_cast %parallel_loop3A_376 : vector<1x1x16xf32> to vector<16xf32>
          %parallel_loop3A_378 = vector.shape_cast %parallel_loop3A_370 : vector<16xf32> to vector<1x1x16xf32>
          tpu.vector_store %arg5[%parallel_loop3A_373, %parallel_loop3A_374, %parallel_loop3A_375], %parallel_loop3A_378 {strides = array<i32>} : memref<2x25x1280xf32, #tpu.memory_space<vmem>>, vector<1x1x16xf32>,
          %parallel_loop3A_379 = arith.constant 2.958040e+00 : f32
          %parallel_loop3A_380 = vector.broadcast %parallel_loop3A_379 : f32 to vector<16xf32>
          %parallel_loop3A_381 = arith.mulf %parallel_loop3A_141, %parallel_loop3A_380 : vector<16xf32>
          %parallel_loop3A_382 = arith.constant -2.958040e+00 : f32
          %parallel_loop3A_383 = vector.broadcast %parallel_loop3A_382 : f32 to vector<16xf32>
          %parallel_loop3A_384 = arith.mulf %parallel_loop3A_142, %parallel_loop3A_383 : vector<16xf32>
          %parallel_loop3A_385 = arith.addf %parallel_loop3A_381, %parallel_loop3A_384 : vector<16xf32>
          %parallel_loop3A_386 = arith.constant 0 : i32
          %parallel_loop3A_387 = arith.constant 16 : i32
          %parallel_loop3A_388 = arith.index_cast %parallel_loop3A_386 : i32 to index
          %parallel_loop3A_389 = arith.index_cast %parallel_loop3A_387 : i32 to index
          %parallel_loop3A_390 = arith.index_cast %parallel_loop3A_99 : i32 to index
          %parallel_loop3A_391 = tpu.vector_load %arg5[%parallel_loop3A_388, %parallel_loop3A_389, %parallel_loop3A_390] {strides = array<i32>} : memref<2x25x1280xf32, #tpu.memory_space<vmem>>, vector<1x1x16xf32>,
          %parallel_loop3A_392 = vector.shape_cast %parallel_loop3A_391 : vector<1x1x16xf32> to vector<16xf32>
          %parallel_loop3A_393 = vector.shape_cast %parallel_loop3A_385 : vector<16xf32> to vector<1x1x16xf32>
          tpu.vector_store %arg5[%parallel_loop3A_388, %parallel_loop3A_389, %parallel_loop3A_390], %parallel_loop3A_393 {strides = array<i32>} : memref<2x25x1280xf32, #tpu.memory_space<vmem>>, vector<1x1x16xf32>,
          %parallel_loop3A_394 = arith.constant 6.274950e+00 : f32
          %parallel_loop3A_395 = vector.broadcast %parallel_loop3A_394 : f32 to vector<16xf32>
          %parallel_loop3A_396 = arith.mulf %parallel_loop3A_144, %parallel_loop3A_395 : vector<16xf32>
          %parallel_loop3A_397 = arith.constant -2.091650e+00 : f32
          %parallel_loop3A_398 = vector.broadcast %parallel_loop3A_397 : f32 to vector<16xf32>
          %parallel_loop3A_399 = arith.mulf %parallel_loop3A_145, %parallel_loop3A_398 : vector<16xf32>
          %parallel_loop3A_400 = arith.addf %parallel_loop3A_396, %parallel_loop3A_399 : vector<16xf32>
          %parallel_loop3A_401 = arith.constant 0 : i32
          %parallel_loop3A_402 = arith.constant 17 : i32
          %parallel_loop3A_403 = arith.index_cast %parallel_loop3A_401 : i32 to index
          %parallel_loop3A_404 = arith.index_cast %parallel_loop3A_402 : i32 to index
          %parallel_loop3A_405 = arith.index_cast %parallel_loop3A_99 : i32 to index
          %parallel_loop3A_406 = tpu.vector_load %arg5[%parallel_loop3A_403, %parallel_loop3A_404, %parallel_loop3A_405] {strides = array<i32>} : memref<2x25x1280xf32, #tpu.memory_space<vmem>>, vector<1x1x16xf32>,
          %parallel_loop3A_407 = vector.shape_cast %parallel_loop3A_406 : vector<1x1x16xf32> to vector<16xf32>
          %parallel_loop3A_408 = vector.shape_cast %parallel_loop3A_400 : vector<16xf32> to vector<1x1x16xf32>
          tpu.vector_store %arg5[%parallel_loop3A_403, %parallel_loop3A_404, %parallel_loop3A_405], %parallel_loop3A_408 {strides = array<i32>} : memref<2x25x1280xf32, #tpu.memory_space<vmem>>, vector<1x1x16xf32>,
          %parallel_loop3A_409 = arith.constant 6.70820379 : f32
          %parallel_loop3A_410 = vector.broadcast %parallel_loop3A_409 : f32 to vector<16xf32>
          %parallel_loop3A_411 = arith.mulf %parallel_loop3A_147, %parallel_loop3A_410 : vector<16xf32>
          %parallel_loop3A_412 = arith.constant -1.11803401 : f32
          %parallel_loop3A_413 = vector.broadcast %parallel_loop3A_412 : f32 to vector<16xf32>
          %parallel_loop3A_414 = arith.mulf %parallel_loop3A_141, %parallel_loop3A_413 : vector<16xf32>
          %parallel_loop3A_415 = arith.addf %parallel_loop3A_411, %parallel_loop3A_414 : vector<16xf32>
          %parallel_loop3A_416 = arith.constant -1.11803401 : f32
          %parallel_loop3A_417 = vector.broadcast %parallel_loop3A_416 : f32 to vector<16xf32>
          %parallel_loop3A_418 = arith.mulf %parallel_loop3A_142, %parallel_loop3A_417 : vector<16xf32>
          %parallel_loop3A_419 = arith.addf %parallel_loop3A_415, %parallel_loop3A_418 : vector<16xf32>
          %parallel_loop3A_420 = arith.constant 0 : i32
          %parallel_loop3A_421 = arith.constant 18 : i32
          %parallel_loop3A_422 = arith.index_cast %parallel_loop3A_420 : i32 to index
          %parallel_loop3A_423 = arith.index_cast %parallel_loop3A_421 : i32 to index
          %parallel_loop3A_424 = arith.index_cast %parallel_loop3A_99 : i32 to index
          %parallel_loop3A_425 = tpu.vector_load %arg5[%parallel_loop3A_422, %parallel_loop3A_423, %parallel_loop3A_424] {strides = array<i32>} : memref<2x25x1280xf32, #tpu.memory_space<vmem>>, vector<1x1x16xf32>,
          %parallel_loop3A_426 = vector.shape_cast %parallel_loop3A_425 : vector<1x1x16xf32> to vector<16xf32>
          %parallel_loop3A_427 = vector.shape_cast %parallel_loop3A_419 : vector<16xf32> to vector<1x1x16xf32>
          tpu.vector_store %arg5[%parallel_loop3A_422, %parallel_loop3A_423, %parallel_loop3A_424], %parallel_loop3A_427 {strides = array<i32>} : memref<2x25x1280xf32, #tpu.memory_space<vmem>>, vector<1x1x16xf32>,
          %parallel_loop3A_428 = arith.constant 3.1622777 : f32
          %parallel_loop3A_429 = vector.broadcast %parallel_loop3A_428 : f32 to vector<16xf32>
          %parallel_loop3A_430 = arith.mulf %parallel_loop3A_148, %parallel_loop3A_429 : vector<16xf32>
          %parallel_loop3A_431 = arith.constant -2.37170815 : f32
          %parallel_loop3A_432 = vector.broadcast %parallel_loop3A_431 : f32 to vector<16xf32>
          %parallel_loop3A_433 = arith.mulf %parallel_loop3A_144, %parallel_loop3A_432 : vector<16xf32>
          %parallel_loop3A_434 = arith.addf %parallel_loop3A_430, %parallel_loop3A_433 : vector<16xf32>
          %parallel_loop3A_435 = arith.constant -2.37170815 : f32
          %parallel_loop3A_436 = vector.broadcast %parallel_loop3A_435 : f32 to vector<16xf32>
          %parallel_loop3A_437 = arith.mulf %parallel_loop3A_145, %parallel_loop3A_436 : vector<16xf32>
          %parallel_loop3A_438 = arith.addf %parallel_loop3A_434, %parallel_loop3A_437 : vector<16xf32>
          %parallel_loop3A_439 = arith.constant 0 : i32
          %parallel_loop3A_440 = arith.constant 19 : i32
          %parallel_loop3A_441 = arith.index_cast %parallel_loop3A_439 : i32 to index
          %parallel_loop3A_442 = arith.index_cast %parallel_loop3A_440 : i32 to index
          %parallel_loop3A_443 = arith.index_cast %parallel_loop3A_99 : i32 to index
          %parallel_loop3A_444 = tpu.vector_load %arg5[%parallel_loop3A_441, %parallel_loop3A_442, %parallel_loop3A_443] {strides = array<i32>} : memref<2x25x1280xf32, #tpu.memory_space<vmem>>, vector<1x1x16xf32>,
          %parallel_loop3A_445 = vector.shape_cast %parallel_loop3A_444 : vector<1x1x16xf32> to vector<16xf32>
          %parallel_loop3A_446 = vector.shape_cast %parallel_loop3A_438 : vector<16xf32> to vector<1x1x16xf32>
          tpu.vector_store %arg5[%parallel_loop3A_441, %parallel_loop3A_442, %parallel_loop3A_443], %parallel_loop3A_446 {strides = array<i32>} : memref<2x25x1280xf32, #tpu.memory_space<vmem>>, vector<1x1x16xf32>,
          %parallel_loop3A_447 = arith.constant 1.000000e+00 : f32
          %parallel_loop3A_448 = vector.broadcast %parallel_loop3A_447 : f32 to vector<16xf32>
          %parallel_loop3A_449 = arith.mulf %parallel_loop3A_129, %parallel_loop3A_448 : vector<16xf32>
          %parallel_loop3A_450 = arith.constant -3.000000e+00 : f32
          %parallel_loop3A_451 = vector.broadcast %parallel_loop3A_450 : f32 to vector<16xf32>
          %parallel_loop3A_452 = arith.mulf %parallel_loop3A_149, %parallel_loop3A_451 : vector<16xf32>
          %parallel_loop3A_453 = arith.addf %parallel_loop3A_449, %parallel_loop3A_452 : vector<16xf32>
          %parallel_loop3A_454 = arith.constant -3.000000e+00 : f32
          %parallel_loop3A_455 = vector.broadcast %parallel_loop3A_454 : f32 to vector<16xf32>
          %parallel_loop3A_456 = arith.mulf %parallel_loop3A_150, %parallel_loop3A_455 : vector<16xf32>
          %parallel_loop3A_457 = arith.addf %parallel_loop3A_453, %parallel_loop3A_456 : vector<16xf32>
          %parallel_loop3A_458 = arith.constant 3.750000e-01 : f32
          %parallel_loop3A_459 = vector.broadcast %parallel_loop3A_458 : f32 to vector<16xf32>
          %parallel_loop3A_460 = arith.mulf %parallel_loop3A_125, %parallel_loop3A_459 : vector<16xf32>
          %parallel_loop3A_461 = arith.addf %parallel_loop3A_457, %parallel_loop3A_460 : vector<16xf32>
          %parallel_loop3A_462 = arith.constant 7.500000e-01 : f32
          %parallel_loop3A_463 = vector.broadcast %parallel_loop3A_462 : f32 to vector<16xf32>
          %parallel_loop3A_464 = arith.mulf %parallel_loop3A_151, %parallel_loop3A_463 : vector<16xf32>
          %parallel_loop3A_465 = arith.addf %parallel_loop3A_461, %parallel_loop3A_464 : vector<16xf32>
          %parallel_loop3A_466 = arith.constant 3.750000e-01 : f32
          %parallel_loop3A_467 = vector.broadcast %parallel_loop3A_466 : f32 to vector<16xf32>
          %parallel_loop3A_468 = arith.mulf %parallel_loop3A_127, %parallel_loop3A_467 : vector<16xf32>
          %parallel_loop3A_469 = arith.addf %parallel_loop3A_465, %parallel_loop3A_468 : vector<16xf32>
          %parallel_loop3A_470 = arith.constant 0 : i32
          %parallel_loop3A_471 = arith.constant 20 : i32
          %parallel_loop3A_472 = arith.index_cast %parallel_loop3A_470 : i32 to index
          %parallel_loop3A_473 = arith.index_cast %parallel_loop3A_471 : i32 to index
          %parallel_loop3A_474 = arith.index_cast %parallel_loop3A_99 : i32 to index
          %parallel_loop3A_475 = tpu.vector_load %arg5[%parallel_loop3A_472, %parallel_loop3A_473, %parallel_loop3A_474] {strides = array<i32>} : memref<2x25x1280xf32, #tpu.memory_space<vmem>>, vector<1x1x16xf32>,
          %parallel_loop3A_476 = vector.shape_cast %parallel_loop3A_475 : vector<1x1x16xf32> to vector<16xf32>
          %parallel_loop3A_477 = vector.shape_cast %parallel_loop3A_469 : vector<16xf32> to vector<1x1x16xf32>
          tpu.vector_store %arg5[%parallel_loop3A_472, %parallel_loop3A_473, %parallel_loop3A_474], %parallel_loop3A_477 {strides = array<i32>} : memref<2x25x1280xf32, #tpu.memory_space<vmem>>, vector<1x1x16xf32>,
          %parallel_loop3A_478 = arith.constant 3.1622777 : f32
          %parallel_loop3A_479 = vector.broadcast %parallel_loop3A_478 : f32 to vector<16xf32>
          %parallel_loop3A_480 = arith.mulf %parallel_loop3A_152, %parallel_loop3A_479 : vector<16xf32>
          %parallel_loop3A_481 = arith.constant -2.37170815 : f32
          %parallel_loop3A_482 = vector.broadcast %parallel_loop3A_481 : f32 to vector<16xf32>
          %parallel_loop3A_483 = arith.mulf %parallel_loop3A_153, %parallel_loop3A_482 : vector<16xf32>
          %parallel_loop3A_484 = arith.addf %parallel_loop3A_480, %parallel_loop3A_483 : vector<16xf32>
          %parallel_loop3A_485 = arith.constant -2.37170815 : f32
          %parallel_loop3A_486 = vector.broadcast %parallel_loop3A_485 : f32 to vector<16xf32>
          %parallel_loop3A_487 = arith.mulf %parallel_loop3A_155, %parallel_loop3A_486 : vector<16xf32>
          %parallel_loop3A_488 = arith.addf %parallel_loop3A_484, %parallel_loop3A_487 : vector<16xf32>
          %parallel_loop3A_489 = arith.constant 0 : i32
          %parallel_loop3A_490 = arith.constant 21 : i32
          %parallel_loop3A_491 = arith.index_cast %parallel_loop3A_489 : i32 to index
          %parallel_loop3A_492 = arith.index_cast %parallel_loop3A_490 : i32 to index
          %parallel_loop3A_493 = arith.index_cast %parallel_loop3A_99 : i32 to index
          %parallel_loop3A_494 = tpu.vector_load %arg5[%parallel_loop3A_491, %parallel_loop3A_492, %parallel_loop3A_493] {strides = array<i32>} : memref<2x25x1280xf32, #tpu.memory_space<vmem>>, vector<1x1x16xf32>,
          %parallel_loop3A_495 = vector.shape_cast %parallel_loop3A_494 : vector<1x1x16xf32> to vector<16xf32>
          %parallel_loop3A_496 = vector.shape_cast %parallel_loop3A_488 : vector<16xf32> to vector<1x1x16xf32>
          tpu.vector_store %arg5[%parallel_loop3A_491, %parallel_loop3A_492, %parallel_loop3A_493], %parallel_loop3A_496 {strides = array<i32>} : memref<2x25x1280xf32, #tpu.memory_space<vmem>>, vector<1x1x16xf32>,
          %parallel_loop3A_497 = arith.constant 3.3541019 : f32
          %parallel_loop3A_498 = vector.broadcast %parallel_loop3A_497 : f32 to vector<16xf32>
          %parallel_loop3A_499 = arith.mulf %parallel_loop3A_149, %parallel_loop3A_498 : vector<16xf32>
          %parallel_loop3A_500 = arith.constant -3.3541019 : f32
          %parallel_loop3A_501 = vector.broadcast %parallel_loop3A_500 : f32 to vector<16xf32>
          %parallel_loop3A_502 = arith.mulf %parallel_loop3A_150, %parallel_loop3A_501 : vector<16xf32>
          %parallel_loop3A_503 = arith.addf %parallel_loop3A_499, %parallel_loop3A_502 : vector<16xf32>
          %parallel_loop3A_504 = arith.constant -5.590170e-01 : f32
          %parallel_loop3A_505 = vector.broadcast %parallel_loop3A_504 : f32 to vector<16xf32>
          %parallel_loop3A_506 = arith.mulf %parallel_loop3A_125, %parallel_loop3A_505 : vector<16xf32>
          %parallel_loop3A_507 = arith.addf %parallel_loop3A_503, %parallel_loop3A_506 : vector<16xf32>
          %parallel_loop3A_508 = arith.constant 0.000000e+00 : f32
          %parallel_loop3A_509 = vector.broadcast %parallel_loop3A_508 : f32 to vector<16xf32>
          %parallel_loop3A_510 = arith.mulf %parallel_loop3A_151, %parallel_loop3A_509 : vector<16xf32>
          %parallel_loop3A_511 = arith.addf %parallel_loop3A_507, %parallel_loop3A_510 : vector<16xf32>
          %parallel_loop3A_512 = arith.constant 5.590170e-01 : f32
          %parallel_loop3A_513 = vector.broadcast %parallel_loop3A_512 : f32 to vector<16xf32>
          %parallel_loop3A_514 = arith.mulf %parallel_loop3A_127, %parallel_loop3A_513 : vector<16xf32>
          %parallel_loop3A_515 = arith.addf %parallel_loop3A_511, %parallel_loop3A_514 : vector<16xf32>
          %parallel_loop3A_516 = arith.constant 0 : i32
          %parallel_loop3A_517 = arith.constant 22 : i32
          %parallel_loop3A_518 = arith.index_cast %parallel_loop3A_516 : i32 to index
          %parallel_loop3A_519 = arith.index_cast %parallel_loop3A_517 : i32 to index
          %parallel_loop3A_520 = arith.index_cast %parallel_loop3A_99 : i32 to index
          %parallel_loop3A_521 = tpu.vector_load %arg5[%parallel_loop3A_518, %parallel_loop3A_519, %parallel_loop3A_520] {strides = array<i32>} : memref<2x25x1280xf32, #tpu.memory_space<vmem>>, vector<1x1x16xf32>,
          %parallel_loop3A_522 = vector.shape_cast %parallel_loop3A_521 : vector<1x1x16xf32> to vector<16xf32>
          %parallel_loop3A_523 = vector.shape_cast %parallel_loop3A_515 : vector<16xf32> to vector<1x1x16xf32>
          tpu.vector_store %arg5[%parallel_loop3A_518, %parallel_loop3A_519, %parallel_loop3A_520], %parallel_loop3A_523 {strides = array<i32>} : memref<2x25x1280xf32, #tpu.memory_space<vmem>>, vector<1x1x16xf32>,
          %parallel_loop3A_524 = arith.constant 2.091650e+00 : f32
          %parallel_loop3A_525 = vector.broadcast %parallel_loop3A_524 : f32 to vector<16xf32>
          %parallel_loop3A_526 = arith.mulf %parallel_loop3A_153, %parallel_loop3A_525 : vector<16xf32>
          %parallel_loop3A_527 = arith.constant -6.274950e+00 : f32
          %parallel_loop3A_528 = vector.broadcast %parallel_loop3A_527 : f32 to vector<16xf32>
          %parallel_loop3A_529 = arith.mulf %parallel_loop3A_155, %parallel_loop3A_528 : vector<16xf32>
          %parallel_loop3A_530 = arith.addf %parallel_loop3A_526, %parallel_loop3A_529 : vector<16xf32>
          %parallel_loop3A_531 = arith.constant 0 : i32
          %parallel_loop3A_532 = arith.constant 23 : i32
          %parallel_loop3A_533 = arith.index_cast %parallel_loop3A_531 : i32 to index
          %parallel_loop3A_534 = arith.index_cast %parallel_loop3A_532 : i32 to index
          %parallel_loop3A_535 = arith.index_cast %parallel_loop3A_99 : i32 to index
          %parallel_loop3A_536 = tpu.vector_load %arg5[%parallel_loop3A_533, %parallel_loop3A_534, %parallel_loop3A_535] {strides = array<i32>} : memref<2x25x1280xf32, #tpu.memory_space<vmem>>, vector<1x1x16xf32>,
          %parallel_loop3A_537 = vector.shape_cast %parallel_loop3A_536 : vector<1x1x16xf32> to vector<16xf32>
          %parallel_loop3A_538 = vector.shape_cast %parallel_loop3A_530 : vector<16xf32> to vector<1x1x16xf32>
          tpu.vector_store %arg5[%parallel_loop3A_533, %parallel_loop3A_534, %parallel_loop3A_535], %parallel_loop3A_538 {strides = array<i32>} : memref<2x25x1280xf32, #tpu.memory_space<vmem>>, vector<1x1x16xf32>,
          %parallel_loop3A_539 = arith.constant 0.739509999 : f32
          %parallel_loop3A_540 = vector.broadcast %parallel_loop3A_539 : f32 to vector<16xf32>
          %parallel_loop3A_541 = arith.mulf %parallel_loop3A_125, %parallel_loop3A_540 : vector<16xf32>
          %parallel_loop3A_542 = arith.constant -4.437060e+00 : f32
          %parallel_loop3A_543 = vector.broadcast %parallel_loop3A_542 : f32 to vector<16xf32>
          %parallel_loop3A_544 = arith.mulf %parallel_loop3A_151, %parallel_loop3A_543 : vector<16xf32>
          %parallel_loop3A_545 = arith.addf %parallel_loop3A_541, %parallel_loop3A_544 : vector<16xf32>
          %parallel_loop3A_546 = arith.constant 0.739509999 : f32
          %parallel_loop3A_547 = vector.broadcast %parallel_loop3A_546 : f32 to vector<16xf32>
          %parallel_loop3A_548 = arith.mulf %parallel_loop3A_127, %parallel_loop3A_547 : vector<16xf32>
          %parallel_loop3A_549 = arith.addf %parallel_loop3A_545, %parallel_loop3A_548 : vector<16xf32>
          %parallel_loop3A_550 = arith.constant 0 : i32
          %parallel_loop3A_551 = arith.constant 24 : i32
          %parallel_loop3A_552 = arith.index_cast %parallel_loop3A_550 : i32 to index
          %parallel_loop3A_553 = arith.index_cast %parallel_loop3A_551 : i32 to index
          %parallel_loop3A_554 = arith.index_cast %parallel_loop3A_99 : i32 to index
          %parallel_loop3A_555 = tpu.vector_load %arg5[%parallel_loop3A_552, %parallel_loop3A_553, %parallel_loop3A_554] {strides = array<i32>} : memref<2x25x1280xf32, #tpu.memory_space<vmem>>, vector<1x1x16xf32>,
          %parallel_loop3A_556 = vector.shape_cast %parallel_loop3A_555 : vector<1x1x16xf32> to vector<16xf32>
          %parallel_loop3A_557 = vector.shape_cast %parallel_loop3A_549 : vector<16xf32> to vector<1x1x16xf32>
          tpu.vector_store %arg5[%parallel_loop3A_552, %parallel_loop3A_553, %parallel_loop3A_554], %parallel_loop3A_557 {strides = array<i32>} : memref<2x25x1280xf32, #tpu.memory_space<vmem>>, vector<1x1x16xf32>,
        } {sc.loop_unroll_factor = 8 : i64, sc.parallel_access}
        %mul3A_72 = arith.constant 32 : i32
        %mul3A_73 = arith.muli %mul3A_33, %mul3A_72 : i32
        %add3A_74 = arith.addi %mul3A_73, %add3A : i32
        %mul3A_75 = arith.constant 1280 : i32
        %mul3A_76 = arith.muli %add3A_74, %mul3A_75 : i32
        %dma_start3A = arith.constant 0 : i32
        %dma_start3A_77 = arith.constant 0 : i32
        %dma_start3A_78 = arith.constant 0 : i32
        %dma_start3A_79 = tpu.memref_slice %arg5[%dma_start3A, %dma_start3A_77, %dma_start3A_78] : memref<2x25x1280xf32, #tpu.memory_space<vmem>> -> memref<1x25x1280xf32, #tpu.memory_space<vmem>>
        %dma_start3A_80 = tpu.memref_squeeze %dma_start3A_79 : memref<1x25x1280xf32, #tpu.memory_space<vmem>> -> memref<25x1280xf32, #tpu.memory_space<vmem>>
        %dma_start3A_81 = arith.constant 0 : i32
        %dma_start3A_82 = tpu.memref_slice %arg3[%dma_start3A_81, %mul3A_76] : memref<25x800000xf32, #tpu.memory_space<hbm>> -> memref<25x1280xf32, #tpu.memory_space<hbm>>
        %dma_start3A_83 = arith.constant 0 : i32
        %dma_start3A_84 = tpu.memref_slice %arg3[%dma_start3A_83, %mul3A_76] : memref<25x800000xf32, #tpu.memory_space<hbm>> -> memref<25x1280xf32, #tpu.memory_space<hbm>>
        %dma_start3A_85 = arith.constant 0 : i32
        %dma_start3A_86 = arith.constant 0 : i32
        %dma_start3A_87 = tpu.memref_slice %arg5[%dma_start3A, %dma_start3A_85, %dma_start3A_86] : memref<2x25x1280xf32, #tpu.memory_space<vmem>> -> memref<1x25x1280xf32, #tpu.memory_space<vmem>>
        %dma_start3A_88 = tpu.memref_squeeze %dma_start3A_87 : memref<1x25x1280xf32, #tpu.memory_space<vmem>> -> memref<25x1280xf32, #tpu.memory_space<vmem>>
        tpu.enqueue_dma source(%dma_start3A_88 : memref<25x1280xf32, #tpu.memory_space<vmem>>) target(%dma_start3A_84 : memref<25x1280xf32, #tpu.memory_space<hbm>>) target_semaphore(%arg8 : memref<!tpu.dma_semaphore, #tpu.memory_space<semaphore_mem>>)
        %add3A_89 = arith.constant 2 : i32
        %add3A_90 = arith.addi %mul3A_33, %add3A_89 : i32
        %mul3A_91 = arith.constant 32 : i32
        %mul3A_92 = arith.muli %add3A_90, %mul3A_91 : i32
        %add3A_93 = arith.addi %mul3A_92, %add3A : i32
        %lt3A_94 = arith.constant 625 : i32
        %lt3A_95 = arith.cmpi slt, %add3A_93, %lt3A_94 : i32
        %convert_element_type3A_96 = arith.extui %lt3A_95 : i1 to i32
        %cond3A_97 = arith.constant 0 : i32
        %cond3A_98 = arith.cmpi ne, %convert_element_type3A_96, %cond3A_97 : i32
        scf.if %cond3A_98 {
          %add3A_99 = arith.constant 2 : i32
          %add3A_100 = arith.addi %mul3A_33, %add3A_99 : i32
          %mul3A_101 = arith.constant 32 : i32
          %mul3A_102 = arith.muli %add3A_100, %mul3A_101 : i32
          %add3A_103 = arith.addi %mul3A_102, %add3A : i32
          %mul3A_104 = arith.constant 1280 : i32
          %mul3A_105 = arith.muli %add3A_103, %mul3A_104 : i32
          %dma_start3A_106 = arith.constant 0 : i32
          %dma_start3A_107 = arith.constant 0 : i32
          %dma_start3A_108 = arith.constant 0 : i32
          %dma_start3A_109 = tpu.memref_slice %arg4[%dma_start3A_106, %dma_start3A_107, %dma_start3A_108] : memref<2x3x1280xf32, #tpu.memory_space<vmem>> -> memref<1x3x1280xf32, #tpu.memory_space<vmem>>
          %dma_start3A_110 = tpu.memref_squeeze %dma_start3A_109 : memref<1x3x1280xf32, #tpu.memory_space<vmem>> -> memref<3x1280xf32, #tpu.memory_space<vmem>>
          %dma_start3A_111 = arith.constant 0 : i32
          %dma_start3A_112 = tpu.memref_slice %arg2[%dma_start3A_111, %mul3A_105] : memref<3x800000xf32, #tpu.memory_space<hbm>> -> memref<3x1280xf32, #tpu.memory_space<hbm>>
          %dma_start3A_113 = arith.constant 0 : i32
          %dma_start3A_114 = arith.constant 0 : i32
          %dma_start3A_115 = tpu.memref_slice %arg4[%dma_start3A_106, %dma_start3A_113, %dma_start3A_114] : memref<2x3x1280xf32, #tpu.memory_space<vmem>> -> memref<1x3x1280xf32, #tpu.memory_space<vmem>>
          %dma_start3A_116 = tpu.memref_squeeze %dma_start3A_115 : memref<1x3x1280xf32, #tpu.memory_space<vmem>> -> memref<3x1280xf32, #tpu.memory_space<vmem>>
          %dma_start3A_117 = arith.constant 0 : i32
          %dma_start3A_118 = tpu.memref_slice %arg2[%dma_start3A_117, %mul3A_105] : memref<3x800000xf32, #tpu.memory_space<hbm>> -> memref<3x1280xf32, #tpu.memory_space<hbm>>
          tpu.enqueue_dma source(%dma_start3A_118 : memref<3x1280xf32, #tpu.memory_space<hbm>>) target(%dma_start3A_116 : memref<3x1280xf32, #tpu.memory_space<vmem>>) target_semaphore(%arg6 : memref<!tpu.dma_semaphore, #tpu.memory_space<semaphore_mem>>)
        } else {
        }
      } else {
      }
      %mul3A_44 = arith.constant 32 : i32
      %mul3A_45 = arith.muli %add3A_35, %mul3A_44 : i32
      %add3A_46 = arith.addi %mul3A_45, %add3A : i32
      %lt3A_47 = arith.constant 625 : i32
      %lt3A_48 = arith.cmpi slt, %add3A_46, %lt3A_47 : i32
      %convert_element_type3A_49 = arith.extui %lt3A_48 : i1 to i32
      %cond3A_50 = arith.constant 0 : i32
      %cond3A_51 = arith.cmpi ne, %convert_element_type3A_49, %cond3A_50 : i32
      scf.if %cond3A_51 {
        %dma_wait3A = arith.constant 1 : i32
        %dma_wait3A_52 = arith.constant 0 : i32
        %dma_wait3A_53 = arith.constant 0 : i32
        %dma_wait3A_54 = tpu.memref_slice %arg4[%dma_wait3A, %dma_wait3A_52, %dma_wait3A_53] : memref<2x3x1280xf32, #tpu.memory_space<vmem>> -> memref<1x3x1280xf32, #tpu.memory_space<vmem>>
        %dma_wait3A_55 = tpu.memref_squeeze %dma_wait3A_54 : memref<1x3x1280xf32, #tpu.memory_space<vmem>> -> memref<3x1280xf32, #tpu.memory_space<vmem>>
        %dma_wait3A_56 = arith.constant 0 : i32
        %dma_wait3A_57 = arith.constant 0 : i32
        %dma_wait3A_58 = tpu.memref_slice %arg2[%dma_wait3A_56, %dma_wait3A_57] : memref<3x800000xf32, #tpu.memory_space<hbm>> -> memref<3x1280xf32, #tpu.memory_space<hbm>>
        %dma_wait3A_59 = arith.constant 0 : i32
        %dma_wait3A_60 = arith.constant 0 : i32
        %dma_wait3A_61 = tpu.memref_slice %arg4[%dma_wait3A, %dma_wait3A_59, %dma_wait3A_60] : memref<2x3x1280xf32, #tpu.memory_space<vmem>> -> memref<1x3x1280xf32, #tpu.memory_space<vmem>>
        %dma_wait3A_62 = tpu.memref_squeeze %dma_wait3A_61 : memref<1x3x1280xf32, #tpu.memory_space<vmem>> -> memref<3x1280xf32, #tpu.memory_space<vmem>>
        %dma_wait3A_63 = arith.constant 0 : i32
        %dma_wait3A_64 = arith.constant 0 : i32
        %dma_wait3A_65 = tpu.memref_slice %arg2[%dma_wait3A_63, %dma_wait3A_64] : memref<3x800000xf32, #tpu.memory_space<hbm>> -> memref<3x1280xf32, #tpu.memory_space<hbm>>
        tpu.wait_dma2 semaphore(%arg7 : memref<!tpu.dma_semaphore, #tpu.memory_space<semaphore_mem>>) src(%dma_wait3A_65 : memref<3x1280xf32, #tpu.memory_space<hbm>>) dst(%dma_wait3A_62 : memref<3x1280xf32, #tpu.memory_space<vmem>>)
        %gt3A = arith.constant 0 : i32
        %gt3A_66 = arith.cmpi sgt, %scan3A_31, %gt3A : i32
        %convert_element_type3A_67 = arith.extui %gt3A_66 : i1 to i32
        %cond3A_68 = arith.constant 0 : i32
        %cond3A_69 = arith.cmpi ne, %convert_element_type3A_67, %cond3A_68 : i32
        scf.if %cond3A_69 {
          %dma_wait3A_99 = arith.constant 1 : i32
          %dma_wait3A_100 = arith.constant 0 : i32
          %dma_wait3A_101 = arith.constant 0 : i32
          %dma_wait3A_102 = tpu.memref_slice %arg5[%dma_wait3A_99, %dma_wait3A_100, %dma_wait3A_101] : memref<2x25x1280xf32, #tpu.memory_space<vmem>> -> memref<1x25x1280xf32, #tpu.memory_space<vmem>>
          %dma_wait3A_103 = tpu.memref_squeeze %dma_wait3A_102 : memref<1x25x1280xf32, #tpu.memory_space<vmem>> -> memref<25x1280xf32, #tpu.memory_space<vmem>>
          %dma_wait3A_104 = arith.constant 0 : i32
          %dma_wait3A_105 = arith.constant 0 : i32
          %dma_wait3A_106 = tpu.memref_slice %arg3[%dma_wait3A_104, %dma_wait3A_105] : memref<25x800000xf32, #tpu.memory_space<hbm>> -> memref<25x1280xf32, #tpu.memory_space<hbm>>
          %dma_wait3A_107 = arith.constant 0 : i32
          %dma_wait3A_108 = arith.constant 0 : i32
          %dma_wait3A_109 = tpu.memref_slice %arg5[%dma_wait3A_99, %dma_wait3A_107, %dma_wait3A_108] : memref<2x25x1280xf32, #tpu.memory_space<vmem>> -> memref<1x25x1280xf32, #tpu.memory_space<vmem>>
          %dma_wait3A_110 = tpu.memref_squeeze %dma_wait3A_109 : memref<1x25x1280xf32, #tpu.memory_space<vmem>> -> memref<25x1280xf32, #tpu.memory_space<vmem>>
          %dma_wait3A_111 = arith.constant 0 : i32
          %dma_wait3A_112 = arith.constant 0 : i32
          %dma_wait3A_113 = tpu.memref_slice %arg3[%dma_wait3A_111, %dma_wait3A_112] : memref<25x800000xf32, #tpu.memory_space<hbm>> -> memref<25x1280xf32, #tpu.memory_space<hbm>>
          tpu.wait_dma2 semaphore(%arg9 : memref<!tpu.dma_semaphore, #tpu.memory_space<semaphore_mem>>) src(%dma_wait3A_113 : memref<25x1280xf32, #tpu.memory_space<hbm>>) dst(%dma_wait3A_110 : memref<25x1280xf32, #tpu.memory_space<vmem>>)
        } else {
        }
        %parallel_loop3A = arith.constant 0 : i32
        %parallel_loop3A_70 = arith.constant 1280 : i32
        %parallel_loop3A_71 = arith.constant 16 : i32
        scf.for %parallel_loop3A_99 = %parallel_loop3A to %parallel_loop3A_70 step %parallel_loop3A_71  : i32 {
          %parallel_loop3A_100 = arith.constant 1 : i32
          %parallel_loop3A_101 = arith.constant 0 : i32
          %parallel_loop3A_102 = arith.index_cast %parallel_loop3A_100 : i32 to index
          %parallel_loop3A_103 = arith.index_cast %parallel_loop3A_101 : i32 to index
          %parallel_loop3A_104 = arith.index_cast %parallel_loop3A_99 : i32 to index
          %parallel_loop3A_105 = tpu.vector_load %arg4[%parallel_loop3A_102, %parallel_loop3A_103, %parallel_loop3A_104] {strides = array<i32>} : memref<2x3x1280xf32, #tpu.memory_space<vmem>>, vector<1x1x16xf32>,
          %parallel_loop3A_106 = vector.shape_cast %parallel_loop3A_105 : vector<1x1x16xf32> to vector<16xf32>
          %parallel_loop3A_107 = arith.constant 1 : i32
          %parallel_loop3A_108 = arith.constant 1 : i32
          %parallel_loop3A_109 = arith.index_cast %parallel_loop3A_107 : i32 to index
          %parallel_loop3A_110 = arith.index_cast %parallel_loop3A_108 : i32 to index
          %parallel_loop3A_111 = arith.index_cast %parallel_loop3A_99 : i32 to index
          %parallel_loop3A_112 = tpu.vector_load %arg4[%parallel_loop3A_109, %parallel_loop3A_110, %parallel_loop3A_111] {strides = array<i32>} : memref<2x3x1280xf32, #tpu.memory_space<vmem>>, vector<1x1x16xf32>,
          %parallel_loop3A_113 = vector.shape_cast %parallel_loop3A_112 : vector<1x1x16xf32> to vector<16xf32>
          %parallel_loop3A_114 = arith.constant 1 : i32
          %parallel_loop3A_115 = arith.constant 2 : i32
          %parallel_loop3A_116 = arith.index_cast %parallel_loop3A_114 : i32 to index
          %parallel_loop3A_117 = arith.index_cast %parallel_loop3A_115 : i32 to index
          %parallel_loop3A_118 = arith.index_cast %parallel_loop3A_99 : i32 to index
          %parallel_loop3A_119 = tpu.vector_load %arg4[%parallel_loop3A_116, %parallel_loop3A_117, %parallel_loop3A_118] {strides = array<i32>} : memref<2x3x1280xf32, #tpu.memory_space<vmem>>, vector<1x1x16xf32>,
          %parallel_loop3A_120 = vector.shape_cast %parallel_loop3A_119 : vector<1x1x16xf32> to vector<16xf32>
          %parallel_loop3A_121 = arith.mulf %parallel_loop3A_106, %parallel_loop3A_106 : vector<16xf32>
          %parallel_loop3A_122 = arith.mulf %parallel_loop3A_113, %parallel_loop3A_113 : vector<16xf32>
          %parallel_loop3A_123 = arith.mulf %parallel_loop3A_120, %parallel_loop3A_120 : vector<16xf32>
          %parallel_loop3A_124 = arith.mulf %parallel_loop3A_121, %parallel_loop3A_106 : vector<16xf32>
          %parallel_loop3A_125 = arith.mulf %parallel_loop3A_121, %parallel_loop3A_121 : vector<16xf32>
          %parallel_loop3A_126 = arith.mulf %parallel_loop3A_122, %parallel_loop3A_113 : vector<16xf32>
          %parallel_loop3A_127 = arith.mulf %parallel_loop3A_122, %parallel_loop3A_122 : vector<16xf32>
          %parallel_loop3A_128 = arith.mulf %parallel_loop3A_123, %parallel_loop3A_120 : vector<16xf32>
          %parallel_loop3A_129 = arith.mulf %parallel_loop3A_123, %parallel_loop3A_123 : vector<16xf32>
          %parallel_loop3A_130 = arith.mulf %parallel_loop3A_106, %parallel_loop3A_113 : vector<16xf32>
          %parallel_loop3A_131 = arith.mulf %parallel_loop3A_113, %parallel_loop3A_120 : vector<16xf32>
          %parallel_loop3A_132 = arith.mulf %parallel_loop3A_106, %parallel_loop3A_120 : vector<16xf32>
          %parallel_loop3A_133 = arith.mulf %parallel_loop3A_121, %parallel_loop3A_113 : vector<16xf32>
          %parallel_loop3A_134 = arith.mulf %parallel_loop3A_106, %parallel_loop3A_113 : vector<16xf32>
          %parallel_loop3A_135 = arith.mulf %parallel_loop3A_134, %parallel_loop3A_120 : vector<16xf32>
          %parallel_loop3A_136 = arith.mulf %parallel_loop3A_113, %parallel_loop3A_123 : vector<16xf32>
          %parallel_loop3A_137 = arith.mulf %parallel_loop3A_121, %parallel_loop3A_120 : vector<16xf32>
          %parallel_loop3A_138 = arith.mulf %parallel_loop3A_122, %parallel_loop3A_120 : vector<16xf32>
          %parallel_loop3A_139 = arith.mulf %parallel_loop3A_106, %parallel_loop3A_123 : vector<16xf32>
          %parallel_loop3A_140 = arith.mulf %parallel_loop3A_106, %parallel_loop3A_122 : vector<16xf32>
          %parallel_loop3A_141 = arith.mulf %parallel_loop3A_124, %parallel_loop3A_113 : vector<16xf32>
          %parallel_loop3A_142 = arith.mulf %parallel_loop3A_106, %parallel_loop3A_126 : vector<16xf32>
          %parallel_loop3A_143 = arith.mulf %parallel_loop3A_121, %parallel_loop3A_113 : vector<16xf32>
          %parallel_loop3A_144 = arith.mulf %parallel_loop3A_143, %parallel_loop3A_120 : vector<16xf32>
          %parallel_loop3A_145 = arith.mulf %parallel_loop3A_126, %parallel_loop3A_120 : vector<16xf32>
          %parallel_loop3A_146 = arith.mulf %parallel_loop3A_106, %parallel_loop3A_113 : vector<16xf32>
          %parallel_loop3A_147 = arith.mulf %parallel_loop3A_146, %parallel_loop3A_123 : vector<16xf32>
          %parallel_loop3A_148 = arith.mulf %parallel_loop3A_113, %parallel_loop3A_128 : vector<16xf32>
          %parallel_loop3A_149 = arith.mulf %parallel_loop3A_121, %parallel_loop3A_123 : vector<16xf32>
          %parallel_loop3A_150 = arith.mulf %parallel_loop3A_122, %parallel_loop3A_123 : vector<16xf32>
          %parallel_loop3A_151 = arith.mulf %parallel_loop3A_121, %parallel_loop3A_122 : vector<16xf32>
          %parallel_loop3A_152 = arith.mulf %parallel_loop3A_106, %parallel_loop3A_128 : vector<16xf32>
          %parallel_loop3A_153 = arith.mulf %parallel_loop3A_124, %parallel_loop3A_120 : vector<16xf32>
          %parallel_loop3A_154 = arith.mulf %parallel_loop3A_106, %parallel_loop3A_122 : vector<16xf32>
          %parallel_loop3A_155 = arith.mulf %parallel_loop3A_154, %parallel_loop3A_120 : vector<16xf32>
          %parallel_loop3A_156 = arith.constant 1.000000e+00 : f32
          %parallel_loop3A_157 = vector.broadcast %parallel_loop3A_156 : f32 to vector<16xf32>
          %parallel_loop3A_158 = arith.constant 1 : i32
          %parallel_loop3A_159 = arith.constant 0 : i32
          %parallel_loop3A_160 = arith.index_cast %parallel_loop3A_158 : i32 to index
          %parallel_loop3A_161 = arith.index_cast %parallel_loop3A_159 : i32 to index
          %parallel_loop3A_162 = arith.index_cast %parallel_loop3A_99 : i32 to index
          %parallel_loop3A_163 = tpu.vector_load %arg5[%parallel_loop3A_160, %parallel_loop3A_161, %parallel_loop3A_162] {strides = array<i32>} : memref<2x25x1280xf32, #tpu.memory_space<vmem>>, vector<1x1x16xf32>,
          %parallel_loop3A_164 = vector.shape_cast %parallel_loop3A_163 : vector<1x1x16xf32> to vector<16xf32>
          %parallel_loop3A_165 = vector.shape_cast %parallel_loop3A_157 : vector<16xf32> to vector<1x1x16xf32>
          tpu.vector_store %arg5[%parallel_loop3A_160, %parallel_loop3A_161, %parallel_loop3A_162], %parallel_loop3A_165 {strides = array<i32>} : memref<2x25x1280xf32, #tpu.memory_space<vmem>>, vector<1x1x16xf32>,
          %parallel_loop3A_166 = arith.constant 1.000000e+00 : f32
          %parallel_loop3A_167 = vector.broadcast %parallel_loop3A_166 : f32 to vector<16xf32>
          %parallel_loop3A_168 = arith.mulf %parallel_loop3A_113, %parallel_loop3A_167 : vector<16xf32>
          %parallel_loop3A_169 = arith.constant 1 : i32
          %parallel_loop3A_170 = arith.constant 1 : i32
          %parallel_loop3A_171 = arith.index_cast %parallel_loop3A_169 : i32 to index
          %parallel_loop3A_172 = arith.index_cast %parallel_loop3A_170 : i32 to index
          %parallel_loop3A_173 = arith.index_cast %parallel_loop3A_99 : i32 to index
          %parallel_loop3A_174 = tpu.vector_load %arg5[%parallel_loop3A_171, %parallel_loop3A_172, %parallel_loop3A_173] {strides = array<i32>} : memref<2x25x1280xf32, #tpu.memory_space<vmem>>, vector<1x1x16xf32>,
          %parallel_loop3A_175 = vector.shape_cast %parallel_loop3A_174 : vector<1x1x16xf32> to vector<16xf32>
          %parallel_loop3A_176 = vector.shape_cast %parallel_loop3A_168 : vector<16xf32> to vector<1x1x16xf32>
          tpu.vector_store %arg5[%parallel_loop3A_171, %parallel_loop3A_172, %parallel_loop3A_173], %parallel_loop3A_176 {strides = array<i32>} : memref<2x25x1280xf32, #tpu.memory_space<vmem>>, vector<1x1x16xf32>,
          %parallel_loop3A_177 = arith.constant 1.000000e+00 : f32
          %parallel_loop3A_178 = vector.broadcast %parallel_loop3A_177 : f32 to vector<16xf32>
          %parallel_loop3A_179 = arith.mulf %parallel_loop3A_120, %parallel_loop3A_178 : vector<16xf32>
          %parallel_loop3A_180 = arith.constant 1 : i32
          %parallel_loop3A_181 = arith.constant 2 : i32
          %parallel_loop3A_182 = arith.index_cast %parallel_loop3A_180 : i32 to index
          %parallel_loop3A_183 = arith.index_cast %parallel_loop3A_181 : i32 to index
          %parallel_loop3A_184 = arith.index_cast %parallel_loop3A_99 : i32 to index
          %parallel_loop3A_185 = tpu.vector_load %arg5[%parallel_loop3A_182, %parallel_loop3A_183, %parallel_loop3A_184] {strides = array<i32>} : memref<2x25x1280xf32, #tpu.memory_space<vmem>>, vector<1x1x16xf32>,
          %parallel_loop3A_186 = vector.shape_cast %parallel_loop3A_185 : vector<1x1x16xf32> to vector<16xf32>
          %parallel_loop3A_187 = vector.shape_cast %parallel_loop3A_179 : vector<16xf32> to vector<1x1x16xf32>
          tpu.vector_store %arg5[%parallel_loop3A_182, %parallel_loop3A_183, %parallel_loop3A_184], %parallel_loop3A_187 {strides = array<i32>} : memref<2x25x1280xf32, #tpu.memory_space<vmem>>, vector<1x1x16xf32>,
          %parallel_loop3A_188 = arith.constant 1.000000e+00 : f32
          %parallel_loop3A_189 = vector.broadcast %parallel_loop3A_188 : f32 to vector<16xf32>
          %parallel_loop3A_190 = arith.mulf %parallel_loop3A_106, %parallel_loop3A_189 : vector<16xf32>
          %parallel_loop3A_191 = arith.constant 1 : i32
          %parallel_loop3A_192 = arith.constant 3 : i32
          %parallel_loop3A_193 = arith.index_cast %parallel_loop3A_191 : i32 to index
          %parallel_loop3A_194 = arith.index_cast %parallel_loop3A_192 : i32 to index
          %parallel_loop3A_195 = arith.index_cast %parallel_loop3A_99 : i32 to index
          %parallel_loop3A_196 = tpu.vector_load %arg5[%parallel_loop3A_193, %parallel_loop3A_194, %parallel_loop3A_195] {strides = array<i32>} : memref<2x25x1280xf32, #tpu.memory_space<vmem>>, vector<1x1x16xf32>,
          %parallel_loop3A_197 = vector.shape_cast %parallel_loop3A_196 : vector<1x1x16xf32> to vector<16xf32>
          %parallel_loop3A_198 = vector.shape_cast %parallel_loop3A_190 : vector<16xf32> to vector<1x1x16xf32>
          tpu.vector_store %arg5[%parallel_loop3A_193, %parallel_loop3A_194, %parallel_loop3A_195], %parallel_loop3A_198 {strides = array<i32>} : memref<2x25x1280xf32, #tpu.memory_space<vmem>>, vector<1x1x16xf32>,
          %parallel_loop3A_199 = arith.constant 1.73205078 : f32
          %parallel_loop3A_200 = vector.broadcast %parallel_loop3A_199 : f32 to vector<16xf32>
          %parallel_loop3A_201 = arith.mulf %parallel_loop3A_130, %parallel_loop3A_200 : vector<16xf32>
          %parallel_loop3A_202 = arith.constant 1 : i32
          %parallel_loop3A_203 = arith.constant 4 : i32
          %parallel_loop3A_204 = arith.index_cast %parallel_loop3A_202 : i32 to index
          %parallel_loop3A_205 = arith.index_cast %parallel_loop3A_203 : i32 to index
          %parallel_loop3A_206 = arith.index_cast %parallel_loop3A_99 : i32 to index
          %parallel_loop3A_207 = tpu.vector_load %arg5[%parallel_loop3A_204, %parallel_loop3A_205, %parallel_loop3A_206] {strides = array<i32>} : memref<2x25x1280xf32, #tpu.memory_space<vmem>>, vector<1x1x16xf32>,
          %parallel_loop3A_208 = vector.shape_cast %parallel_loop3A_207 : vector<1x1x16xf32> to vector<16xf32>
          %parallel_loop3A_209 = vector.shape_cast %parallel_loop3A_201 : vector<16xf32> to vector<1x1x16xf32>
          tpu.vector_store %arg5[%parallel_loop3A_204, %parallel_loop3A_205, %parallel_loop3A_206], %parallel_loop3A_209 {strides = array<i32>} : memref<2x25x1280xf32, #tpu.memory_space<vmem>>, vector<1x1x16xf32>,
          %parallel_loop3A_210 = arith.constant 1.73205078 : f32
          %parallel_loop3A_211 = vector.broadcast %parallel_loop3A_210 : f32 to vector<16xf32>
          %parallel_loop3A_212 = arith.mulf %parallel_loop3A_131, %parallel_loop3A_211 : vector<16xf32>
          %parallel_loop3A_213 = arith.constant 1 : i32
          %parallel_loop3A_214 = arith.constant 5 : i32
          %parallel_loop3A_215 = arith.index_cast %parallel_loop3A_213 : i32 to index
          %parallel_loop3A_216 = arith.index_cast %parallel_loop3A_214 : i32 to index
          %parallel_loop3A_217 = arith.index_cast %parallel_loop3A_99 : i32 to index
          %parallel_loop3A_218 = tpu.vector_load %arg5[%parallel_loop3A_215, %parallel_loop3A_216, %parallel_loop3A_217] {strides = array<i32>} : memref<2x25x1280xf32, #tpu.memory_space<vmem>>, vector<1x1x16xf32>,
          %parallel_loop3A_219 = vector.shape_cast %parallel_loop3A_218 : vector<1x1x16xf32> to vector<16xf32>
          %parallel_loop3A_220 = vector.shape_cast %parallel_loop3A_212 : vector<16xf32> to vector<1x1x16xf32>
          tpu.vector_store %arg5[%parallel_loop3A_215, %parallel_loop3A_216, %parallel_loop3A_217], %parallel_loop3A_220 {strides = array<i32>} : memref<2x25x1280xf32, #tpu.memory_space<vmem>>, vector<1x1x16xf32>,
          %parallel_loop3A_221 = arith.constant 1.000000e+00 : f32
          %parallel_loop3A_222 = vector.broadcast %parallel_loop3A_221 : f32 to vector<16xf32>
          %parallel_loop3A_223 = arith.mulf %parallel_loop3A_123, %parallel_loop3A_222 : vector<16xf32>
          %parallel_loop3A_224 = arith.constant -5.000000e-01 : f32
          %parallel_loop3A_225 = vector.broadcast %parallel_loop3A_224 : f32 to vector<16xf32>
          %parallel_loop3A_226 = arith.mulf %parallel_loop3A_121, %parallel_loop3A_225 : vector<16xf32>
          %parallel_loop3A_227 = arith.addf %parallel_loop3A_223, %parallel_loop3A_226 : vector<16xf32>
          %parallel_loop3A_228 = arith.constant -5.000000e-01 : f32
          %parallel_loop3A_229 = vector.broadcast %parallel_loop3A_228 : f32 to vector<16xf32>
          %parallel_loop3A_230 = arith.mulf %parallel_loop3A_122, %parallel_loop3A_229 : vector<16xf32>
          %parallel_loop3A_231 = arith.addf %parallel_loop3A_227, %parallel_loop3A_230 : vector<16xf32>
          %parallel_loop3A_232 = arith.constant 1 : i32
          %parallel_loop3A_233 = arith.constant 6 : i32
          %parallel_loop3A_234 = arith.index_cast %parallel_loop3A_232 : i32 to index
          %parallel_loop3A_235 = arith.index_cast %parallel_loop3A_233 : i32 to index
          %parallel_loop3A_236 = arith.index_cast %parallel_loop3A_99 : i32 to index
          %parallel_loop3A_237 = tpu.vector_load %arg5[%parallel_loop3A_234, %parallel_loop3A_235, %parallel_loop3A_236] {strides = array<i32>} : memref<2x25x1280xf32, #tpu.memory_space<vmem>>, vector<1x1x16xf32>,
          %parallel_loop3A_238 = vector.shape_cast %parallel_loop3A_237 : vector<1x1x16xf32> to vector<16xf32>
          %parallel_loop3A_239 = vector.shape_cast %parallel_loop3A_231 : vector<16xf32> to vector<1x1x16xf32>
          tpu.vector_store %arg5[%parallel_loop3A_234, %parallel_loop3A_235, %parallel_loop3A_236], %parallel_loop3A_239 {strides = array<i32>} : memref<2x25x1280xf32, #tpu.memory_space<vmem>>, vector<1x1x16xf32>,
          %parallel_loop3A_240 = arith.constant 1.73205078 : f32
          %parallel_loop3A_241 = vector.broadcast %parallel_loop3A_240 : f32 to vector<16xf32>
          %parallel_loop3A_242 = arith.mulf %parallel_loop3A_132, %parallel_loop3A_241 : vector<16xf32>
          %parallel_loop3A_243 = arith.constant 1 : i32
          %parallel_loop3A_244 = arith.constant 7 : i32
          %parallel_loop3A_245 = arith.index_cast %parallel_loop3A_243 : i32 to index
          %parallel_loop3A_246 = arith.index_cast %parallel_loop3A_244 : i32 to index
          %parallel_loop3A_247 = arith.index_cast %parallel_loop3A_99 : i32 to index
          %parallel_loop3A_248 = tpu.vector_load %arg5[%parallel_loop3A_245, %parallel_loop3A_246, %parallel_loop3A_247] {strides = array<i32>} : memref<2x25x1280xf32, #tpu.memory_space<vmem>>, vector<1x1x16xf32>,
          %parallel_loop3A_249 = vector.shape_cast %parallel_loop3A_248 : vector<1x1x16xf32> to vector<16xf32>
          %parallel_loop3A_250 = vector.shape_cast %parallel_loop3A_242 : vector<16xf32> to vector<1x1x16xf32>
          tpu.vector_store %arg5[%parallel_loop3A_245, %parallel_loop3A_246, %parallel_loop3A_247], %parallel_loop3A_250 {strides = array<i32>} : memref<2x25x1280xf32, #tpu.memory_space<vmem>>, vector<1x1x16xf32>,
          %parallel_loop3A_251 = arith.constant 0.866025388 : f32
          %parallel_loop3A_252 = vector.broadcast %parallel_loop3A_251 : f32 to vector<16xf32>
          %parallel_loop3A_253 = arith.mulf %parallel_loop3A_121, %parallel_loop3A_252 : vector<16xf32>
          %parallel_loop3A_254 = arith.constant -0.866025388 : f32
          %parallel_loop3A_255 = vector.broadcast %parallel_loop3A_254 : f32 to vector<16xf32>
          %parallel_loop3A_256 = arith.mulf %parallel_loop3A_122, %parallel_loop3A_255 : vector<16xf32>
          %parallel_loop3A_257 = arith.addf %parallel_loop3A_253, %parallel_loop3A_256 : vector<16xf32>
          %parallel_loop3A_258 = arith.constant 1 : i32
          %parallel_loop3A_259 = arith.constant 8 : i32
          %parallel_loop3A_260 = arith.index_cast %parallel_loop3A_258 : i32 to index
          %parallel_loop3A_261 = arith.index_cast %parallel_loop3A_259 : i32 to index
          %parallel_loop3A_262 = arith.index_cast %parallel_loop3A_99 : i32 to index
          %parallel_loop3A_263 = tpu.vector_load %arg5[%parallel_loop3A_260, %parallel_loop3A_261, %parallel_loop3A_262] {strides = array<i32>} : memref<2x25x1280xf32, #tpu.memory_space<vmem>>, vector<1x1x16xf32>,
          %parallel_loop3A_264 = vector.shape_cast %parallel_loop3A_263 : vector<1x1x16xf32> to vector<16xf32>
          %parallel_loop3A_265 = vector.shape_cast %parallel_loop3A_257 : vector<16xf32> to vector<1x1x16xf32>
          tpu.vector_store %arg5[%parallel_loop3A_260, %parallel_loop3A_261, %parallel_loop3A_262], %parallel_loop3A_265 {strides = array<i32>} : memref<2x25x1280xf32, #tpu.memory_space<vmem>>, vector<1x1x16xf32>,
          %parallel_loop3A_266 = arith.constant 2.37170815 : f32
          %parallel_loop3A_267 = vector.broadcast %parallel_loop3A_266 : f32 to vector<16xf32>
          %parallel_loop3A_268 = arith.mulf %parallel_loop3A_133, %parallel_loop3A_267 : vector<16xf32>
          %parallel_loop3A_269 = arith.constant -0.790569424 : f32
          %parallel_loop3A_270 = vector.broadcast %parallel_loop3A_269 : f32 to vector<16xf32>
          %parallel_loop3A_271 = arith.mulf %parallel_loop3A_126, %parallel_loop3A_270 : vector<16xf32>
          %parallel_loop3A_272 = arith.addf %parallel_loop3A_268, %parallel_loop3A_271 : vector<16xf32>
          %parallel_loop3A_273 = arith.constant 1 : i32
          %parallel_loop3A_274 = arith.constant 9 : i32
          %parallel_loop3A_275 = arith.index_cast %parallel_loop3A_273 : i32 to index
          %parallel_loop3A_276 = arith.index_cast %parallel_loop3A_274 : i32 to index
          %parallel_loop3A_277 = arith.index_cast %parallel_loop3A_99 : i32 to index
          %parallel_loop3A_278 = tpu.vector_load %arg5[%parallel_loop3A_275, %parallel_loop3A_276, %parallel_loop3A_277] {strides = array<i32>} : memref<2x25x1280xf32, #tpu.memory_space<vmem>>, vector<1x1x16xf32>,
          %parallel_loop3A_279 = vector.shape_cast %parallel_loop3A_278 : vector<1x1x16xf32> to vector<16xf32>
          %parallel_loop3A_280 = vector.shape_cast %parallel_loop3A_272 : vector<16xf32> to vector<1x1x16xf32>
          tpu.vector_store %arg5[%parallel_loop3A_275, %parallel_loop3A_276, %parallel_loop3A_277], %parallel_loop3A_280 {strides = array<i32>} : memref<2x25x1280xf32, #tpu.memory_space<vmem>>, vector<1x1x16xf32>,
          %parallel_loop3A_281 = arith.constant 3.87298346 : f32
          %parallel_loop3A_282 = vector.broadcast %parallel_loop3A_281 : f32 to vector<16xf32>
          %parallel_loop3A_283 = arith.mulf %parallel_loop3A_135, %parallel_loop3A_282 : vector<16xf32>
          %parallel_loop3A_284 = arith.constant 1 : i32
          %parallel_loop3A_285 = arith.constant 10 : i32
          %parallel_loop3A_286 = arith.index_cast %parallel_loop3A_284 : i32 to index
          %parallel_loop3A_287 = arith.index_cast %parallel_loop3A_285 : i32 to index
          %parallel_loop3A_288 = arith.index_cast %parallel_loop3A_99 : i32 to index
          %parallel_loop3A_289 = tpu.vector_load %arg5[%parallel_loop3A_286, %parallel_loop3A_287, %parallel_loop3A_288] {strides = array<i32>} : memref<2x25x1280xf32, #tpu.memory_space<vmem>>, vector<1x1x16xf32>,
          %parallel_loop3A_290 = vector.shape_cast %parallel_loop3A_289 : vector<1x1x16xf32> to vector<16xf32>
          %parallel_loop3A_291 = vector.shape_cast %parallel_loop3A_283 : vector<16xf32> to vector<1x1x16xf32>
          tpu.vector_store %arg5[%parallel_loop3A_286, %parallel_loop3A_287, %parallel_loop3A_288], %parallel_loop3A_291 {strides = array<i32>} : memref<2x25x1280xf32, #tpu.memory_space<vmem>>, vector<1x1x16xf32>,
          %parallel_loop3A_292 = arith.constant 2.44948983 : f32
          %parallel_loop3A_293 = vector.broadcast %parallel_loop3A_292 : f32 to vector<16xf32>
          %parallel_loop3A_294 = arith.mulf %parallel_loop3A_136, %parallel_loop3A_293 : vector<16xf32>
          %parallel_loop3A_295 = arith.constant -0.612372457 : f32
          %parallel_loop3A_296 = vector.broadcast %parallel_loop3A_295 : f32 to vector<16xf32>
          %parallel_loop3A_297 = arith.mulf %parallel_loop3A_133, %parallel_loop3A_296 : vector<16xf32>
          %parallel_loop3A_298 = arith.addf %parallel_loop3A_294, %parallel_loop3A_297 : vector<16xf32>
          %parallel_loop3A_299 = arith.constant -0.612372457 : f32
          %parallel_loop3A_300 = vector.broadcast %parallel_loop3A_299 : f32 to vector<16xf32>
          %parallel_loop3A_301 = arith.mulf %parallel_loop3A_126, %parallel_loop3A_300 : vector<16xf32>
          %parallel_loop3A_302 = arith.addf %parallel_loop3A_298, %parallel_loop3A_301 : vector<16xf32>
          %parallel_loop3A_303 = arith.constant 1 : i32
          %parallel_loop3A_304 = arith.constant 11 : i32
          %parallel_loop3A_305 = arith.index_cast %parallel_loop3A_303 : i32 to index
          %parallel_loop3A_306 = arith.index_cast %parallel_loop3A_304 : i32 to index
          %parallel_loop3A_307 = arith.index_cast %parallel_loop3A_99 : i32 to index
          %parallel_loop3A_308 = tpu.vector_load %arg5[%parallel_loop3A_305, %parallel_loop3A_306, %parallel_loop3A_307] {strides = array<i32>} : memref<2x25x1280xf32, #tpu.memory_space<vmem>>, vector<1x1x16xf32>,
          %parallel_loop3A_309 = vector.shape_cast %parallel_loop3A_308 : vector<1x1x16xf32> to vector<16xf32>
          %parallel_loop3A_310 = vector.shape_cast %parallel_loop3A_302 : vector<16xf32> to vector<1x1x16xf32>
          tpu.vector_store %arg5[%parallel_loop3A_305, %parallel_loop3A_306, %parallel_loop3A_307], %parallel_loop3A_310 {strides = array<i32>} : memref<2x25x1280xf32, #tpu.memory_space<vmem>>, vector<1x1x16xf32>,
          %parallel_loop3A_311 = arith.constant 1.000000e+00 : f32
          %parallel_loop3A_312 = vector.broadcast %parallel_loop3A_311 : f32 to vector<16xf32>
          %parallel_loop3A_313 = arith.mulf %parallel_loop3A_128, %parallel_loop3A_312 : vector<16xf32>
          %parallel_loop3A_314 = arith.constant -1.500000e+00 : f32
          %parallel_loop3A_315 = vector.broadcast %parallel_loop3A_314 : f32 to vector<16xf32>
          %parallel_loop3A_316 = arith.mulf %parallel_loop3A_137, %parallel_loop3A_315 : vector<16xf32>
          %parallel_loop3A_317 = arith.addf %parallel_loop3A_313, %parallel_loop3A_316 : vector<16xf32>
          %parallel_loop3A_318 = arith.constant -1.500000e+00 : f32
          %parallel_loop3A_319 = vector.broadcast %parallel_loop3A_318 : f32 to vector<16xf32>
          %parallel_loop3A_320 = arith.mulf %parallel_loop3A_138, %parallel_loop3A_319 : vector<16xf32>
          %parallel_loop3A_321 = arith.addf %parallel_loop3A_317, %parallel_loop3A_320 : vector<16xf32>
          %parallel_loop3A_322 = arith.constant 1 : i32
          %parallel_loop3A_323 = arith.constant 12 : i32
          %parallel_loop3A_324 = arith.index_cast %parallel_loop3A_322 : i32 to index
          %parallel_loop3A_325 = arith.index_cast %parallel_loop3A_323 : i32 to index
          %parallel_loop3A_326 = arith.index_cast %parallel_loop3A_99 : i32 to index
          %parallel_loop3A_327 = tpu.vector_load %arg5[%parallel_loop3A_324, %parallel_loop3A_325, %parallel_loop3A_326] {strides = array<i32>} : memref<2x25x1280xf32, #tpu.memory_space<vmem>>, vector<1x1x16xf32>,
          %parallel_loop3A_328 = vector.shape_cast %parallel_loop3A_327 : vector<1x1x16xf32> to vector<16xf32>
          %parallel_loop3A_329 = vector.shape_cast %parallel_loop3A_321 : vector<16xf32> to vector<1x1x16xf32>
          tpu.vector_store %arg5[%parallel_loop3A_324, %parallel_loop3A_325, %parallel_loop3A_326], %parallel_loop3A_329 {strides = array<i32>} : memref<2x25x1280xf32, #tpu.memory_space<vmem>>, vector<1x1x16xf32>,
          %parallel_loop3A_330 = arith.constant 2.44948983 : f32
          %parallel_loop3A_331 = vector.broadcast %parallel_loop3A_330 : f32 to vector<16xf32>
          %parallel_loop3A_332 = arith.mulf %parallel_loop3A_139, %parallel_loop3A_331 : vector<16xf32>
          %parallel_loop3A_333 = arith.constant -0.612372457 : f32
          %parallel_loop3A_334 = vector.broadcast %parallel_loop3A_333 : f32 to vector<16xf32>
          %parallel_loop3A_335 = arith.mulf %parallel_loop3A_124, %parallel_loop3A_334 : vector<16xf32>
          %parallel_loop3A_336 = arith.addf %parallel_loop3A_332, %parallel_loop3A_335 : vector<16xf32>
          %parallel_loop3A_337 = arith.constant -0.612372457 : f32
          %parallel_loop3A_338 = vector.broadcast %parallel_loop3A_337 : f32 to vector<16xf32>
          %parallel_loop3A_339 = arith.mulf %parallel_loop3A_140, %parallel_loop3A_338 : vector<16xf32>
          %parallel_loop3A_340 = arith.addf %parallel_loop3A_336, %parallel_loop3A_339 : vector<16xf32>
          %parallel_loop3A_341 = arith.constant 1 : i32
          %parallel_loop3A_342 = arith.constant 13 : i32
          %parallel_loop3A_343 = arith.index_cast %parallel_loop3A_341 : i32 to index
          %parallel_loop3A_344 = arith.index_cast %parallel_loop3A_342 : i32 to index
          %parallel_loop3A_345 = arith.index_cast %parallel_loop3A_99 : i32 to index
          %parallel_loop3A_346 = tpu.vector_load %arg5[%parallel_loop3A_343, %parallel_loop3A_344, %parallel_loop3A_345] {strides = array<i32>} : memref<2x25x1280xf32, #tpu.memory_space<vmem>>, vector<1x1x16xf32>,
          %parallel_loop3A_347 = vector.shape_cast %parallel_loop3A_346 : vector<1x1x16xf32> to vector<16xf32>
          %parallel_loop3A_348 = vector.shape_cast %parallel_loop3A_340 : vector<16xf32> to vector<1x1x16xf32>
          tpu.vector_store %arg5[%parallel_loop3A_343, %parallel_loop3A_344, %parallel_loop3A_345], %parallel_loop3A_348 {strides = array<i32>} : memref<2x25x1280xf32, #tpu.memory_space<vmem>>, vector<1x1x16xf32>,
          %parallel_loop3A_349 = arith.constant 1.93649173 : f32
          %parallel_loop3A_350 = vector.broadcast %parallel_loop3A_349 : f32 to vector<16xf32>
          %parallel_loop3A_351 = arith.mulf %parallel_loop3A_137, %parallel_loop3A_350 : vector<16xf32>
          %parallel_loop3A_352 = arith.constant -1.93649173 : f32
          %parallel_loop3A_353 = vector.broadcast %parallel_loop3A_352 : f32 to vector<16xf32>
          %parallel_loop3A_354 = arith.mulf %parallel_loop3A_138, %parallel_loop3A_353 : vector<16xf32>
          %parallel_loop3A_355 = arith.addf %parallel_loop3A_351, %parallel_loop3A_354 : vector<16xf32>
          %parallel_loop3A_356 = arith.constant 1 : i32
          %parallel_loop3A_357 = arith.constant 14 : i32
          %parallel_loop3A_358 = arith.index_cast %parallel_loop3A_356 : i32 to index
          %parallel_loop3A_359 = arith.index_cast %parallel_loop3A_357 : i32 to index
          %parallel_loop3A_360 = arith.index_cast %parallel_loop3A_99 : i32 to index
          %parallel_loop3A_361 = tpu.vector_load %arg5[%parallel_loop3A_358, %parallel_loop3A_359, %parallel_loop3A_360] {strides = array<i32>} : memref<2x25x1280xf32, #tpu.memory_space<vmem>>, vector<1x1x16xf32>,
          %parallel_loop3A_362 = vector.shape_cast %parallel_loop3A_361 : vector<1x1x16xf32> to vector<16xf32>
          %parallel_loop3A_363 = vector.shape_cast %parallel_loop3A_355 : vector<16xf32> to vector<1x1x16xf32>
          tpu.vector_store %arg5[%parallel_loop3A_358, %parallel_loop3A_359, %parallel_loop3A_360], %parallel_loop3A_363 {strides = array<i32>} : memref<2x25x1280xf32, #tpu.memory_space<vmem>>, vector<1x1x16xf32>,
          %parallel_loop3A_364 = arith.constant 0.790569424 : f32
          %parallel_loop3A_365 = vector.broadcast %parallel_loop3A_364 : f32 to vector<16xf32>
          %parallel_loop3A_366 = arith.mulf %parallel_loop3A_124, %parallel_loop3A_365 : vector<16xf32>
          %parallel_loop3A_367 = arith.constant -2.37170815 : f32
          %parallel_loop3A_368 = vector.broadcast %parallel_loop3A_367 : f32 to vector<16xf32>
          %parallel_loop3A_369 = arith.mulf %parallel_loop3A_140, %parallel_loop3A_368 : vector<16xf32>
          %parallel_loop3A_370 = arith.addf %parallel_loop3A_366, %parallel_loop3A_369 : vector<16xf32>
          %parallel_loop3A_371 = arith.constant 1 : i32
          %parallel_loop3A_372 = arith.constant 15 : i32
          %parallel_loop3A_373 = arith.index_cast %parallel_loop3A_371 : i32 to index
          %parallel_loop3A_374 = arith.index_cast %parallel_loop3A_372 : i32 to index
          %parallel_loop3A_375 = arith.index_cast %parallel_loop3A_99 : i32 to index
          %parallel_loop3A_376 = tpu.vector_load %arg5[%parallel_loop3A_373, %parallel_loop3A_374, %parallel_loop3A_375] {strides = array<i32>} : memref<2x25x1280xf32, #tpu.memory_space<vmem>>, vector<1x1x16xf32>,
          %parallel_loop3A_377 = vector.shape_cast %parallel_loop3A_376 : vector<1x1x16xf32> to vector<16xf32>
          %parallel_loop3A_378 = vector.shape_cast %parallel_loop3A_370 : vector<16xf32> to vector<1x1x16xf32>
          tpu.vector_store %arg5[%parallel_loop3A_373, %parallel_loop3A_374, %parallel_loop3A_375], %parallel_loop3A_378 {strides = array<i32>} : memref<2x25x1280xf32, #tpu.memory_space<vmem>>, vector<1x1x16xf32>,
          %parallel_loop3A_379 = arith.constant 2.958040e+00 : f32
          %parallel_loop3A_380 = vector.broadcast %parallel_loop3A_379 : f32 to vector<16xf32>
          %parallel_loop3A_381 = arith.mulf %parallel_loop3A_141, %parallel_loop3A_380 : vector<16xf32>
          %parallel_loop3A_382 = arith.constant -2.958040e+00 : f32
          %parallel_loop3A_383 = vector.broadcast %parallel_loop3A_382 : f32 to vector<16xf32>
          %parallel_loop3A_384 = arith.mulf %parallel_loop3A_142, %parallel_loop3A_383 : vector<16xf32>
          %parallel_loop3A_385 = arith.addf %parallel_loop3A_381, %parallel_loop3A_384 : vector<16xf32>
          %parallel_loop3A_386 = arith.constant 1 : i32
          %parallel_loop3A_387 = arith.constant 16 : i32
          %parallel_loop3A_388 = arith.index_cast %parallel_loop3A_386 : i32 to index
          %parallel_loop3A_389 = arith.index_cast %parallel_loop3A_387 : i32 to index
          %parallel_loop3A_390 = arith.index_cast %parallel_loop3A_99 : i32 to index
          %parallel_loop3A_391 = tpu.vector_load %arg5[%parallel_loop3A_388, %parallel_loop3A_389, %parallel_loop3A_390] {strides = array<i32>} : memref<2x25x1280xf32, #tpu.memory_space<vmem>>, vector<1x1x16xf32>,
          %parallel_loop3A_392 = vector.shape_cast %parallel_loop3A_391 : vector<1x1x16xf32> to vector<16xf32>
          %parallel_loop3A_393 = vector.shape_cast %parallel_loop3A_385 : vector<16xf32> to vector<1x1x16xf32>
          tpu.vector_store %arg5[%parallel_loop3A_388, %parallel_loop3A_389, %parallel_loop3A_390], %parallel_loop3A_393 {strides = array<i32>} : memref<2x25x1280xf32, #tpu.memory_space<vmem>>, vector<1x1x16xf32>,
          %parallel_loop3A_394 = arith.constant 6.274950e+00 : f32
          %parallel_loop3A_395 = vector.broadcast %parallel_loop3A_394 : f32 to vector<16xf32>
          %parallel_loop3A_396 = arith.mulf %parallel_loop3A_144, %parallel_loop3A_395 : vector<16xf32>
          %parallel_loop3A_397 = arith.constant -2.091650e+00 : f32
          %parallel_loop3A_398 = vector.broadcast %parallel_loop3A_397 : f32 to vector<16xf32>
          %parallel_loop3A_399 = arith.mulf %parallel_loop3A_145, %parallel_loop3A_398 : vector<16xf32>
          %parallel_loop3A_400 = arith.addf %parallel_loop3A_396, %parallel_loop3A_399 : vector<16xf32>
          %parallel_loop3A_401 = arith.constant 1 : i32
          %parallel_loop3A_402 = arith.constant 17 : i32
          %parallel_loop3A_403 = arith.index_cast %parallel_loop3A_401 : i32 to index
          %parallel_loop3A_404 = arith.index_cast %parallel_loop3A_402 : i32 to index
          %parallel_loop3A_405 = arith.index_cast %parallel_loop3A_99 : i32 to index
          %parallel_loop3A_406 = tpu.vector_load %arg5[%parallel_loop3A_403, %parallel_loop3A_404, %parallel_loop3A_405] {strides = array<i32>} : memref<2x25x1280xf32, #tpu.memory_space<vmem>>, vector<1x1x16xf32>,
          %parallel_loop3A_407 = vector.shape_cast %parallel_loop3A_406 : vector<1x1x16xf32> to vector<16xf32>
          %parallel_loop3A_408 = vector.shape_cast %parallel_loop3A_400 : vector<16xf32> to vector<1x1x16xf32>
          tpu.vector_store %arg5[%parallel_loop3A_403, %parallel_loop3A_404, %parallel_loop3A_405], %parallel_loop3A_408 {strides = array<i32>} : memref<2x25x1280xf32, #tpu.memory_space<vmem>>, vector<1x1x16xf32>,
          %parallel_loop3A_409 = arith.constant 6.70820379 : f32
          %parallel_loop3A_410 = vector.broadcast %parallel_loop3A_409 : f32 to vector<16xf32>
          %parallel_loop3A_411 = arith.mulf %parallel_loop3A_147, %parallel_loop3A_410 : vector<16xf32>
          %parallel_loop3A_412 = arith.constant -1.11803401 : f32
          %parallel_loop3A_413 = vector.broadcast %parallel_loop3A_412 : f32 to vector<16xf32>
          %parallel_loop3A_414 = arith.mulf %parallel_loop3A_141, %parallel_loop3A_413 : vector<16xf32>
          %parallel_loop3A_415 = arith.addf %parallel_loop3A_411, %parallel_loop3A_414 : vector<16xf32>
          %parallel_loop3A_416 = arith.constant -1.11803401 : f32
          %parallel_loop3A_417 = vector.broadcast %parallel_loop3A_416 : f32 to vector<16xf32>
          %parallel_loop3A_418 = arith.mulf %parallel_loop3A_142, %parallel_loop3A_417 : vector<16xf32>
          %parallel_loop3A_419 = arith.addf %parallel_loop3A_415, %parallel_loop3A_418 : vector<16xf32>
          %parallel_loop3A_420 = arith.constant 1 : i32
          %parallel_loop3A_421 = arith.constant 18 : i32
          %parallel_loop3A_422 = arith.index_cast %parallel_loop3A_420 : i32 to index
          %parallel_loop3A_423 = arith.index_cast %parallel_loop3A_421 : i32 to index
          %parallel_loop3A_424 = arith.index_cast %parallel_loop3A_99 : i32 to index
          %parallel_loop3A_425 = tpu.vector_load %arg5[%parallel_loop3A_422, %parallel_loop3A_423, %parallel_loop3A_424] {strides = array<i32>} : memref<2x25x1280xf32, #tpu.memory_space<vmem>>, vector<1x1x16xf32>,
          %parallel_loop3A_426 = vector.shape_cast %parallel_loop3A_425 : vector<1x1x16xf32> to vector<16xf32>
          %parallel_loop3A_427 = vector.shape_cast %parallel_loop3A_419 : vector<16xf32> to vector<1x1x16xf32>
          tpu.vector_store %arg5[%parallel_loop3A_422, %parallel_loop3A_423, %parallel_loop3A_424], %parallel_loop3A_427 {strides = array<i32>} : memref<2x25x1280xf32, #tpu.memory_space<vmem>>, vector<1x1x16xf32>,
          %parallel_loop3A_428 = arith.constant 3.1622777 : f32
          %parallel_loop3A_429 = vector.broadcast %parallel_loop3A_428 : f32 to vector<16xf32>
          %parallel_loop3A_430 = arith.mulf %parallel_loop3A_148, %parallel_loop3A_429 : vector<16xf32>
          %parallel_loop3A_431 = arith.constant -2.37170815 : f32
          %parallel_loop3A_432 = vector.broadcast %parallel_loop3A_431 : f32 to vector<16xf32>
          %parallel_loop3A_433 = arith.mulf %parallel_loop3A_144, %parallel_loop3A_432 : vector<16xf32>
          %parallel_loop3A_434 = arith.addf %parallel_loop3A_430, %parallel_loop3A_433 : vector<16xf32>
          %parallel_loop3A_435 = arith.constant -2.37170815 : f32
          %parallel_loop3A_436 = vector.broadcast %parallel_loop3A_435 : f32 to vector<16xf32>
          %parallel_loop3A_437 = arith.mulf %parallel_loop3A_145, %parallel_loop3A_436 : vector<16xf32>
          %parallel_loop3A_438 = arith.addf %parallel_loop3A_434, %parallel_loop3A_437 : vector<16xf32>
          %parallel_loop3A_439 = arith.constant 1 : i32
          %parallel_loop3A_440 = arith.constant 19 : i32
          %parallel_loop3A_441 = arith.index_cast %parallel_loop3A_439 : i32 to index
          %parallel_loop3A_442 = arith.index_cast %parallel_loop3A_440 : i32 to index
          %parallel_loop3A_443 = arith.index_cast %parallel_loop3A_99 : i32 to index
          %parallel_loop3A_444 = tpu.vector_load %arg5[%parallel_loop3A_441, %parallel_loop3A_442, %parallel_loop3A_443] {strides = array<i32>} : memref<2x25x1280xf32, #tpu.memory_space<vmem>>, vector<1x1x16xf32>,
          %parallel_loop3A_445 = vector.shape_cast %parallel_loop3A_444 : vector<1x1x16xf32> to vector<16xf32>
          %parallel_loop3A_446 = vector.shape_cast %parallel_loop3A_438 : vector<16xf32> to vector<1x1x16xf32>
          tpu.vector_store %arg5[%parallel_loop3A_441, %parallel_loop3A_442, %parallel_loop3A_443], %parallel_loop3A_446 {strides = array<i32>} : memref<2x25x1280xf32, #tpu.memory_space<vmem>>, vector<1x1x16xf32>,
          %parallel_loop3A_447 = arith.constant 1.000000e+00 : f32
          %parallel_loop3A_448 = vector.broadcast %parallel_loop3A_447 : f32 to vector<16xf32>
          %parallel_loop3A_449 = arith.mulf %parallel_loop3A_129, %parallel_loop3A_448 : vector<16xf32>
          %parallel_loop3A_450 = arith.constant -3.000000e+00 : f32
          %parallel_loop3A_451 = vector.broadcast %parallel_loop3A_450 : f32 to vector<16xf32>
          %parallel_loop3A_452 = arith.mulf %parallel_loop3A_149, %parallel_loop3A_451 : vector<16xf32>
          %parallel_loop3A_453 = arith.addf %parallel_loop3A_449, %parallel_loop3A_452 : vector<16xf32>
          %parallel_loop3A_454 = arith.constant -3.000000e+00 : f32
          %parallel_loop3A_455 = vector.broadcast %parallel_loop3A_454 : f32 to vector<16xf32>
          %parallel_loop3A_456 = arith.mulf %parallel_loop3A_150, %parallel_loop3A_455 : vector<16xf32>
          %parallel_loop3A_457 = arith.addf %parallel_loop3A_453, %parallel_loop3A_456 : vector<16xf32>
          %parallel_loop3A_458 = arith.constant 3.750000e-01 : f32
          %parallel_loop3A_459 = vector.broadcast %parallel_loop3A_458 : f32 to vector<16xf32>
          %parallel_loop3A_460 = arith.mulf %parallel_loop3A_125, %parallel_loop3A_459 : vector<16xf32>
          %parallel_loop3A_461 = arith.addf %parallel_loop3A_457, %parallel_loop3A_460 : vector<16xf32>
          %parallel_loop3A_462 = arith.constant 7.500000e-01 : f32
          %parallel_loop3A_463 = vector.broadcast %parallel_loop3A_462 : f32 to vector<16xf32>
          %parallel_loop3A_464 = arith.mulf %parallel_loop3A_151, %parallel_loop3A_463 : vector<16xf32>
          %parallel_loop3A_465 = arith.addf %parallel_loop3A_461, %parallel_loop3A_464 : vector<16xf32>
          %parallel_loop3A_466 = arith.constant 3.750000e-01 : f32
          %parallel_loop3A_467 = vector.broadcast %parallel_loop3A_466 : f32 to vector<16xf32>
          %parallel_loop3A_468 = arith.mulf %parallel_loop3A_127, %parallel_loop3A_467 : vector<16xf32>
          %parallel_loop3A_469 = arith.addf %parallel_loop3A_465, %parallel_loop3A_468 : vector<16xf32>
          %parallel_loop3A_470 = arith.constant 1 : i32
          %parallel_loop3A_471 = arith.constant 20 : i32
          %parallel_loop3A_472 = arith.index_cast %parallel_loop3A_470 : i32 to index
          %parallel_loop3A_473 = arith.index_cast %parallel_loop3A_471 : i32 to index
          %parallel_loop3A_474 = arith.index_cast %parallel_loop3A_99 : i32 to index
          %parallel_loop3A_475 = tpu.vector_load %arg5[%parallel_loop3A_472, %parallel_loop3A_473, %parallel_loop3A_474] {strides = array<i32>} : memref<2x25x1280xf32, #tpu.memory_space<vmem>>, vector<1x1x16xf32>,
          %parallel_loop3A_476 = vector.shape_cast %parallel_loop3A_475 : vector<1x1x16xf32> to vector<16xf32>
          %parallel_loop3A_477 = vector.shape_cast %parallel_loop3A_469 : vector<16xf32> to vector<1x1x16xf32>
          tpu.vector_store %arg5[%parallel_loop3A_472, %parallel_loop3A_473, %parallel_loop3A_474], %parallel_loop3A_477 {strides = array<i32>} : memref<2x25x1280xf32, #tpu.memory_space<vmem>>, vector<1x1x16xf32>,
          %parallel_loop3A_478 = arith.constant 3.1622777 : f32
          %parallel_loop3A_479 = vector.broadcast %parallel_loop3A_478 : f32 to vector<16xf32>
          %parallel_loop3A_480 = arith.mulf %parallel_loop3A_152, %parallel_loop3A_479 : vector<16xf32>
          %parallel_loop3A_481 = arith.constant -2.37170815 : f32
          %parallel_loop3A_482 = vector.broadcast %parallel_loop3A_481 : f32 to vector<16xf32>
          %parallel_loop3A_483 = arith.mulf %parallel_loop3A_153, %parallel_loop3A_482 : vector<16xf32>
          %parallel_loop3A_484 = arith.addf %parallel_loop3A_480, %parallel_loop3A_483 : vector<16xf32>
          %parallel_loop3A_485 = arith.constant -2.37170815 : f32
          %parallel_loop3A_486 = vector.broadcast %parallel_loop3A_485 : f32 to vector<16xf32>
          %parallel_loop3A_487 = arith.mulf %parallel_loop3A_155, %parallel_loop3A_486 : vector<16xf32>
          %parallel_loop3A_488 = arith.addf %parallel_loop3A_484, %parallel_loop3A_487 : vector<16xf32>
          %parallel_loop3A_489 = arith.constant 1 : i32
          %parallel_loop3A_490 = arith.constant 21 : i32
          %parallel_loop3A_491 = arith.index_cast %parallel_loop3A_489 : i32 to index
          %parallel_loop3A_492 = arith.index_cast %parallel_loop3A_490 : i32 to index
          %parallel_loop3A_493 = arith.index_cast %parallel_loop3A_99 : i32 to index
          %parallel_loop3A_494 = tpu.vector_load %arg5[%parallel_loop3A_491, %parallel_loop3A_492, %parallel_loop3A_493] {strides = array<i32>} : memref<2x25x1280xf32, #tpu.memory_space<vmem>>, vector<1x1x16xf32>,
          %parallel_loop3A_495 = vector.shape_cast %parallel_loop3A_494 : vector<1x1x16xf32> to vector<16xf32>
          %parallel_loop3A_496 = vector.shape_cast %parallel_loop3A_488 : vector<16xf32> to vector<1x1x16xf32>
          tpu.vector_store %arg5[%parallel_loop3A_491, %parallel_loop3A_492, %parallel_loop3A_493], %parallel_loop3A_496 {strides = array<i32>} : memref<2x25x1280xf32, #tpu.memory_space<vmem>>, vector<1x1x16xf32>,
          %parallel_loop3A_497 = arith.constant 3.3541019 : f32
          %parallel_loop3A_498 = vector.broadcast %parallel_loop3A_497 : f32 to vector<16xf32>
          %parallel_loop3A_499 = arith.mulf %parallel_loop3A_149, %parallel_loop3A_498 : vector<16xf32>
          %parallel_loop3A_500 = arith.constant -3.3541019 : f32
          %parallel_loop3A_501 = vector.broadcast %parallel_loop3A_500 : f32 to vector<16xf32>
          %parallel_loop3A_502 = arith.mulf %parallel_loop3A_150, %parallel_loop3A_501 : vector<16xf32>
          %parallel_loop3A_503 = arith.addf %parallel_loop3A_499, %parallel_loop3A_502 : vector<16xf32>
          %parallel_loop3A_504 = arith.constant -5.590170e-01 : f32
          %parallel_loop3A_505 = vector.broadcast %parallel_loop3A_504 : f32 to vector<16xf32>
          %parallel_loop3A_506 = arith.mulf %parallel_loop3A_125, %parallel_loop3A_505 : vector<16xf32>
          %parallel_loop3A_507 = arith.addf %parallel_loop3A_503, %parallel_loop3A_506 : vector<16xf32>
          %parallel_loop3A_508 = arith.constant 0.000000e+00 : f32
          %parallel_loop3A_509 = vector.broadcast %parallel_loop3A_508 : f32 to vector<16xf32>
          %parallel_loop3A_510 = arith.mulf %parallel_loop3A_151, %parallel_loop3A_509 : vector<16xf32>
          %parallel_loop3A_511 = arith.addf %parallel_loop3A_507, %parallel_loop3A_510 : vector<16xf32>
          %parallel_loop3A_512 = arith.constant 5.590170e-01 : f32
          %parallel_loop3A_513 = vector.broadcast %parallel_loop3A_512 : f32 to vector<16xf32>
          %parallel_loop3A_514 = arith.mulf %parallel_loop3A_127, %parallel_loop3A_513 : vector<16xf32>
          %parallel_loop3A_515 = arith.addf %parallel_loop3A_511, %parallel_loop3A_514 : vector<16xf32>
          %parallel_loop3A_516 = arith.constant 1 : i32
          %parallel_loop3A_517 = arith.constant 22 : i32
          %parallel_loop3A_518 = arith.index_cast %parallel_loop3A_516 : i32 to index
          %parallel_loop3A_519 = arith.index_cast %parallel_loop3A_517 : i32 to index
          %parallel_loop3A_520 = arith.index_cast %parallel_loop3A_99 : i32 to index
          %parallel_loop3A_521 = tpu.vector_load %arg5[%parallel_loop3A_518, %parallel_loop3A_519, %parallel_loop3A_520] {strides = array<i32>} : memref<2x25x1280xf32, #tpu.memory_space<vmem>>, vector<1x1x16xf32>,
          %parallel_loop3A_522 = vector.shape_cast %parallel_loop3A_521 : vector<1x1x16xf32> to vector<16xf32>
          %parallel_loop3A_523 = vector.shape_cast %parallel_loop3A_515 : vector<16xf32> to vector<1x1x16xf32>
          tpu.vector_store %arg5[%parallel_loop3A_518, %parallel_loop3A_519, %parallel_loop3A_520], %parallel_loop3A_523 {strides = array<i32>} : memref<2x25x1280xf32, #tpu.memory_space<vmem>>, vector<1x1x16xf32>,
          %parallel_loop3A_524 = arith.constant 2.091650e+00 : f32
          %parallel_loop3A_525 = vector.broadcast %parallel_loop3A_524 : f32 to vector<16xf32>
          %parallel_loop3A_526 = arith.mulf %parallel_loop3A_153, %parallel_loop3A_525 : vector<16xf32>
          %parallel_loop3A_527 = arith.constant -6.274950e+00 : f32
          %parallel_loop3A_528 = vector.broadcast %parallel_loop3A_527 : f32 to vector<16xf32>
          %parallel_loop3A_529 = arith.mulf %parallel_loop3A_155, %parallel_loop3A_528 : vector<16xf32>
          %parallel_loop3A_530 = arith.addf %parallel_loop3A_526, %parallel_loop3A_529 : vector<16xf32>
          %parallel_loop3A_531 = arith.constant 1 : i32
          %parallel_loop3A_532 = arith.constant 23 : i32
          %parallel_loop3A_533 = arith.index_cast %parallel_loop3A_531 : i32 to index
          %parallel_loop3A_534 = arith.index_cast %parallel_loop3A_532 : i32 to index
          %parallel_loop3A_535 = arith.index_cast %parallel_loop3A_99 : i32 to index
          %parallel_loop3A_536 = tpu.vector_load %arg5[%parallel_loop3A_533, %parallel_loop3A_534, %parallel_loop3A_535] {strides = array<i32>} : memref<2x25x1280xf32, #tpu.memory_space<vmem>>, vector<1x1x16xf32>,
          %parallel_loop3A_537 = vector.shape_cast %parallel_loop3A_536 : vector<1x1x16xf32> to vector<16xf32>
          %parallel_loop3A_538 = vector.shape_cast %parallel_loop3A_530 : vector<16xf32> to vector<1x1x16xf32>
          tpu.vector_store %arg5[%parallel_loop3A_533, %parallel_loop3A_534, %parallel_loop3A_535], %parallel_loop3A_538 {strides = array<i32>} : memref<2x25x1280xf32, #tpu.memory_space<vmem>>, vector<1x1x16xf32>,
          %parallel_loop3A_539 = arith.constant 0.739509999 : f32
          %parallel_loop3A_540 = vector.broadcast %parallel_loop3A_539 : f32 to vector<16xf32>
          %parallel_loop3A_541 = arith.mulf %parallel_loop3A_125, %parallel_loop3A_540 : vector<16xf32>
          %parallel_loop3A_542 = arith.constant -4.437060e+00 : f32
          %parallel_loop3A_543 = vector.broadcast %parallel_loop3A_542 : f32 to vector<16xf32>
          %parallel_loop3A_544 = arith.mulf %parallel_loop3A_151, %parallel_loop3A_543 : vector<16xf32>
          %parallel_loop3A_545 = arith.addf %parallel_loop3A_541, %parallel_loop3A_544 : vector<16xf32>
          %parallel_loop3A_546 = arith.constant 0.739509999 : f32
          %parallel_loop3A_547 = vector.broadcast %parallel_loop3A_546 : f32 to vector<16xf32>
          %parallel_loop3A_548 = arith.mulf %parallel_loop3A_127, %parallel_loop3A_547 : vector<16xf32>
          %parallel_loop3A_549 = arith.addf %parallel_loop3A_545, %parallel_loop3A_548 : vector<16xf32>
          %parallel_loop3A_550 = arith.constant 1 : i32
          %parallel_loop3A_551 = arith.constant 24 : i32
          %parallel_loop3A_552 = arith.index_cast %parallel_loop3A_550 : i32 to index
          %parallel_loop3A_553 = arith.index_cast %parallel_loop3A_551 : i32 to index
          %parallel_loop3A_554 = arith.index_cast %parallel_loop3A_99 : i32 to index
          %parallel_loop3A_555 = tpu.vector_load %arg5[%parallel_loop3A_552, %parallel_loop3A_553, %parallel_loop3A_554] {strides = array<i32>} : memref<2x25x1280xf32, #tpu.memory_space<vmem>>, vector<1x1x16xf32>,
          %parallel_loop3A_556 = vector.shape_cast %parallel_loop3A_555 : vector<1x1x16xf32> to vector<16xf32>
          %parallel_loop3A_557 = vector.shape_cast %parallel_loop3A_549 : vector<16xf32> to vector<1x1x16xf32>
          tpu.vector_store %arg5[%parallel_loop3A_552, %parallel_loop3A_553, %parallel_loop3A_554], %parallel_loop3A_557 {strides = array<i32>} : memref<2x25x1280xf32, #tpu.memory_space<vmem>>, vector<1x1x16xf32>,
        } {sc.loop_unroll_factor = 8 : i64, sc.parallel_access}
        %mul3A_72 = arith.constant 32 : i32
        %mul3A_73 = arith.muli %add3A_35, %mul3A_72 : i32
        %add3A_74 = arith.addi %mul3A_73, %add3A : i32
        %mul3A_75 = arith.constant 1280 : i32
        %mul3A_76 = arith.muli %add3A_74, %mul3A_75 : i32
        %dma_start3A = arith.constant 1 : i32
        %dma_start3A_77 = arith.constant 0 : i32
        %dma_start3A_78 = arith.constant 0 : i32
        %dma_start3A_79 = tpu.memref_slice %arg5[%dma_start3A, %dma_start3A_77, %dma_start3A_78] : memref<2x25x1280xf32, #tpu.memory_space<vmem>> -> memref<1x25x1280xf32, #tpu.memory_space<vmem>>
        %dma_start3A_80 = tpu.memref_squeeze %dma_start3A_79 : memref<1x25x1280xf32, #tpu.memory_space<vmem>> -> memref<25x1280xf32, #tpu.memory_space<vmem>>
        %dma_start3A_81 = arith.constant 0 : i32
        %dma_start3A_82 = tpu.memref_slice %arg3[%dma_start3A_81, %mul3A_76] : memref<25x800000xf32, #tpu.memory_space<hbm>> -> memref<25x1280xf32, #tpu.memory_space<hbm>>
        %dma_start3A_83 = arith.constant 0 : i32
        %dma_start3A_84 = tpu.memref_slice %arg3[%dma_start3A_83, %mul3A_76] : memref<25x800000xf32, #tpu.memory_space<hbm>> -> memref<25x1280xf32, #tpu.memory_space<hbm>>
        %dma_start3A_85 = arith.constant 0 : i32
        %dma_start3A_86 = arith.constant 0 : i32
        %dma_start3A_87 = tpu.memref_slice %arg5[%dma_start3A, %dma_start3A_85, %dma_start3A_86] : memref<2x25x1280xf32, #tpu.memory_space<vmem>> -> memref<1x25x1280xf32, #tpu.memory_space<vmem>>
        %dma_start3A_88 = tpu.memref_squeeze %dma_start3A_87 : memref<1x25x1280xf32, #tpu.memory_space<vmem>> -> memref<25x1280xf32, #tpu.memory_space<vmem>>
        tpu.enqueue_dma source(%dma_start3A_88 : memref<25x1280xf32, #tpu.memory_space<vmem>>) target(%dma_start3A_84 : memref<25x1280xf32, #tpu.memory_space<hbm>>) target_semaphore(%arg9 : memref<!tpu.dma_semaphore, #tpu.memory_space<semaphore_mem>>)
        %add3A_89 = arith.constant 2 : i32
        %add3A_90 = arith.addi %add3A_35, %add3A_89 : i32
        %mul3A_91 = arith.constant 32 : i32
        %mul3A_92 = arith.muli %add3A_90, %mul3A_91 : i32
        %add3A_93 = arith.addi %mul3A_92, %add3A : i32
        %lt3A_94 = arith.constant 625 : i32
        %lt3A_95 = arith.cmpi slt, %add3A_93, %lt3A_94 : i32
        %convert_element_type3A_96 = arith.extui %lt3A_95 : i1 to i32
        %cond3A_97 = arith.constant 0 : i32
        %cond3A_98 = arith.cmpi ne, %convert_element_type3A_96, %cond3A_97 : i32
        scf.if %cond3A_98 {
          %add3A_99 = arith.constant 2 : i32
          %add3A_100 = arith.addi %add3A_35, %add3A_99 : i32
          %mul3A_101 = arith.constant 32 : i32
          %mul3A_102 = arith.muli %add3A_100, %mul3A_101 : i32
          %add3A_103 = arith.addi %mul3A_102, %add3A : i32
          %mul3A_104 = arith.constant 1280 : i32
          %mul3A_105 = arith.muli %add3A_103, %mul3A_104 : i32
          %dma_start3A_106 = arith.constant 1 : i32
          %dma_start3A_107 = arith.constant 0 : i32
          %dma_start3A_108 = arith.constant 0 : i32
          %dma_start3A_109 = tpu.memref_slice %arg4[%dma_start3A_106, %dma_start3A_107, %dma_start3A_108] : memref<2x3x1280xf32, #tpu.memory_space<vmem>> -> memref<1x3x1280xf32, #tpu.memory_space<vmem>>
          %dma_start3A_110 = tpu.memref_squeeze %dma_start3A_109 : memref<1x3x1280xf32, #tpu.memory_space<vmem>> -> memref<3x1280xf32, #tpu.memory_space<vmem>>
          %dma_start3A_111 = arith.constant 0 : i32
          %dma_start3A_112 = tpu.memref_slice %arg2[%dma_start3A_111, %mul3A_105] : memref<3x800000xf32, #tpu.memory_space<hbm>> -> memref<3x1280xf32, #tpu.memory_space<hbm>>
          %dma_start3A_113 = arith.constant 0 : i32
          %dma_start3A_114 = arith.constant 0 : i32
          %dma_start3A_115 = tpu.memref_slice %arg4[%dma_start3A_106, %dma_start3A_113, %dma_start3A_114] : memref<2x3x1280xf32, #tpu.memory_space<vmem>> -> memref<1x3x1280xf32, #tpu.memory_space<vmem>>
          %dma_start3A_116 = tpu.memref_squeeze %dma_start3A_115 : memref<1x3x1280xf32, #tpu.memory_space<vmem>> -> memref<3x1280xf32, #tpu.memory_space<vmem>>
          %dma_start3A_117 = arith.constant 0 : i32
          %dma_start3A_118 = tpu.memref_slice %arg2[%dma_start3A_117, %mul3A_105] : memref<3x800000xf32, #tpu.memory_space<hbm>> -> memref<3x1280xf32, #tpu.memory_space<hbm>>
          tpu.enqueue_dma source(%dma_start3A_118 : memref<3x1280xf32, #tpu.memory_space<hbm>>) target(%dma_start3A_116 : memref<3x1280xf32, #tpu.memory_space<vmem>>) target_semaphore(%arg7 : memref<!tpu.dma_semaphore, #tpu.memory_space<semaphore_mem>>)
        } else {
        }
      } else {
      }
    }
    %scan3A_16 = arith.constant 10 : i32
    %add3A_17 = arith.constant 0 : i32
    %add3A_18 = arith.addi %add3A_17, %add3A : i32
    %lt3A_19 = arith.constant 625 : i32
    %lt3A_20 = arith.cmpi slt, %add3A_18, %lt3A_19 : i32
    %convert_element_type3A_21 = arith.extui %lt3A_20 : i1 to i32
    %cond3A_22 = arith.constant 0 : i32
    %cond3A_23 = arith.cmpi ne, %convert_element_type3A_21, %cond3A_22 : i32
    scf.if %cond3A_23 {
      %dma_wait3A = arith.constant 0 : i32
      %dma_wait3A_31 = arith.constant 0 : i32
      %dma_wait3A_32 = arith.constant 0 : i32
      %dma_wait3A_33 = tpu.memref_slice %arg5[%dma_wait3A, %dma_wait3A_31, %dma_wait3A_32] : memref<2x25x1280xf32, #tpu.memory_space<vmem>> -> memref<1x25x1280xf32, #tpu.memory_space<vmem>>
      %dma_wait3A_34 = tpu.memref_squeeze %dma_wait3A_33 : memref<1x25x1280xf32, #tpu.memory_space<vmem>> -> memref<25x1280xf32, #tpu.memory_space<vmem>>
      %dma_wait3A_35 = arith.constant 0 : i32
      %dma_wait3A_36 = arith.constant 0 : i32
      %dma_wait3A_37 = tpu.memref_slice %arg3[%dma_wait3A_35, %dma_wait3A_36] : memref<25x800000xf32, #tpu.memory_space<hbm>> -> memref<25x1280xf32, #tpu.memory_space<hbm>>
      %dma_wait3A_38 = arith.constant 0 : i32
      %dma_wait3A_39 = arith.constant 0 : i32
      %dma_wait3A_40 = tpu.memref_slice %arg5[%dma_wait3A, %dma_wait3A_38, %dma_wait3A_39] : memref<2x25x1280xf32, #tpu.memory_space<vmem>> -> memref<1x25x1280xf32, #tpu.memory_space<vmem>>
      %dma_wait3A_41 = tpu.memref_squeeze %dma_wait3A_40 : memref<1x25x1280xf32, #tpu.memory_space<vmem>> -> memref<25x1280xf32, #tpu.memory_space<vmem>>
      %dma_wait3A_42 = arith.constant 0 : i32
      %dma_wait3A_43 = arith.constant 0 : i32
      %dma_wait3A_44 = tpu.memref_slice %arg3[%dma_wait3A_42, %dma_wait3A_43] : memref<25x800000xf32, #tpu.memory_space<hbm>> -> memref<25x1280xf32, #tpu.memory_space<hbm>>
      tpu.wait_dma2 semaphore(%arg8 : memref<!tpu.dma_semaphore, #tpu.memory_space<semaphore_mem>>) src(%dma_wait3A_44 : memref<25x1280xf32, #tpu.memory_space<hbm>>) dst(%dma_wait3A_41 : memref<25x1280xf32, #tpu.memory_space<vmem>>)
    } else {
    }
    %add3A_24 = arith.constant 32 : i32
    %add3A_25 = arith.addi %add3A_24, %add3A : i32
    %lt3A_26 = arith.constant 625 : i32
    %lt3A_27 = arith.cmpi slt, %add3A_25, %lt3A_26 : i32
    %convert_element_type3A_28 = arith.extui %lt3A_27 : i1 to i32
    %cond3A_29 = arith.constant 0 : i32
    %cond3A_30 = arith.cmpi ne, %convert_element_type3A_28, %cond3A_29 : i32
    scf.if %cond3A_30 {
      %dma_wait3A = arith.constant 1 : i32
      %dma_wait3A_31 = arith.constant 0 : i32
      %dma_wait3A_32 = arith.constant 0 : i32
      %dma_wait3A_33 = tpu.memref_slice %arg5[%dma_wait3A, %dma_wait3A_31, %dma_wait3A_32] : memref<2x25x1280xf32, #tpu.memory_space<vmem>> -> memref<1x25x1280xf32, #tpu.memory_space<vmem>>
      %dma_wait3A_34 = tpu.memref_squeeze %dma_wait3A_33 : memref<1x25x1280xf32, #tpu.memory_space<vmem>> -> memref<25x1280xf32, #tpu.memory_space<vmem>>
      %dma_wait3A_35 = arith.constant 0 : i32
      %dma_wait3A_36 = arith.constant 0 : i32
      %dma_wait3A_37 = tpu.memref_slice %arg3[%dma_wait3A_35, %dma_wait3A_36] : memref<25x800000xf32, #tpu.memory_space<hbm>> -> memref<25x1280xf32, #tpu.memory_space<hbm>>
      %dma_wait3A_38 = arith.constant 0 : i32
      %dma_wait3A_39 = arith.constant 0 : i32
      %dma_wait3A_40 = tpu.memref_slice %arg5[%dma_wait3A, %dma_wait3A_38, %dma_wait3A_39] : memref<2x25x1280xf32, #tpu.memory_space<vmem>> -> memref<1x25x1280xf32, #tpu.memory_space<vmem>>
      %dma_wait3A_41 = tpu.memref_squeeze %dma_wait3A_40 : memref<1x25x1280xf32, #tpu.memory_space<vmem>> -> memref<25x1280xf32, #tpu.memory_space<vmem>>
      %dma_wait3A_42 = arith.constant 0 : i32
      %dma_wait3A_43 = arith.constant 0 : i32
      %dma_wait3A_44 = tpu.memref_slice %arg3[%dma_wait3A_42, %dma_wait3A_43] : memref<25x800000xf32, #tpu.memory_space<hbm>> -> memref<25x1280xf32, #tpu.memory_space<hbm>>
      tpu.wait_dma2 semaphore(%arg9 : memref<!tpu.dma_semaphore, #tpu.memory_space<semaphore_mem>>) src(%dma_wait3A_44 : memref<25x1280xf32, #tpu.memory_space<hbm>>) dst(%dma_wait3A_41 : memref<25x1280xf32, #tpu.memory_space<vmem>>)
    } else {
    }
    return
  }
}

</mosaic_0001>

<sc_bundles>
// kernel: kernel.3.cloned.1.call-start
scs
__scs_entry_jumppad:
0x0: {  	(pc) =	sbr.rel $0x88, $3  }
0x1: {  	(tag) =	ssettag $0x0;
	lr =	simm.s32 $0x1  }
0x2: {  	[smem:$0x3FA0] =	sst lr;
	_ =	strace $0xD0000000  }
0x3: {  	_ = 	snop  }
0x4: {  	_ = 	snop  }
0x5: {  	_ = 	snop  }
0x6: {  	_ = 	snop  }
0x7: {  	_ = 	snop  }
__scs_overlays_trampoline_lowered:
0x8: {  	[smem:$0x3FAF] =	sst s0  }
0x9: {  	[smem:$0x3FB0] =	sst s1  }
0xa: {  	[smem:$0x3FB1] =	sst s2  }
0xb: {  	[smem:$0x3FB2] =	sst s3  }
0xc: {  	[smem:$0x3FB3] =	sst s4  }
0xd: {  	[smem:$0x3FB4] =	sst s5  }
0xe: {  	[smem:$0x3FB5] =	sst s6  }
0xf: {  	[smem:$0x3FB6] =	sst s7  }
0x10: {  	[smem:$0x3FB7] =	sst s8  }
0x11: {  	[smem:$0x3FB8] =	sst s9;
	s0 =	simm.s32 @!p0 $0x0  }
0x12: {  	s1 =	sld [smem:$0x3F9E];
	s0 =	simm.s32 @p0 $0x1  }
0x13: {  	[smem:$0x3FB9] =	sst s0;
	s0 =	simm.s32 @!p1 $0x0  }
0x14: {  	s2 =	sld [smem:$0x3F9D];
	s0 =	simm.s32 @p1 $0x1  }
0x15: {  	[smem:$0x3FBA] =	sst s0;
	s0 =	simm.s32 @!p2 $0x0  }
0x16: {  	s3 =	sld [smem:$0x3FDB];
	s0 =	simm.s32 @p2 $0x1  }
0x17: {  	s4 =	simm.s32 $0x1BF5;
	[smem:$0x3FBC] =	sst s0  }
0x18: {  	s0 =	sld [smem:$0x3F9F];
	_ =	swait.ge [sflag:s4], $0x0  }
0x19: {  	s7 =	sld [smem:$0x3FA0]  }
0x1a: {  	s8 =	sadd.s32 $0xFFFFE003, lr  }
0x1b: {  	s9 =	sadd.s32 $0xFFFFFEF7, lr;
	s5 =	simm.s32 $0xFFFFFFFF;
	p2 =	slt.u32 s8, $0xFFFFF086  }
0x1c: {  	p1 =	slt.u32 s9, $0xF7A;
	s5 =	simm.s32 @!p2 $0x0  }
0x1d: {  	s5 =	simm.s32 @p1 $0x1;
	p0 =	seq.s32 s7, s2  }
0x1e: {  	s7 =	smul.u32 @!p0 $0xF7A, s2;
	p2 =	seq.s32 @!p0 s5, $0x0  }
0x1f: {  	s9 =	smul.u32 $0xF7A, s1;
	s8 =	simm.s32 @!p0 $0x1BF5;
	p2 =	por !p2, p0  }
0x20: {  	[sflag:s8] =	ssyncset.s32 @!p0 $0xFFFFF086;
	s6 =	sadd.s32 @!p0 s3, s7;
	s7 =	simm.s32 @!p0 $0x108  }
0x21: {  	s3 =	sadd.s32 s3, s9;
	s6 =	sadd.s32 @!p0 $0x88, s6;
	s7 =	simm.s32 @p2 $0x1082  }
0x22: {  	[simem:s7], [sflag:s8] =	dma.local @!p0 [hbm:s6], $0xF7A  }
0x23: {  	s9 =	sor.u32 $0xD0000000, s2;
	s6 =	simm.s32 $0x108;
	_ =	swait.ge @!p0 [sflag:s8], $0x0  }
0x24: {  	s3 =	sadd.s32 $0x88, s3;
	s6 =	simm.s32 @!p1 $0x1082;
	[sflag:s4] =	ssyncset.s32 $0xFFFFF086  }
0x25: {  	[simem:s6], [sflag:s4] =	dma.local [hbm:s3], $0xF7A  }
0x26: {  	[smem:$0x3FA0] =	sst s1;
	(tag) =	ssettag s2;
	_ =	strace s9  }
0x27: {  	s1 =	sld [smem:$0x3FB0]  }
0x28: {  	s2 =	sld [smem:$0x3FB1]  }
0x29: {  	s4 =	sld [smem:$0x3FB3]  }
0x2a: {  	p0 =	seq.s32 s5, $0x0;
	s5 =	sld [smem:$0x3FB4]  }
0x2b: {  	s6 =	sld [smem:$0x3FB5]  }
0x2c: {  	s7 =	sld [smem:$0x3FB6]  }
0x2d: {  	s3 =	simm.s32 $0x108;
	s8 =	sld [smem:$0x3FB7]  }
0x2e: {  	s3 =	simm.s32 @!p0 $0x1082;
	s9 =	sld [smem:$0x3FB8]  }
0x2f: {  	lr =	sadd.s32 s0, s3;
	s0 =	sld [smem:$0x3FAF]  }
0x30: {  	s3 =	sld [smem:$0x3FB2]  }
0x31: {  	[smem:$0x3FBB] =	sst s10  }
0x32: {  	s10 =	sld [smem:$0x3FB9];
	_ =	sdelay $0x3  }
0x33: {  	p0 =	seq.s32 s10, $0x1;
	s10 =	sld [smem:$0x3FBB];
	_ =	sdelay $0x3  }
0x34: {  	[smem:$0x3FBB] =	sst s10  }
0x35: {  	s10 =	sld [smem:$0x3FBA];
	_ =	sdelay $0x3  }
0x36: {  	p1 =	seq.s32 s10, $0x1;
	s10 =	sld [smem:$0x3FBB];
	_ =	sdelay $0x3  }
0x37: {  	[smem:$0x3FBB] =	sst s10  }
0x38: {  	s10 =	sld [smem:$0x3FBC]  }
0x39: {  	_ = 	snop;
	(pc) =	sbr.ind lr, $3  }
0x3a: {  	_ = 	snop  }
0x3b: {  	_ = 	snop  }
0x3c: {  	p2 =	seq.s32 s10, $0x1;
	s10 =	sld [smem:$0x3FBB]  }
0x3d: {  	_ =	shalt  }
0x3e: {  	_ =	shalt  }
0x3f: {  	_ =	shalt  }
0x40: {  	_ =	shalt  }
0x41: {  	_ =	shalt  }
0x42: {  	_ =	shalt  }
0x43: {  	_ =	shalt  }
0x44: {  	_ =	shalt  }
0x45: {  	_ =	shalt  }
0x46: {  	_ =	shalt  }
0x47: {  	_ =	shalt  }
0x48: {  	_ =	shalt  }
0x49: {  	_ =	shalt  }
0x4a: {  	_ =	shalt  }
0x4b: {  	_ =	shalt  }
0x4c: {  	_ =	shalt  }
0x4d: {  	_ =	shalt  }
0x4e: {  	_ =	shalt  }
0x4f: {  	_ =	shalt  }
0x50: {  	_ =	shalt  }
0x51: {  	_ =	shalt  }
0x52: {  	_ =	shalt  }
0x53: {  	_ =	shalt  }
0x54: {  	_ =	shalt  }
0x55: {  	_ =	shalt  }
0x56: {  	_ =	shalt  }
0x57: {  	_ =	shalt  }
0x58: {  	_ =	shalt  }
0x59: {  	_ =	shalt  }
0x5a: {  	_ =	shalt  }
0x5b: {  	_ =	shalt  }
0x5c: {  	_ =	shalt  }
0x5d: {  	_ =	shalt  }
0x5e: {  	_ =	shalt  }
0x5f: {  	_ =	shalt  }
0x60: {  	_ =	shalt  }
0x61: {  	_ =	shalt  }
0x62: {  	_ =	shalt  }
0x63: {  	_ =	shalt  }
0x64: {  	_ =	shalt  }
0x65: {  	_ =	shalt  }
0x66: {  	_ =	shalt  }
0x67: {  	_ =	shalt  }
0x68: {  	_ =	shalt  }
0x69: {  	_ =	shalt  }
0x6a: {  	_ =	shalt  }
0x6b: {  	_ =	shalt  }
0x6c: {  	_ =	shalt  }
0x6d: {  	_ =	shalt  }
0x6e: {  	_ =	shalt  }
0x6f: {  	_ =	shalt  }
0x70: {  	_ =	shalt  }
0x71: {  	_ =	shalt  }
0x72: {  	_ =	shalt  }
0x73: {  	_ =	shalt  }
0x74: {  	_ =	shalt  }
0x75: {  	_ =	shalt  }
0x76: {  	_ =	shalt  }
0x77: {  	_ =	shalt  }
0x78: {  	_ =	shalt  }
0x79: {  	_ =	shalt  }
0x7a: {  	_ =	shalt  }
0x7b: {  	_ =	shalt  }
0x7c: {  	_ =	shalt  }
0x7d: {  	_ =	shalt  }
0x7e: {  	_ =	shalt  }
0x7f: {  	_ =	shalt  }
0x80: {  	_ =	shalt  }
0x81: {  	_ =	shalt  }
0x82: {  	_ =	shalt  }
0x83: {  	_ =	shalt  }
0x84: {  	_ =	shalt  }
0x85: {  	_ =	shalt  }
0x86: {  	_ =	shalt  }
0x87: {  	_ =	shalt  }
.Lfunc_end0:
.L_simem_size_0:
called_computation_lowered:
.L_overlay_start_0:
0x88: {  	s2 =	sld [smem:$0x3FD9]  }
0x89: {  	s3 =	sld [smem:$0x3FFE];
	_ =	sdelay $0x1  }
0x8a: {  	s1 =	srdreg.scid  }
0x8b: {  	s0 =	sand.u32 $0x1, s1  }
0x8c: {  	s18 =	sshll.u32 s0, $0xA;
	s2 =	sadd.s32 s3, s2  }
0x8d: {  	s2 =	sadd.s32 s2, s18  }
0x8e: {  	[smem:$0x3FC7] =	sst s2  }
0x8f: {  	_ = 	snop  }
0x90: {  	s2 =	sld [smem:$0x3FC9]  }
0x91: {  	s19 =	sld [smem:$0x3FD0];
	(tm) =	ssettm $0x1  }
0x92: {  	s4 =	sld [smem:$0x3FFB];
	_ =	sdelay $0x3  }
0x93: {  	_ =	strace s4  }
0x94: {  	s4 =	sld [smem:$0x3FFC];
	_ =	sdelay $0x3  }
0x95: {  	_ =	strace s4  }
0x96: {  	s4 =	sld [smem:$0x3FFD];
	_ =	sdelay $0x3  }
0x97: {  	_ =	strace s4  }
0x98: {  	_ =	strace $0x8FFFFFFF  }
0x99: {  	s20 =	sld [smem:$0x3FDB];
	_ =	sdelay $0x1  }
0x9a: {  	s5 =	simm.s32 $_scs_section_size  }
0x9b: {  	s6 =	simm.s32 $_size__tile_overlayer_lowered;
	s7 =	simm.s32 $_tile_overlayer_lowered  }
0x9c: {  	s23 =	simm.s32 $0x1BFF;
	s22 =	sshll.u32 s7, $0x1;
	s4 =	sadd.s32 s5, s20  }
0x9d: {  	s8 =	simm.s32 $0x0;
	s21 =	sshll.u32 s6, $0x1;
	s6 =	sadd.s32 s22, s4  }
0x9e: {  	[timem:s8], [sflag:s23] =	dma.local [hbm:s6], s21  }
0x9f: {  	_ =	swait.ge [sflag:s23], s21  }
0xa0: {  	s5 =	ssub.s32 $0x0, s21;
	[sflag:s23] =	ssyncset.done $0x0  }
0xa1: {  	[sflag:s23] =	ssyncadd.s32 s5;
	_ =	sdelay $0x1  }
0xa2: {  	s24 =	simm.s32 $0x1B8B  }
0xa3: {  	_ =	swait.ge [sflag:s24], $0x1  }
0xa4: {  	[sflag:s24] =	ssyncset.done $0x0  }
0xa5: {  	s25 =	simm.s32 $0x1B8E;
	[sflag:s24] =	ssyncadd.s32 $0xFFFFFFFF  }
0xa6: {  	s26 =	simm.s32 $execute0_lowered;
	[smem:$0x3FD2] =	sst s25  }
0xa7: {  	s5 =	sshll.u32 s26, $0x1;
	_ =	strace $0x80000046;
	[dreg:$0x1] =	wrdreg $0xFFFFFFFF  }
0xa8: {  	s28 =	simm.s32 $_size_execute0_lowered;
	s4 =	sadd.s32 s4, s5;
	[dreg:$0x0] =	wrdreg $0x0  }
0xa9: {  	s5 =	sshll.u32 s28, $0x1;
	[dreg:$0x2] =	wrdreg s4  }
0xaa: {  	[dreg:$0x3] =	wrdreg s5  }
0xab: {  	[dreg:$0x4] =	wrdreg $0xC0  }
0xac: {  	_ =	task [dreg:s8], $0x5FFFF  }
0xad: {  	[dreg:$0x1] =	wrdreg $0xFFFFFFFF  }
0xae: {  	[dreg:$0x0] =	wrdreg $0x60  }
0xaf: {  	[dreg:$0x2] =	wrdreg s2  }
0xb0: {  	[dreg:$0x3] =	wrdreg s19  }
0xb1: {  	[dreg:$0x4] =	wrdreg $0x9  }
0xb2: {  	_ =	task.clear_ibuf [dreg:s8], $0x5FFFF;
	_ =	strace $0x90000046  }
0xb3: {  	s29 =	simm.s32 $0x9;
	_ =	strace $0x80000048  }
0xb4: {  	_ =	swait.ge [sflag:s29], $0x1  }
0xb5: {  	[sflag:s29] =	ssyncadd.s32 $0xFFFFFFFF  }
0xb6: {  	_ =	strace $0x90000048  }
0xb7: {  	_ =	sfence  }
0xb8: {  	s30 =	sld [smem:$0x0];
	_ =	sdelay $0x2  }
0xb9: {  	s31 =	sshll.u32 s1, $0xD;
	s1 =	sshrl.u32 s1, $0x2  }
0xba: {  	s3 =	sand.u32 $0x4000, s31;
	s1 =	sadd.s32 s1, s30  }
0xbb: {  	s0 =	sor.u32 s3, s0;
	s1 =	sshll.u32 s1, $0x11  }
0xbc: {  	s0 =	sor.u32 s1, s0  }
0xbd: {  	s0 =	sadd.s32 $0x8F2B, s0  }
0xbe: {  	[sflag:s0] =	ssyncadd.remote.s32 $0x1  }
0xbf: {  	_ =	sfence.sel $0xFFFF  }
0xc0: {  	[dreg:$0x0] =	wrdreg $0xFFFFFFFF;
	(pc) =	sbr.abs _section_cstart, $3  }
0xc1: {  	[dreg:$0x1] =	wrdreg $0xFFFFFFFF  }
0xc2: {  	_ =	task.clear_ibuf [dreg:s8], $0x2FFFF;
	_ =	strace $0x9FFFFFFF  }
0xc3: {  	(tm) =	ssettm $0x7FFFFFFF  }
tec
execute0_lowered:
.L_overlay_start_1:
0x0: {  	(tag) =	ssettag $0x1  }
0x1: {  	s1 =	srdreg.scid  }
0x2: {  	s0 =	stileid.u32;
	s2 =	rddreg [dreg:$0x0]  }
0x3: {  	s3 =	rddreg [dreg:$0x1];
	s5 =	simm.s32 $0x0;
	s11 =	simm.s32 $0x1400  }
0x4: {  	s12 =	simm.s32 $0x1;
	s13 =	simm.s32 $0x61A800;
	s14 =	simm.s32 $0x2800  }
0x5: {  	s15 =	simm.s32 $0x2;
	s6 =	sand.u32 $0x1, s1;
	s31 =	sshll.u32 s0, $0x1  }
0x6: {  	s16 =	simm.s32 $0xC800;
	s17 =	simm.s32 $0x3;
	s4 =	sor.u32 s6, s31  }
0x7: {  	s18 =	simm.s32 $0x4;
	s19 =	simm.s32 $0x0;
	s7 =	smul.u32 $0x1400, s4  }
.Ltmp0:
0x8: {  	s1 =	rddreg [dreg:$0x2];
	s6 =	ssub.s32 $0x2, s6;
	(pc) =	sbr.rel .LBB2_1-.Ltmp0, $4  }
0x9: {  	[smem:$0x7FF] =	sst s5;
	s8 =	smul.u32 $0x280, s4;
	s9 =	sshrl.u32 s6, $0x1  }
0xa: {  	_ =	strace $0x80000047;
	s10 =	ssub.s32 s6, s9;
	s7 =	sshrl.u32 s7, $0x3  }
0xb: {  	s9 =	sor.u32 $0x60, s4;
	s6 =	sadd.s32 s2, s8;
	s7 =	sadd.s32 s2, s7  }
0xc: {  	s8 =	sor.u32 $0x40, s4;
	s10 =	smax.u32 s10, $0x1;
	s7 =	sadd.s32 $0x5000, s7  }
.LBB2_9:
0xd: {  	s19 =	sadd.s32 $0x1, s19  }
0xe: {  	_ =	swait.ge [sflag:s17], $0xA000;
	p0 =	sne.s32 s19, s10  }
.Ltmp1:
0xf: {  	[sflag:s17] =	ssyncset.done $0x0;
	(pc) =	sbr.rel @!p0 .LBB2_10-.Ltmp1, $4  }
0x10: {  	[sflag:s17] =	ssyncadd.s32 $0xFFFF6000  }
0x11: {  	_ =	swait.ge [sflag:s18], $0xA000  }
0x12: {  	[sflag:s18] =	ssyncset.done $0x0  }
0x13: {  	[sflag:s18] =	ssyncadd.s32 $0xFFFF6000  }
.LBB2_1:
.Ltmp2:
0x14: {  	(pc) =	sbr.rel .LBB2_2-.Ltmp2, $4  }
0x15: {  	_ = 	snop  }
0x16: {  	[tilespmem:s5], [sflag:$0x1] =	stream.linear.gather [hbm4b:s6+s5], $0x1400, $0x38;
	[tilespmem:$0x16800] =	vst v63  }
0x17: {  	s20 =	simm.s32 $0x0  }
0x18: {  	[tilespmem:s11], [sflag:$0x2] =	stream.linear.gather [hbm4b:s7+s5], $0x1400, $0x38;
	[tilespmem:$0x16800] =	vst v63  }
.LBB2_8:
0x19: {  	s20 =	sadd.s32 $0x1, s20  }
0x1a: {  	p0 =	sne.s32 s20, $0xA  }
.Ltmp3:
0x1b: {  	_ = 	snop;
	(pc) =	sbr.rel @!p0 .LBB2_9-.Ltmp3, $1  }
0x1c: {  	_ =	sdelay $0x3  }
.LBB2_2:
0x1d: {  	_ =	swait.ge [sflag:s12], $0x1400  }
0x1e: {  	p0 =	seq.s32 s20, $0x0;
	[sflag:s12] =	ssyncset.done $0x0  }
0x1f: {  	s23 =	simm.s32 @!p0 $0x3;
	[sflag:s12] =	ssyncadd.s32 $0xFFFFEC00  }
0x20: {  	_ =	swait.ge @!p0 [sflag:s23], $0xA000  }
0x21: {  	s21 =	sshll.u32 s20, $0x6;
	[sflag:s23] =	ssyncset.done @!p0 $0x0  }
0x22: {  	s22 =	sor.u32 s4, s21;
	[sflag:s23] =	ssyncadd.s32 @!p0 $0xFFFF6000;
	s23 =	simm.s32 $0x0  }
.LBB2_3:
0x23: {  	s24 =	sshll.u32 s23, $0x2  }
0x24: {  	s24 =	sand.u32 $0x3FFFFFFC, s24  }
0x25: {  	v18 =	vld [tilespmem:s24+$0x0]  }
0x26: {  	v21 =	vld [tilespmem:s24+$0x80]  }
0x27: {  	v19 =	vld [tilespmem:s24+$0x100];
	_ =	sdelay $0x3  }
0x28: {  	v2 =	vmul.f32 v18, v18  }
0x29: {  	v3 =	vmul.f32 v21, v21;
	v8 =	vmul.f32 v19, v19  }
0x2a: {  	v7 =	vmul.f32 v21, v18;
	v0 =	vmul.f32 v19, v21  }
0x2b: {  	v9 =	vmul.f32 v19, v18;
	v4 =	vmul.f32 v2, v18  }
0x2c: {  	v5 =	vmul.f32 v2, v2;
	v6 =	vmul.f32 v3, v21  }
0x2d: {  	v16 =	vmul.f32 v3, v3;
	v33 =	vmul.f32 v8, v19  }
0x2e: {  	v10 =	vmul.f32 v21, v2;
	v11 =	vmul.f32 v19, v7  }
0x2f: {  	v12 =	vmul.f32 v8, v21;
	v13 =	vmul.f32 v19, v2  }
0x30: {  	v14 =	vmul.f32 v19, v3;
	v15 =	vmul.f32 v8, v18  }
0x31: {  	v17 =	vmul.f32 v3, v18;
	v22 =	vmul.f32 v8, v7  }
0x32: {  	v27 =	vmul.f32 v8, v2;
	v28 =	vmul.f32 v8, v3  }
0x33: {  	v29 =	vmul.f32 v3, v2;
	v1 =	vmul.f32 $1.732050780e+00, v7  }
0x34: {  	v0 =	vmul.f32 $1.732050780e+00, v0;
	v41 =	vmul.f32 $5.000000000e-01, v2  }
0x35: {  	v45 =	vmul.f32 $5.000000000e-01, v3;
	v60 =	vmul.f32 $1.732050780e+00, v9  }
0x36: {  	v48 =	vmul.f32 $8.660253880e-01, v2;
	v36 =	vmul.f32 $8.660253880e-01, v3  }
0x37: {  	v20 =	vmul.f32 v4, v21;
	v23 =	vmul.f32 v6, v18  }
0x38: {  	v24 =	vmul.f32 v19, v10;
	v25 =	vmul.f32 v6, v19  }
0x39: {  	v26 =	vmul.f32 v33, v21;
	v30 =	vmul.f32 v33, v18  }
0x3a: {  	v31 =	vmul.f32 v19, v4;
	v32 =	vmul.f32 v17, v19  }
0x3b: {  	v40 =	vmul.f32 $2.371708150e+00, v10;
	v38 =	vmul.f32 $7.905694240e-01, v6  }
0x3c: {  	v61 =	vmul.f32 $3.872983460e+00, v11;
	v35 =	vmul.f32 $2.449489830e+00, v12  }
0x3d: {  	v34 =	vmul.f32 $6.123724570e-01, v10;
	v37 =	vmul.f32 $6.123724570e-01, v6  }
0x3e: {  	v39 =	vmul.f32 $1.500000000e+00, v13;
	v44 =	vmul.f32 $1.500000000e+00, v14  }
0x3f: {  	v43 =	vmul.f32 $2.449489830e+00, v15;
	v42 =	vmul.f32 $6.123724570e-01, v4  }
0x40: {  	v46 =	vmul.f32 $6.123724570e-01, v17;
	v49 =	vmul.f32 $1.936491730e+00, v13  }
0x41: {  	v47 =	vmul.f32 $1.936491730e+00, v14;
	v52 =	vmul.f32 $7.905694240e-01, v4  }
0x42: {  	v50 =	vmul.f32 $2.371708150e+00, v17;
	v59 =	vmul.f32 $6.708203790e+00, v22  }
0x43: {  	v6 =	vmul.f32 $7.500000000e-01, v29;
	v7 =	vmul.f32 $3.750000000e-01, v16  }
0x44: {  	v12 =	vmul.f32 $3.354101900e+00, v27;
	v13 =	vmul.f32 $5.590170030e-01, v5  }
0x45: {  	v17 =	vmul.f32 $0.0e+00, v29;
	v22 =	vmul.f32 $5.590170030e-01, v16  }
0x46: {  	v53 =	vmul.f32 $2.958040000e+00, v20;
	v51 =	vmul.f32 $2.958040000e+00, v23  }
0x47: {  	[tilespmem:$0x1F800] =	vst v1;
	v57 =	vmul.f32 $6.274950030e+00, v24;
	v54 =	vmul.f32 $2.091650010e+00, v25  }
0x48: {  	[tilespmem:$0x1F870] =	vst v60;
	v58 =	vmul.f32 $1.118034010e+00, v20;
	v60 =	vmul.f32 $1.118034010e+00, v23  }
0x49: {  	[tilespmem:$0x1F820] =	vst v0;
	v62 =	vmul.f32 $3.162277700e+00, v26;
	v63 =	vmul.f32 $2.371708150e+00, v24  }
0x4a: {  	v15 =	vld [tilespmem:s24+$0x10];
	[tilespmem:$0x1F8B0] =	vst v61;
	v4 =	vmul.f32 $2.371708150e+00, v25;
	v20 =	vmul.f32 $3.000000000e+00, v27  }
0x4b: {  	v14 =	vld [tilespmem:s24+$0x90];
	v26 =	vmul.f32 $3.000000000e+00, v28;
	[tilespmem:$0x1F590] =	vst v6;
	v9 =	vmul.f32 $3.162277700e+00, v30  }
0x4c: {  	[tilespmem:$0x1F5B0] =	vst v7;
	v10 =	vmul.f32 $2.371708150e+00, v31;
	v11 =	vmul.f32 $2.371708150e+00, v32  }
0x4d: {  	v30 =	vmul.f32 $3.354101900e+00, v28;
	[tilespmem:$0x1F5C0] =	vst v13;
	v13 =	vld [tilespmem:s24+$0x110];
	v23 =	vmul.f32 $2.091650010e+00, v31  }
0x4e: {  	[tilespmem:$0x1F5A0] =	vst v12;
	v24 =	vmul.f32 $6.274950030e+00, v32;
	v25 =	vmul.f32 $7.395099990e-01, v5  }
0x4f: {  	[tilespmem:$0x1F5F0] =	vst v17;
	v27 =	vmul.f32 $4.437059880e+00, v29;
	v28 =	vmul.f32 $7.395099990e-01, v16  }
0x50: {  	[tilespmem:$0x1F570] =	vst v63;
	v63 =	vmul.f32 $3.750000000e-01, v5;
	v29 =	vmul.f32 v14, v15  }
0x51: {  	[tilespmem:$0x1F560] =	vst v62;
	v62 =	vmul.f32 v15, v15;
	v5 =	vmul.f32 v14, v14  }
0x52: {  	[tilespmem:$0x1F5D0] =	vst v9;
	v16 =	vmul.f32 v13, v13;
	v31 =	vmul.f32 v13, v14  }
0x53: {  	[tilespmem:$0x1F630] =	vst v24;
	v32 =	vmul.f32 v13, v15;
	v24 =	vmul.f32 v13, v29  }
0x54: {  	[tilespmem:$0x1F600] =	vst v11;
	v56 =	vmul.f32 $1.732050780e+00, v29;
	v9 =	vmul.f32 v62, v62  }
0x55: {  	[tilespmem:$0x1F620] =	vst v23;
	v23 =	vmul.f32 v14, v62;
	v11 =	vmul.f32 v5, v62  }
0x56: {  	[tilespmem:$0x1F610] =	vst v22;
	v17 =	vmul.f32 $8.660253880e-01, v62;
	v2 =	vmul.f32 v5, v14  }
0x57: {  	[tilespmem:$0x1F5E0] =	vst v10;
	v10 =	vmul.f32 v5, v5;
	v0 =	vmul.f32 v5, v15  }
0x58: {  	[tilespmem:$0x1F660] =	vst v28;
	v28 =	vmul.f32 $8.660253880e-01, v5;
	v55 =	vmul.f32 v16, v29  }
0x59: {  	[tilespmem:$0x1F580] =	vst v4;
	v61 =	vmul.f32 $1.732050780e+00, v31;
	v12 =	vmul.f32 $1.732050780e+00, v32  }
0x5a: {  	[tilespmem:$0x1FA50] =	vst v56;
	v32 =	vmul.f32 v62, v15;
	v56 =	vmul.f32 v13, v62  }
0x5b: {  	[tilespmem:$0x1F640] =	vst v25;
	v29 =	vmul.f32 $5.000000000e-01, v62;
	v22 =	vmul.f32 v16, v14  }
0x5c: {  	[tilespmem:$0x1F650] =	vst v27;
	v7 =	vmul.f32 v16, v5;
	v31 =	vmul.f32 $5.000000000e-01, v5  }
0x5d: {  	[tilespmem:$0x1F670] =	vst v17;
	v6 =	vmul.f32 v13, v23;
	v25 =	vmul.f32 $6.123724570e-01, v23  }
0x5e: {  	[tilespmem:$0x1F680] =	vst v28;
	v17 =	vmul.f32 v16, v15;
	v1 =	vmul.f32 v2, v15  }
0x5f: {  	[tilespmem:$0x1FAB0] =	vst v12;
	v12 =	vmul.f32 v16, v62;
	v62 =	vmul.f32 $3.872983460e+00, v24  }
0x60: {  	v3 =	vmul.f32 v2, v13;
	[tilespmem:$0x1FA70] =	vst v61;
	v4 =	vmul.f32 $2.449489830e+00, v22  }
0x61: {  	v61 =	vmul.f32 v13, v5;
	v5 =	vmul.f32 $2.371708150e+00, v23;
	[tilespmem:$0x1FB10] =	vst v62  }
0x62: {  	v22 =	vmul.f32 $2.449489830e+00, v17;
	v23 =	vmul.f32 $1.936491730e+00, v56;
	[tilespmem:$0x1F690] =	vst v4  }
0x63: {  	v17 =	vmul.f32 $7.905694240e-01, v32;
	[tilespmem:$0x1F6A0] =	vst v5;
	v62 =	vmul.f32 $1.500000000e+00, v56  }
0x64: {  	[tilespmem:$0x1F6B0] =	vst v22;
	v27 =	vmul.f32 $1.500000000e+00, v61;
	v56 =	vmul.f32 $1.936491730e+00, v61  }
0x65: {  	[tilespmem:$0x1F6D0] =	vst v23;
	v61 =	vmul.f32 v32, v14;
	v4 =	vmul.f32 v13, v32  }
0x66: {  	v23 =	vmul.f32 $6.123724570e-01, v32;
	[tilespmem:$0x1F6F0] =	vst v17;
	v5 =	vmul.f32 v0, v13  }
0x67: {  	v32 =	vmul.f32 $6.123724570e-01, v0;
	v0 =	vmul.f32 $2.371708150e+00, v0;
	[tilespmem:$0x1F6C0] =	vst v27  }
0x68: {  	v28 =	vmul.f32 $6.123724570e-01, v2;
	v22 =	vmul.f32 $6.708203790e+00, v55;
	[tilespmem:$0x1F6E0] =	vst v56  }
0x69: {  	v17 =	vmul.f32 v16, v13;
	[tilespmem:$0x1F700] =	vst v0;
	v55 =	vmul.f32 $2.958040000e+00, v61  }
0x6a: {  	v24 =	vmul.f32 $7.905694240e-01, v2;
	[tilespmem:$0x1F730] =	vst v22;
	v2 =	vmul.f32 $1.118034010e+00, v61  }
0x6b: {  	v27 =	vmul.f32 v17, v14;
	v56 =	vmul.f32 $2.958040000e+00, v1;
	[tilespmem:$0x1F710] =	vst v55  }
0x6c: {  	v1 =	vmul.f32 $1.118034010e+00, v1;
	v61 =	vmul.f32 v17, v15;
	[tilespmem:$0x1F740] =	vst v2  }
0x6d: {  	v22 =	vmul.f32 $2.371708150e+00, v6;
	[tilespmem:$0x1F720] =	vst v56;
	v0 =	vmul.f32 $3.162277700e+00, v27  }
0x6e: {  	[tilespmem:$0x1F750] =	vst v1;
	v56 =	vmul.f32 $6.274950030e+00, v6;
	v55 =	vmul.f32 $2.091650010e+00, v3  }
0x6f: {  	[tilespmem:$0x1F780] =	vst v22;
	v27 =	vmul.f32 $2.371708150e+00, v3;
	v3 =	vmul.f32 $3.162277700e+00, v61  }
0x70: {  	v41 =	vsub.f32 v8, v41;
	v6 =	vmul.f32 v8, v8;
	v8 =	vmul.f32 $3.354101900e+00, v12;
	[tilespmem:$0x1F770] =	vst v0  }
0x71: {  	v61 =	vmul.f32 $3.000000000e+00, v12;
	v12 =	vmul.f32 $3.000000000e+00, v7;
	[tilespmem:$0x1F790] =	vst v27  }
0x72: {  	v22 =	vmul.f32 $3.354101900e+00, v7;
	[tilespmem:$0x1F7A0] =	vst v8  }
0x73: {  	v2 =	vsub.f32 v41, v45;
	v41 =	vmul.f32 $2.091650010e+00, v4;
	[tilespmem:$0x1F760] =	vst v12  }
0x74: {  	v45 =	vmul.f32 $2.371708150e+00, v5;
	[tilespmem:$0x1F7B0] =	vst v22  }
0x75: {  	v7 =	vmul.f32 $6.274950030e+00, v5;
	[tilespmem:$0x1F830] =	vst v41  }
0x76: {  	v27 =	vmul.f32 $2.371708150e+00, v4;
	[tilespmem:$0x1F7F0] =	vst v45  }
0x77: {  	v4 =	vsub.f32 v48, v36;
	[tilespmem:$0x1F840] =	vst v7  }
0x78: {  	v12 =	vmul.f32 $5.590170030e-01, v9;
	[tilespmem:$0x1F7D0] =	vst v27  }
0x79: {  	v8 =	vsub.f32 v35, v34;
	v34 =	vmul.f32 $7.395099990e-01, v9;
	[tilespmem:$0x1F880] =	vst v4  }
0x7a: {  	v35 =	vsub.f32 v40, v38;
	[tilespmem:$0x1F7C0] =	vst v12  }
0x7b: {  	v36 =	vmul.f32 $0.0e+00, v11;
	[tilespmem:$0x1F850] =	vst v34  }
0x7c: {  	v22 =	vld [tilespmem:s24+$0xA0];
	[tilespmem:$0x1F8A0] =	vst v35;
	v0 =	vsub.f32 v8, v37  }
0x7d: {  	v45 =	vld [tilespmem:s24+$0x120];
	[tilespmem:$0x1F7E0] =	vst v36;
	v37 =	vmul.f32 $4.437059880e+00, v11  }
0x7e: {  	v38 =	vsub.f32 v33, v39;
	v39 =	vmul.f32 $5.590170030e-01, v10;
	v27 =	vld [tilespmem:s24+$0x20];
	[tilespmem:$0x1F8D0] =	vst v0  }
0x7f: {  	v42 =	vsub.f32 v43, v42;
	v40 =	vmul.f32 $7.395099990e-01, v10;
	[tilespmem:$0x1F860] =	vst v37  }
0x80: {  	v12 =	vsub.f32 v38, v44;
	[tilespmem:$0x1F810] =	vst v39  }
0x81: {  	v35 =	vsub.f32 v42, v46;
	[tilespmem:$0x1F890] =	vst v40  }
0x82: {  	v36 =	vsub.f32 v49, v47;
	[tilespmem:$0x1F8E0] =	vst v12  }
0x83: {  	v42 =	vsub.f32 v52, v50;
	[tilespmem:$0x1F900] =	vst v35  }
0x84: {  	v46 =	vsub.f32 v53, v51;
	[tilespmem:$0x1F910] =	vst v36  }
0x85: {  	v47 =	vsub.f32 v57, v54;
	[tilespmem:$0x1F920] =	vst v42  }
0x86: {  	s25 =	sshll.u32 s23, $0x3;
	[tilespmem:$0x1F940] =	vst v46  }
0x87: {  	s25 =	sand.u32 $0x3FFFFFF8, s25;
	[tilespmem:$0x1F960] =	vst v47  }
0x88: {  	v41 =	vmul.f32 $3.750000000e-01, v9;
	[tilespmem:s25+$0x2880] =	vst v21  }
0x89: {  	v48 =	vmul.f32 $7.500000000e-01, v11;
	[tilespmem:s25+$0x2900] =	vst v19;
	v0 =	vmul.f32 v45, v45  }
0x8a: {  	v49 =	vsub.f32 v59, v58;
	[tilespmem:s25+$0x2980] =	vst v18;
	v33 =	vmul.f32 v45, v22;
	v4 =	vmul.f32 v22, v22  }
0x8b: {  	[tilespmem:s25+$0x2B00] =	vst v2;
	v43 =	vmul.f32 v22, v27;
	v34 =	vmul.f32 v45, v27  }
0x8c: {  	v57 =	vsub.f32 v49, v60;
	[tilespmem:s25+$0x2890] =	vst v14;
	v39 =	vmul.f32 v27, v27;
	v60 =	vmul.f32 v0, v22  }
0x8d: {  	[tilespmem:s25+$0x2910] =	vst v13;
	v5 =	vmul.f32 v45, v43;
	v11 =	vmul.f32 v0, v43  }
0x8e: {  	v50 =	vsub.f32 v6, v20;
	[tilespmem:s25+$0x2990] =	vst v15;
	v40 =	vld [tilespmem:$0x1F570];
	v38 =	vmul.f32 $1.732050780e+00, v43;
	v43 =	vmul.f32 $1.732050780e+00, v33  }
0x8f: {  	v53 =	vld [tilespmem:$0x1F590];
	[tilespmem:s25+$0x28A0] =	vst v22;
	v44 =	vmul.f32 $1.732050780e+00, v34;
	v12 =	vmul.f32 v39, v27  }
0x90: {  	v59 =	vsub.f32 v50, v26;
	v21 =	vld [tilespmem:$0x1F870];
	[tilespmem:s25+$0x2920] =	vst v45;
	v34 =	vmul.f32 v22, v39;
	v35 =	vmul.f32 v45, v39  }
0x91: {  	v14 =	vld [tilespmem:$0x1FA50];
	[tilespmem:$0x1F970] =	vst v57;
	v46 =	vmul.f32 v4, v39;
	v52 =	vmul.f32 $5.000000000e-01, v39  }
0x92: {  	v8 =	vadd.f32 v59, v63;
	v58 =	vmul.f32 $8.660253880e-01, v39;
	v59 =	vmul.f32 $2.449489830e+00, v60;
	v60 =	vld [tilespmem:$0x1F5A0];
	[tilespmem:$0x1FCB0] =	vst v43  }
0x93: {  	[tilespmem:$0x1FCE0] =	vst v44;
	v43 =	vmul.f32 v39, v39;
	v44 =	vmul.f32 v0, v39;
	v39 =	vld [tilespmem:$0x1F560]  }
0x94: {  	v50 =	vld [tilespmem:$0x1F580];
	[tilespmem:s25+$0x29A0] =	vst v27;
	v51 =	vmul.f32 $3.872983460e+00, v5;
	v5 =	vmul.f32 v45, v34  }
0x95: {  	v54 =	vadd.f32 v8, v53;
	[tilespmem:s25+$0x2B80] =	vst v21;
	v8 =	vmul.f32 $2.371708150e+00, v34;
	v36 =	vmul.f32 $6.123724570e-01, v34;
	v34 =	vld [tilespmem:$0x1F5C0]  }
0x96: {  	v37 =	vmul.f32 $3.750000000e-01, v10;
	v9 =	vld [tilespmem:$0x1F5B0];
	v7 =	vmul.f32 v4, v22;
	[tilespmem:s25+$0x2A10] =	vst v14  }
0x97: {  	v57 =	vld [tilespmem:$0x1F5F0];
	v26 =	vmul.f32 v4, v4;
	[tilespmem:$0x1FCA0] =	vst v38;
	v38 =	vmul.f32 v45, v4  }
0x98: {  	v47 =	vmul.f32 v4, v27;
	[tilespmem:$0x1F8C0] =	vst v58;
	v63 =	vsub.f32 v60, v30;
	v42 =	vsub.f32 v39, v40;
	v39 =	vld [tilespmem:$0x1F5D0]  }
0x99: {  	v49 =	vmul.f32 v0, v4;
	[tilespmem:$0x1FD10] =	vst v51;
	v6 =	vmul.f32 $1.500000000e+00, v38;
	v40 =	vld [tilespmem:$0x1F5E0]  }
0x9a: {  	v10 =	vmul.f32 v0, v27;
	[tilespmem:$0x1F8F0] =	vst v8;
	v60 =	vmul.f32 $1.936491730e+00, v35;
	v20 =	vsub.f32 v63, v34  }
0x9b: {  	v33 =	vmul.f32 $5.000000000e-01, v4;
	v51 =	vmul.f32 v7, v45;
	[tilespmem:$0x1F950] =	vst v6;
	v63 =	vld [tilespmem:$0x1F600];
	v1 =	vsub.f32 v42, v50  }
0x9c: {  	v8 =	vld [tilespmem:$0x1F610];
	v30 =	vmul.f32 $7.905694240e-01, v7;
	[tilespmem:$0x1F980] =	vst v60;
	v58 =	vadd.f32 v20, v57;
	v20 =	vmul.f32 $7.905694240e-01, v12  }
0x9d: {  	v34 =	vld [tilespmem:$0x1F640];
	v42 =	vmul.f32 $8.660253880e-01, v4;
	v50 =	vmul.f32 v7, v27;
	[tilespmem:$0x1F9A0] =	vst v1;
	v1 =	vadd.f32 v54, v9  }
0x9e: {  	v4 =	vmul.f32 v12, v22;
	v54 =	vmul.f32 $2.449489830e+00, v10;
	v9 =	vld [tilespmem:$0x1F620];
	[tilespmem:$0x1F9B0] =	vst v20;
	v53 =	vsub.f32 v39, v40  }
0x9f: {  	v10 =	vld [tilespmem:$0x1F630];
	v40 =	vmul.f32 $6.123724570e-01, v7;
	v7 =	vmul.f32 $1.936491730e+00, v38;
	[tilespmem:$0x1F9C0] =	vst v1  }
0xa0: {  	v39 =	vmul.f32 $1.500000000e+00, v35;
	v35 =	vld [tilespmem:$0x1F650];
	[tilespmem:$0x1F930] =	vst v54;
	v1 =	vsub.f32 v53, v63  }
0xa1: {  	v57 =	vmul.f32 v16, v16;
	[tilespmem:$0x1F990] =	vst v7;
	v63 =	vsub.f32 v16, v29;
	v29 =	vmul.f32 $1.118034010e+00, v4  }
0xa2: {  	v54 =	vmul.f32 v0, v45;
	v53 =	vmul.f32 v45, v12;
	[tilespmem:$0x1F9D0] =	vst v1;
	v1 =	vadd.f32 v58, v8  }
0xa3: {  	v20 =	vld [tilespmem:$0x1F680];
	v58 =	vmul.f32 v47, v45;
	[tilespmem:$0x1F9F0] =	vst v29;
	v29 =	vmul.f32 $2.371708150e+00, v51  }
0xa4: {  	v8 =	vmul.f32 $2.371708150e+00, v47;
	v6 =	vmul.f32 $2.371708150e+00, v53;
	[tilespmem:$0x1F9E0] =	vst v1;
	v1 =	vsub.f32 v9, v10;
	v9 =	vld [tilespmem:$0x1F660]  }
0xa5: {  	v16 =	vld [tilespmem:$0x1F670];
	v7 =	vmul.f32 $2.091650010e+00, v53;
	v38 =	vsub.f32 v34, v35;
	v35 =	vmul.f32 $6.123724570e-01, v47;
	[tilespmem:$0x1FA60] =	vst v29  }
0xa6: {  	v47 =	vmul.f32 $6.708203790e+00, v11;
	v11 =	vmul.f32 v54, v22;
	v10 =	vsub.f32 v63, v31;
	v31 =	vld [tilespmem:$0x1F690];
	[tilespmem:$0x1FB00] =	vst v6  }
0xa7: {  	v34 =	vmul.f32 $2.958040000e+00, v4;
	[tilespmem:$0x1FB70] =	vst v7  }
0xa8: {  	v4 =	vmul.f32 $3.354101900e+00, v49;
	[tilespmem:$0x1FA80] =	vst v10;
	v10 =	vmul.f32 $3.162277700e+00, v11;
	v11 =	vld [tilespmem:$0x1F6A0]  }
0xa9: {  	[tilespmem:$0x1FA00] =	vst v1;
	v1 =	vadd.f32 v38, v9  }
0xaa: {  	[tilespmem:$0x1FAA0] =	vst v4  }
0xab: {  	v29 =	vld [tilespmem:$0x1F710];
	v38 =	vsub.f32 v31, v25;
	[tilespmem:$0x1FA10] =	vst v1;
	v1 =	vsub.f32 v16, v20  }
0xac: {  	v4 =	vld [tilespmem:$0x1F7F0];
	[tilespmem:$0x1FA30] =	vst v10;
	v9 =	vmul.f32 $1.118034010e+00, v50  }
0xad: {  	v25 =	vmul.f32 $2.371708150e+00, v5;
	[tilespmem:$0x1FAC0] =	vst v1;
	v1 =	vsub.f32 v11, v24;
	v24 =	vsub.f32 v38, v28;
	v38 =	vld [tilespmem:$0x1F6B0]  }
0xae: {  	[tilespmem:$0x1FA20] =	vst v9;
	v20 =	vmul.f32 $2.091650010e+00, v51;
	v51 =	vmul.f32 $3.354101900e+00, v44;
	v28 =	vsub.f32 v17, v62;
	v62 =	vld [tilespmem:$0x1F6C0]  }
0xaf: {  	v16 =	vmul.f32 v54, v27;
	[tilespmem:$0x1FA40] =	vst v25;
	v9 =	vld [tilespmem:$0x1F6D0]  }
0xb0: {  	v60 =	vmul.f32 $6.123724570e-01, v12;
	v25 =	vld [tilespmem:$0x1F700];
	[tilespmem:$0x1FA90] =	vst v51  }
0xb1: {  	v31 =	vmul.f32 $3.162277700e+00, v16;
	v16 =	vld [tilespmem:s24+$0xB0];
	v17 =	vmul.f32 $2.371708150e+00, v58;
	[tilespmem:$0x1FAE0] =	vst v1  }
0xb2: {  	v12 =	vmul.f32 $2.958040000e+00, v50;
	v53 =	vmul.f32 $3.750000000e-01, v43;
	v11 =	vld [tilespmem:$0x1F6E0];
	[tilespmem:$0x1FB30] =	vst v24  }
0xb3: {  	v63 =	vmul.f32 $6.274950030e+00, v5;
	[tilespmem:$0x1FB40] =	vst v17;
	v17 =	vld [tilespmem:s24+$0x130];
	v50 =	vsub.f32 v38, v23;
	v1 =	vsub.f32 v28, v62  }
0xb4: {  	[tilespmem:$0x1FAF0] =	vst v31;
	v24 =	vld [tilespmem:$0x1F6F0];
	v23 =	vmul.f32 $6.274950030e+00, v58;
	v28 =	vmul.f32 $5.590170030e-01, v43  }
0xb5: {  	[tilespmem:$0x1FB50] =	vst v1;
	v5 =	vsub.f32 v50, v32;
	v32 =	vmul.f32 $7.395099990e-01, v43;
	v43 =	vsub.f32 v56, v55;
	v55 =	vld [tilespmem:$0x1F730]  }
0xb6: {  	v38 =	vmul.f32 $3.000000000e+00, v49;
	v49 =	vmul.f32 $0.0e+00, v46;
	[tilespmem:$0x1FB80] =	vst v23;
	v56 =	vld [tilespmem:$0x1F740]  }
0xb7: {  	v10 =	vmul.f32 $3.000000000e+00, v44;
	v44 =	vld [tilespmem:s24+$0x30];
	[tilespmem:$0x1FAD0] =	vst v28  }
0xb8: {  	v31 =	vld [tilespmem:$0x1F720];
	[tilespmem:$0x1FB20] =	vst v49;
	v50 =	vmul.f32 $4.437059880e+00, v46  }
0xb9: {  	v51 =	vmul.f32 $7.500000000e-01, v46;
	v1 =	vsub.f32 v9, v11;
	[tilespmem:$0x1FBA0] =	vst v32;
	v32 =	vld [tilespmem:$0x1F750]  }
0xba: {  	v11 =	vmul.f32 $3.750000000e-01, v26;
	v46 =	vmul.f32 $5.590170030e-01, v26;
	[tilespmem:$0x1FBB0] =	vst v50;
	v50 =	vld [tilespmem:$0x1F760]  }
0xbb: {  	v49 =	vmul.f32 v17, v16;
	[tilespmem:$0x1FB90] =	vst v1;
	v1 =	vsub.f32 v24, v25;
	v58 =	vsub.f32 v55, v56;
	v55 =	vld [tilespmem:$0x1F770]  }
0xbc: {  	v28 =	vsub.f32 v57, v61;
	v61 =	vmul.f32 v17, v17;
	[tilespmem:$0x1FBF0] =	vst v43;
	v43 =	vmul.f32 $7.395099990e-01, v26;
	v56 =	vld [tilespmem:$0x1F780]  }
0xbd: {  	v62 =	vmul.f32 v17, v44;
	v7 =	vmul.f32 $1.732050780e+00, v49;
	v25 =	vld [tilespmem:$0x1F7D0];
	[tilespmem:$0x1FBC0] =	vst v1  }
0xbe: {  	v9 =	vmul.f32 v44, v44;
	v24 =	vmul.f32 v16, v16;
	v1 =	vsub.f32 v29, v31;
	[tilespmem:$0x1FBE0] =	vst v43;
	v43 =	vld [tilespmem:$0x1F790]  }
0xbf: {  	v14 =	vld [tilespmem:$0x1FAE0];
	v49 =	vmul.f32 $1.732050780e+00, v62;
	v29 =	vmul.f32 v16, v44;
	[tilespmem:$0x1FE80] =	vst v7;
	v23 =	vsub.f32 v28, v50  }
0xc0: {  	v7 =	vmul.f32 v61, v9;
	v6 =	vmul.f32 v24, v9;
	[tilespmem:$0x1FBD0] =	vst v1;
	v1 =	vsub.f32 v58, v32;
	v50 =	vld [tilespmem:$0x1F7A0]  }
0xc1: {  	[tilespmem:$0x1FB60] =	vst v5;
	v58 =	vmul.f32 $1.732050780e+00, v29;
	v23 =	vadd.f32 v23, v41;
	v57 =	vsub.f32 v55, v56;
	v55 =	vld [tilespmem:$0x1F7B0]  }
0xc2: {  	v18 =	vld [tilespmem:$0x1F810];
	v5 =	vmul.f32 v24, v44;
	v26 =	vmul.f32 v17, v29;
	v31 =	vsub.f32 v3, v25;
	[tilespmem:$0x1FC00] =	vst v1  }
0xc3: {  	v32 =	vmul.f32 v61, v29;
	[tilespmem:$0x1FE70] =	vst v58;
	v58 =	vld [tilespmem:$0x1F7C0];
	v23 =	vadd.f32 v23, v48;
	v1 =	vsub.f32 v57, v43  }
0xc4: {  	[tilespmem:s25+$0x29B0] =	vst v44;
	v28 =	vmul.f32 v9, v44;
	v29 =	vmul.f32 v9, v9;
	v48 =	vld [tilespmem:$0x1F7E0]  }
0xc5: {  	v41 =	vmul.f32 v16, v9;
	v57 =	vadd.f32 v23, v37;
	[tilespmem:$0x1FC30] =	vst v1;
	v1 =	vsub.f32 v31, v4;
	v31 =	vld [tilespmem:$0x1F830]  }
0xc6: {  	[tilespmem:s25+$0x5090] =	vst v14;
	v43 =	vmul.f32 v17, v9;
	v23 =	vmul.f32 $8.660253880e-01, v24;
	v56 =	vsub.f32 v50, v55;
	v55 =	vld [tilespmem:$0x1F850]  }
0xc7: {  	[tilespmem:$0x1FC40] =	vst v57;
	v50 =	vmul.f32 $5.000000000e-01, v9;
	v9 =	vmul.f32 $8.660253880e-01, v9;
	v57 =	vld [tilespmem:$0x1F860]  }
0xc8: {  	v3 =	vmul.f32 v24, v24;
	v25 =	vmul.f32 $5.000000000e-01, v24;
	[tilespmem:$0x1FC20] =	vst v23;
	v23 =	vld [tilespmem:$0x1F880]  }
0xc9: {  	v37 =	vmul.f32 v24, v16;
	v4 =	vmul.f32 v61, v24;
	v62 =	vsub.f32 v56, v58;
	[tilespmem:$0x1FC10] =	vst v9;
	v9 =	vld [tilespmem:$0x1F800]  }
0xca: {  	[tilespmem:$0x1FEA0] =	vst v49;
	v21 =	vmul.f32 $1.936491730e+00, v43;
	v56 =	vmul.f32 v17, v24;
	v24 =	vld [tilespmem:$0x1F820]  }
0xcb: {  	[tilespmem:$0x1FC50] =	vst v1;
	v49 =	vadd.f32 v62, v48;
	v48 =	vld [tilespmem:$0x1F840]  }
0xcc: {  	[tilespmem:$0x1FC80] =	vst v21;
	v62 =	vmul.f32 v61, v16  }
0xcd: {  	[tilespmem:s25+$0x5000] =	vst v23  }
0xce: {  	v1 =	vadd.f32 v49, v18;
	v49 =	vmul.f32 $3.872983460e+00, v26;
	v58 =	vmul.f32 $2.449489830e+00, v62;
	[tilespmem:s25+$0x2A00] =	vst v9  }
0xcf: {  	v62 =	vsub.f32 v55, v57;
	v57 =	vld [tilespmem:$0x1F8D0];
	[tilespmem:s25+$0x2A80] =	vst v24;
	v9 =	vmul.f32 v0, v0;
	v0 =	vsub.f32 v0, v52  }
0xd0: {  	v55 =	vld [tilespmem:$0x1F8C0];
	[tilespmem:$0x1FC60] =	vst v1;
	v1 =	vsub.f32 v31, v48  }
0xd1: {  	v18 =	vld [tilespmem:$0x1FA10];
	[tilespmem:$0x1FED0] =	vst v49;
	v0 =	vsub.f32 v0, v33  }
0xd2: {  	v49 =	vld [tilespmem:$0x1F8B0];
	[tilespmem:$0x1FC70] =	vst v1  }
0xd3: {  	v33 =	vmul.f32 $1.936491730e+00, v56;
	[tilespmem:$0x1FCC0] =	vst v0  }
0xd4: {  	[tilespmem:s25+$0x5180] =	vst v57  }
0xd5: {  	v59 =	vsub.f32 v59, v36;
	[tilespmem:$0x1FC90] =	vst v33  }
0xd6: {  	v0 =	vsub.f32 v55, v42;
	[tilespmem:s25+$0xA000] =	vst v18  }
0xd7: {  	v2 =	vmul.f32 v17, v41;
	v24 =	vld [tilespmem:$0x1F890];
	v48 =	vmul.f32 $2.371708150e+00, v41;
	v42 =	vsub.f32 v59, v40;
	[tilespmem:s25+$0x5100] =	vst v49  }
0xd8: {  	v31 =	vmul.f32 $6.123724570e-01, v41;
	v41 =	vld [tilespmem:$0x1F8A0];
	v40 =	vmul.f32 $6.708203790e+00, v32;
	[tilespmem:$0x1FCF0] =	vst v0  }
0xd9: {  	v36 =	vmul.f32 $1.500000000e+00, v56;
	v26 =	vmul.f32 v61, v44;
	v56 =	vld [tilespmem:$0x1F930];
	v32 =	vsub.f32 v34, v12;
	[tilespmem:$0x1FD30] =	vst v42  }
0xda: {  	v34 =	vld [tilespmem:$0x1F9D0];
	v18 =	vmul.f32 $7.395099990e-01, v29;
	[tilespmem:$0x1FCD0] =	vst v40  }
0xdb: {  	v23 =	vmul.f32 $7.905694240e-01, v37;
	v55 =	vmul.f32 $2.449489830e+00, v26;
	v26 =	vld [tilespmem:$0x1F8F0];
	[tilespmem:$0x1FD90] =	vst v32  }
0xdc: {  	v31 =	vsub.f32 v58, v31;
	v19 =	vadd.f32 v62, v24;
	v62 =	vmul.f32 $6.123724570e-01, v37;
	v24 =	vld [tilespmem:$0x1F8E0];
	[tilespmem:$0x1FE40] =	vst v18  }
0xdd: {  	v52 =	vmul.f32 v37, v44;
	v1 =	vmul.f32 v37, v17;
	v37 =	vld [tilespmem:$0x1F900];
	[tilespmem:s25+$0x5080] =	vst v41  }
0xde: {  	v62 =	vsub.f32 v31, v62;
	[tilespmem:s25+$0xA010] =	vst v19  }
0xdf: {  	v49 =	vsub.f32 v54, v39;
	v54 =	vld [tilespmem:$0x1F920];
	[tilespmem:s25+$0x7A80] =	vst v34  }
0xe0: {  	v41 =	vmul.f32 $1.500000000e+00, v43;
	v43 =	vld [tilespmem:$0x1F910];
	[tilespmem:$0x1FEE0] =	vst v62  }
0xe1: {  	v57 =	vsub.f32 v56, v60;
	v60 =	vld [tilespmem:$0x1F940];
	v0 =	vsub.f32 v26, v30;
	[tilespmem:s25+$0x5200] =	vst v24  }
0xe2: {  	[tilespmem:s25+$0x5280] =	vst v37  }
0xe3: {  	v15 =	vld [tilespmem:$0x1FA60];
	[tilespmem:$0x1FD00] =	vst v0  }
0xe4: {  	v19 =	vld [tilespmem:$0x1FCF0];
	[tilespmem:s25+$0x5380] =	vst v54  }
0xe5: {  	v13 =	vld [tilespmem:$0x1FAD0];
	v37 =	vsub.f32 v57, v35;
	[tilespmem:s25+$0x5300] =	vst v43  }
0xe6: {  	v14 =	vld [tilespmem:$0x1FB70];
	v30 =	vmul.f32 $2.958040000e+00, v52;
	v35 =	vsub.f32 v63, v20;
	[tilespmem:s25+$0x7800] =	vst v60  }
0xe7: {  	v18 =	vld [tilespmem:$0x1FB00];
	v24 =	vmul.f32 v28, v16;
	v0 =	vmul.f32 v17, v28;
	[tilespmem:$0x1FD50] =	vst v37  }
0xe8: {  	v26 =	vld [tilespmem:$0x1F950];
	[tilespmem:$0x1FDA0] =	vst v35;
	v35 =	vmul.f32 $2.091650010e+00, v1;
	v1 =	vmul.f32 $2.371708150e+00, v1  }
0xe9: {  	v56 =	vld [tilespmem:$0x1F980];
	v37 =	vmul.f32 $2.958040000e+00, v24;
	[tilespmem:s25+$0x5020] =	vst v19;
	v34 =	vmul.f32 $2.371708150e+00, v0  }
0xea: {  	v40 =	vmul.f32 $6.274950030e+00, v2;
	v57 =	vld [tilespmem:$0x1F990];
	v0 =	vmul.f32 $2.091650010e+00, v0;
	[tilespmem:$0x1FD40] =	vst v1  }
0xeb: {  	v59 =	vmul.f32 $6.123724570e-01, v28;
	v43 =	vmul.f32 $7.905694240e-01, v28;
	v28 =	vld [tilespmem:$0x1F960];
	v27 =	vsub.f32 v37, v30;
	[tilespmem:$0x1FDC0] =	vst v34  }
0xec: {  	v63 =	vld [tilespmem:$0x1F9F0];
	v30 =	vsub.f32 v40, v35;
	[tilespmem:$0x1FE20] =	vst v0  }
0xed: {  	v60 =	vmul.f32 v61, v17;
	v39 =	vsub.f32 v49, v26;
	v49 =	vld [tilespmem:$0x1F970];
	[tilespmem:$0x1FF30] =	vst v27  }
0xee: {  	v33 =	vmul.f32 $2.371708150e+00, v5;
	v42 =	vmul.f32 v5, v17;
	v20 =	vld [tilespmem:$0x1FA20];
	[tilespmem:$0x1FF40] =	vst v30  }
0xef: {  	v54 =	vmul.f32 $6.123724570e-01, v5;
	v21 =	vmul.f32 v60, v16;
	v26 =	vld [tilespmem:$0x1F9B0];
	v5 =	vsub.f32 v56, v57;
	[tilespmem:s25+$0x5220] =	vst v39  }
0xf0: {  	v35 =	vld [tilespmem:$0x1FCC0];
	[tilespmem:s25+$0x7880] =	vst v28  }
0xf1: {  	v56 =	vmul.f32 $1.118034010e+00, v24;
	v24 =	vld [tilespmem:$0x1F9A0];
	[tilespmem:$0x1FD60] =	vst v5;
	v5 =	vmul.f32 $3.162277700e+00, v21  }
0xf2: {  	v57 =	vld [tilespmem:$0x1F9E0];
	v21 =	vmul.f32 $3.354101900e+00, v7;
	[tilespmem:s25+$0x7900] =	vst v49  }
0xf3: {  	v34 =	vld [tilespmem:s24+$0x40];
	[tilespmem:$0x1FD20] =	vst v5  }
0xf4: {  	v28 =	vld [tilespmem:$0x1F9C0];
	[tilespmem:$0x1FD70] =	vst v21  }
0xf5: {  	v19 =	vld [tilespmem:$0x1FD60];
	[tilespmem:s25+$0x2B20] =	vst v35  }
0xf6: {  	v9 =	vsub.f32 v9, v10;
	v8 =	vsub.f32 v26, v8;
	v21 =	vld [tilespmem:$0x1FA70];
	[tilespmem:s25+$0x7980] =	vst v24  }
0xf7: {  	v49 =	vmul.f32 v60, v44;
	v5 =	vsub.f32 v47, v63;
	v47 =	vmul.f32 $3.000000000e+00, v7;
	v7 =	vld [tilespmem:$0x1FAB0];
	[tilespmem:s25+$0x7B00] =	vst v57  }
0xf8: {  	v35 =	vld [tilespmem:$0x1FD30];
	v24 =	vsub.f32 v9, v38;
	v9 =	vmul.f32 $2.371708150e+00, v42;
	[tilespmem:$0x1FD80] =	vst v8  }
0xf9: {  	v38 =	vld [tilespmem:$0x1FA30];
	v12 =	vmul.f32 $3.162277700e+00, v49;
	[tilespmem:s25+$0x7A00] =	vst v28  }
0xfa: {  	v8 =	vld [tilespmem:$0x1FA00];
	v1 =	vsub.f32 v5, v20;
	[tilespmem:$0x1FDF0] =	vst v9  }
0xfb: {  	v49 =	vld [tilespmem:$0x1FA40];
	[tilespmem:$0x1FDB0] =	vst v12  }
0xfc: {  	v5 =	vld [tilespmem:s24+$0x140];
	[tilespmem:$0x1FDD0] =	vst v1  }
0xfd: {  	v10 =	vadd.f32 v24, v53;
	v53 =	vld [tilespmem:$0x1FA90];
	[tilespmem:s25+$0x5320] =	vst v19  }
0xfe: {  	v12 =	vmul.f32 $6.274950030e+00, v42;
	v42 =	vld [tilespmem:$0x1FA80];
	[tilespmem:s25+$0x2A90] =	vst v21  }
0xff: {  	[tilespmem:s25+$0x2B90] =	vst v7;
	v7 =	vld [tilespmem:$0x1FB40]  }
0x100: {  	v32 =	vmul.f32 $7.500000000e-01, v6;
	[tilespmem:$0x1FE30] =	vst v12;
	v12 =	vld [tilespmem:$0x1FAC0];
	v57 =	vsub.f32 v38, v49  }
0x101: {  	v24 =	vadd.f32 v10, v51;
	v51 =	vmul.f32 $0.0e+00, v6;
	v6 =	vmul.f32 $4.437059880e+00, v6;
	[tilespmem:s25+$0x7B80] =	vst v8;
	v8 =	vld [tilespmem:s24+$0xC0]  }
0x102: {  	[tilespmem:s25+$0x51A0] =	vst v35;
	v1 =	vsub.f32 v57, v15;
	v57 =	vld [tilespmem:$0x1FAA0]  }
0x103: {  	v20 =	vmul.f32 $3.750000000e-01, v29;
	v49 =	vmul.f32 $5.590170030e-01, v29;
	[tilespmem:$0x1FE50] =	vst v6;
	v29 =	vld [tilespmem:$0x1FBA0]  }
0x104: {  	v10 =	vmul.f32 $5.590170030e-01, v3;
	[tilespmem:s25+$0x2B10] =	vst v42;
	v15 =	vld [tilespmem:$0x1FAF0];
	v42 =	vmul.f32 v5, v34  }
0x105: {  	v9 =	vadd.f32 v24, v11;
	v11 =	vmul.f32 $7.395099990e-01, v3;
	[tilespmem:s25+$0x5010] =	vst v12;
	v12 =	vld [tilespmem:$0x1FB50]  }
0x106: {  	v63 =	vmul.f32 $3.354101900e+00, v4;
	[tilespmem:$0x1FE10] =	vst v10;
	v0 =	vmul.f32 $1.732050780e+00, v42;
	v42 =	vld [tilespmem:$0x1FBB0]  }
0x107: {  	v28 =	vmul.f32 $3.000000000e+00, v4;
	[tilespmem:$0x1FE60] =	vst v11;
	v11 =	vmul.f32 v8, v34;
	v4 =	vsub.f32 v53, v57;
	v53 =	vld [tilespmem:$0x1FB10]  }
0x108: {  	v6 =	vmul.f32 v5, v5;
	[tilespmem:$0x1FE00] =	vst v9;
	v24 =	vmul.f32 v5, v8;
	v57 =	vld [tilespmem:$0x1FB20]  }
0x109: {  	[tilespmem:$0x1FDE0] =	vst v1;
	v21 =	vsub.f32 v15, v18;
	v10 =	vmul.f32 v5, v11;
	v9 =	vmul.f32 $1.732050780e+00, v11;
	v15 =	vld [tilespmem:$0x1FB80]  }
0x10a: {  	[tilespmem:$0x1FFD0] =	vst v0;
	v18 =	vmul.f32 v6, v11;
	v11 =	vmul.f32 $1.732050780e+00, v24;
	v24 =	vld [tilespmem:$0x1FB90]  }
0x10b: {  	v38 =	vmul.f32 $3.750000000e-01, v3;
	v3 =	vsub.f32 v4, v13;
	v4 =	vld [tilespmem:$0x1FB30];
	[tilespmem:$0x1FF80] =	vst v9  }
0x10c: {  	[tilespmem:$0x1FF90] =	vst v11;
	v13 =	vld [tilespmem:$0x1FB60];
	v10 =	vmul.f32 $3.872983460e+00, v10  }
0x10d: {  	[tilespmem:s25+$0x5210] =	vst v12;
	v9 =	vld [tilespmem:$0x1FC10]  }
0x10e: {  	v21 =	vsub.f32 v21, v7;
	v11 =	vld [tilespmem:$0x1FC20];
	[tilespmem:$0x1FFE0] =	vst v10  }
0x10f: {  	v3 =	vadd.f32 v3, v57;
	v57 =	vsub.f32 v14, v15;
	[tilespmem:s25+$0x5310] =	vst v24;
	v24 =	vld [tilespmem:$0x1FBC0]  }
0x110: {  	[tilespmem:s25+$0x5110] =	vst v53;
	v15 =	vmul.f32 v61, v61;
	v53 =	vsub.f32 v29, v42;
	v61 =	vsub.f32 v61, v50;
	v29 =	vld [tilespmem:$0x1FBD0]  }
0x111: {  	[tilespmem:s25+$0x7AA0] =	vst v21;
	v42 =	vld [tilespmem:$0x1FBE0]  }
0x112: {  	v26 =	vmul.f32 $1.118034010e+00, v52;
	v0 =	vmul.f32 v34, v34;
	[tilespmem:s25+$0x5190] =	vst v4;
	v61 =	vsub.f32 v61, v25;
	v25 =	vld [tilespmem:$0x1FC40]  }
0x113: {  	v52 =	vmul.f32 $2.371708150e+00, v2;
	v1 =	vmul.f32 v8, v8;
	v50 =	vld [tilespmem:$0x1FBF0];
	[tilespmem:s25+$0x5290] =	vst v13  }
0x114: {  	v58 =	vmul.f32 v6, v8;
	v2 =	vmul.f32 v8, v0;
	v4 =	vld [tilespmem:$0x1FC00];
	[tilespmem:$0x1FE90] =	vst v61  }
0x115: {  	v12 =	vmul.f32 v0, v0;
	v7 =	vmul.f32 v5, v0;
	[tilespmem:s25+$0x5390] =	vst v24  }
0x116: {  	v14 =	vmul.f32 v6, v0;
	v46 =	vadd.f32 v3, v46;
	v3 =	vmul.f32 v0, v34;
	[tilespmem:s25+$0x7810] =	vst v29  }
0x117: {  	v13 =	vmul.f32 v1, v0;
	v61 =	vmul.f32 $8.660253880e-01, v0;
	[tilespmem:s25+$0x7A10] =	vst v25;
	v25 =	vld [tilespmem:$0x1FC70]  }
0x118: {  	v53 =	vadd.f32 v53, v42;
	[tilespmem:s25+$0x7890] =	vst v50;
	v50 =	vmul.f32 $5.000000000e-01, v0;
	v0 =	vsub.f32 v9, v11;
	v42 =	vld [tilespmem:$0x1FC50]  }
0x119: {  	v62 =	vmul.f32 $5.000000000e-01, v1;
	v31 =	vmul.f32 $8.660253880e-01, v1;
	v24 =	vld [tilespmem:$0x1FC30];
	v29 =	vsub.f32 v48, v23;
	[tilespmem:s25+$0x7910] =	vst v4  }
0x11a: {  	v45 =	vld [tilespmem:$0x1FC80];
	v58 =	vmul.f32 $2.449489830e+00, v58;
	v30 =	vmul.f32 $7.905694240e-01, v3;
	[tilespmem:$0x1FEB0] =	vst v0  }
0x11b: {  	v11 =	vmul.f32 v1, v1;
	v48 =	vmul.f32 v1, v34;
	v23 =	vld [tilespmem:$0x1FC60];
	[tilespmem:$0x1FEC0] =	vst v29;
	v29 =	vsub.f32 v55, v59  }
0x11c: {  	v15 =	vsub.f32 v15, v47;
	v9 =	vmul.f32 v6, v1;
	v0 =	vmul.f32 v1, v8;
	[tilespmem:s25+$0x7B90] =	vst v25;
	v25 =	vld [tilespmem:$0x1FCA0]  }
0x11d: {  	v4 =	vmul.f32 v5, v1;
	v55 =	vmul.f32 v5, v2;
	[tilespmem:s25+$0x7A90] =	vst v42;
	v42 =	vsub.f32 v29, v54;
	v54 =	vld [tilespmem:$0x1FC90]  }
0x11e: {  	v27 =	vld [tilespmem:$0x1FD20];
	v59 =	vmul.f32 $2.371708150e+00, v2;
	[tilespmem:s25+$0x7990] =	vst v24;
	v24 =	vsub.f32 v60, v41;
	v41 =	vmul.f32 v6, v34  }
0x11f: {  	[tilespmem:s25+$0x7BA0] =	vst v57;
	v15 =	vsub.f32 v15, v28;
	v28 =	vmul.f32 $2.371708150e+00, v48;
	v35 =	vmul.f32 $3.354101900e+00, v9;
	v29 =	vld [tilespmem:$0x1FCB0]  }
0x120: {  	v22 =	vmul.f32 v0, v5;
	[tilespmem:s25+$0x7B10] =	vst v23;
	v23 =	vsub.f32 v43, v33;
	v33 =	vmul.f32 $2.449489830e+00, v41;
	v41 =	vld [tilespmem:$0x1FCD0]  }
0x121: {  	v60 =	vmul.f32 $6.123724570e-01, v2;
	v2 =	vmul.f32 v0, v34;
	[tilespmem:s25+$0x2A20] =	vst v25;
	v25 =	vld [tilespmem:$0x1FD00]  }
0x122: {  	v39 =	vld [tilespmem:$0x1FD40];
	[tilespmem:s25+$0x7B20] =	vst v46;
	v1 =	vsub.f32 v24, v36;
	v36 =	vmul.f32 $7.905694240e-01, v0;
	v10 =	vsub.f32 v45, v54  }
0x123: {  	v19 =	vld [tilespmem:$0x1FDB0];
	[tilespmem:$0x1FF00] =	vst v42;
	v24 =	vmul.f32 $6.123724570e-01, v0;
	v0 =	vmul.f32 v6, v5  }
0x124: {  	v37 =	vmul.f32 $1.500000000e+00, v4;
	v40 =	vmul.f32 $1.936491730e+00, v4;
	[tilespmem:$0x1FF10] =	vst v10;
	v10 =	vld [tilespmem:$0x1FCE0]  }
0x125: {  	v4 =	vld [tilespmem:s24+$0x50];
	v43 =	vmul.f32 $1.500000000e+00, v7;
	[tilespmem:s25+$0x2AA0] =	vst v29;
	v45 =	vsub.f32 v41, v56;
	v41 =	vmul.f32 v0, v8  }
0x126: {  	v42 =	vmul.f32 $1.936491730e+00, v7;
	v7 =	vmul.f32 v5, v3;
	v29 =	vsub.f32 v27, v52;
	[tilespmem:s25+$0x50A0] =	vst v25;
	v25 =	vld [tilespmem:$0x1FD70]  }
0x127: {  	v15 =	vadd.f32 v15, v20;
	[tilespmem:$0x1FEF0] =	vst v1;
	v1 =	vmul.f32 v3, v8;
	v52 =	vmul.f32 $3.162277700e+00, v41;
	v41 =	vld [tilespmem:$0x1FD50]  }
0x128: {  	[tilespmem:$0x1FF20] =	vst v23;
	v56 =	vmul.f32 $6.123724570e-01, v3;
	v3 =	vmul.f32 v48, v5;
	v47 =	vsub.f32 v29, v39;
	v39 =	vld [tilespmem:$0x1FD80]  }
0x129: {  	v21 =	vld [tilespmem:$0x1FE20];
	v23 =	vsub.f32 v45, v26;
	v45 =	vadd.f32 v15, v32;
	[tilespmem:s25+$0x2BA0] =	vst v10;
	v10 =	vmul.f32 $6.123724570e-01, v48  }
0x12a: {  	v46 =	vld [tilespmem:$0x1FE40];
	[tilespmem:s25+$0xA020] =	vst v53;
	v48 =	vmul.f32 $6.708203790e+00, v18;
	v18 =	vmul.f32 v0, v34  }
0x12b: {  	v57 =	vmul.f32 $3.750000000e-01, v11;
	[tilespmem:s25+$0x79B0] =	vst v47;
	v38 =	vadd.f32 v45, v38;
	v45 =	vld [tilespmem:$0x1FD90];
	v27 =	vsub.f32 v25, v63  }
0x12c: {  	v36 =	vsub.f32 v59, v36;
	v59 =	vmul.f32 v4, v4;
	[tilespmem:s25+$0x52A0] =	vst v41;
	v41 =	vmul.f32 $3.162277700e+00, v18;
	v18 =	vld [tilespmem:$0x1FDA0]  }
0x12d: {  	[tilespmem:s25+$0x53A0] =	vst v39;
	v39 =	vmul.f32 $2.371708150e+00, v22;
	v63 =	vmul.f32 $2.091650010e+00, v22;
	v22 =	vld [tilespmem:$0x1FDC0];
	v54 =	vsub.f32 v27, v49  }
0x12e: {  	v31 =	vsub.f32 v61, v31;
	v20 =	vmul.f32 $2.958040000e+00, v2;
	v61 =	vmul.f32 v59, v4;
	v26 =	vld [tilespmem:$0x1FD10];
	[tilespmem:$0x1FF50] =	vst v23  }
0x12f: {  	v29 =	vmul.f32 $1.118034010e+00, v2;
	v15 =	vmul.f32 $6.274950030e+00, v55;
	[tilespmem:$0x1FF60] =	vst v41;
	v51 =	vadd.f32 v54, v51;
	v54 =	vld [tilespmem:$0x1FDF0]  }
0x130: {  	v55 =	vmul.f32 $2.371708150e+00, v55;
	v32 =	vmul.f32 $3.000000000e+00, v14;
	[tilespmem:s25+$0x7820] =	vst v45;
	v45 =	vld [tilespmem:$0x1FDE0]  }
0x131: {  	v41 =	vmul.f32 $3.354101900e+00, v14;
	v14 =	vld [tilespmem:$0x1FE00];
	[tilespmem:s25+$0x78A0] =	vst v18;
	v18 =	vmul.f32 $3.000000000e+00, v9  }
0x132: {  	[tilespmem:s25+$0x7A30] =	vst v38;
	v25 =	vld [tilespmem:$0x1FDD0];
	v49 =	vmul.f32 $2.371708150e+00, v7;
	v27 =	vmul.f32 $2.091650010e+00, v7;
	v2 =	vsub.f32 v19, v22  }
0x133: {  	[tilespmem:s25+$0x5120] =	vst v26;
	v7 =	vmul.f32 $2.371708150e+00, v3;
	v9 =	vmul.f32 $6.274950030e+00, v3;
	v3 =	vld [tilespmem:s24+$0x150]  }
0x134: {  	v40 =	vsub.f32 v42, v40;
	v42 =	vmul.f32 $8.660253880e-01, v59;
	[tilespmem:$0x1FFA0] =	vst v27;
	v22 =	vsub.f32 v2, v54;
	v54 =	vld [tilespmem:$0x1FE50]  }
0x135: {  	v33 =	vsub.f32 v33, v56;
	v47 =	vmul.f32 $7.905694240e-01, v61;
	v52 =	vsub.f32 v52, v55;
	[tilespmem:s25+$0x79A0] =	vst v45;
	v19 =	vld [tilespmem:$0x1FE10]  }
0x136: {  	v53 =	vld [tilespmem:$0x1FE70];
	v23 =	vmul.f32 $2.958040000e+00, v1;
	v0 =	vsub.f32 v0, v43;
	v26 =	vmul.f32 $1.118034010e+00, v1;
	[tilespmem:$0x1FFB0] =	vst v9  }
0x137: {  	v38 =	vsub.f32 v52, v39;
	v27 =	vmul.f32 $5.590170030e-01, v12;
	v45 =	vmul.f32 $7.395099990e-01, v12;
	[tilespmem:s25+$0x7920] =	vst v25;
	v25 =	vld [tilespmem:$0x1FE30]  }
0x138: {  	v52 =	vsub.f32 v41, v35;
	[tilespmem:s25+$0x7A20] =	vst v14;
	v14 =	vmul.f32 $7.500000000e-01, v13;
	v1 =	vmul.f32 v3, v59;
	v2 =	vld [tilespmem:s24+$0xD0]  }
0x139: {  	[tilespmem:$0x1FFC0] =	vst v45;
	v45 =	vmul.f32 $4.437059880e+00, v13;
	v41 =	vmul.f32 v3, v61;
	v9 =	vsub.f32 v46, v54;
	v54 =	vld [tilespmem:$0x1FE60]  }
0x13a: {  	[tilespmem:s25+$0x28B0] =	vst v16;
	v39 =	vmul.f32 $1.500000000e+00, v1;
	v1 =	vmul.f32 $1.936491730e+00, v1;
	v51 =	vadd.f32 v51, v19  }
0x13b: {  	[tilespmem:s25+$0x2A30] =	vst v53;
	v53 =	vld [tilespmem:$0x1FEC0];
	v19 =	vmul.f32 $3.750000000e-01, v12;
	v12 =	vmul.f32 v6, v6;
	v6 =	vsub.f32 v6, v50  }
0x13c: {  	[tilespmem:s25+$0x2930] =	vst v17;
	v21 =	vsub.f32 v21, v25;
	v25 =	vmul.f32 $0.0e+00, v13;
	v50 =	vmul.f32 $5.590170030e-01, v11  }
0x13d: {  	[tilespmem:$0x1FF70] =	vst v7;
	v62 =	vsub.f32 v6, v62;
	v6 =	vmul.f32 v3, v3;
	v7 =	vmul.f32 v2, v4  }
0x13e: {  	[tilespmem:s25+$0x7BB0] =	vst v21;
	v21 =	vmul.f32 $6.123724570e-01, v61;
	v46 =	vadd.f32 v9, v54;
	v9 =	vmul.f32 v3, v4  }
0x13f: {  	[tilespmem:s25+$0x29C0] =	vst v34;
	v13 =	vld [tilespmem:$0x1FEA0];
	v54 =	vmul.f32 $7.395099990e-01, v11;
	v11 =	vsub.f32 v58, v60;
	v58 =	vmul.f32 v3, v7  }
0x140: {  	[tilespmem:s25+$0x50B0] =	vst v53;
	v53 =	vld [tilespmem:$0x1FF00];
	v48 =	vsub.f32 v48, v26;
	v17 =	vmul.f32 v3, v2;
	v9 =	vmul.f32 $1.732050780e+00, v9  }
0x141: {  	[tilespmem:s25+$0x50C0] =	vst v36;
	v12 =	vsub.f32 v12, v32;
	v43 =	vmul.f32 v2, v2;
	v26 =	vmul.f32 $3.872983460e+00, v58;
	v58 =	vld [tilespmem:$0x1FF20]  }
0x142: {  	v37 =	vsub.f32 v0, v37;
	v56 =	vmul.f32 v2, v59;
	v0 =	vmul.f32 v6, v2;
	[tilespmem:$0x1FFF0] =	vst v9;
	v9 =	vld [tilespmem:$0x1FED0]  }
0x143: {  	[tilespmem:s25+$0x5340] =	vst v40;
	v12 =	vsub.f32 v12, v18;
	v18 =	vmul.f32 v6, v4;
	v35 =	vmul.f32 v61, v2  }
0x144: {  	[tilespmem:s25+$0x2BB0] =	vst v13;
	v13 =	vmul.f32 v59, v59;
	v16 =	vmul.f32 $1.732050780e+00, v7  }
0x145: {  	[tilespmem:s25+$0x52B0] =	vst v53;
	v20 =	vsub.f32 v23, v20;
	v17 =	vmul.f32 $1.732050780e+00, v17;
	v60 =	vmul.f32 v6, v7;
	v7 =	vld [tilespmem:$0x1FE80]  }
0x146: {  	v53 =	vsub.f32 v15, v63;
	v23 =	vmul.f32 v3, v43;
	v63 =	vmul.f32 v6, v43;
	[tilespmem:s25+$0x53B0] =	vst v58;
	v58 =	vld [tilespmem:$0x1FF30]  }
0x147: {  	v29 =	vsub.f32 v48, v29;
	v15 =	vmul.f32 $5.000000000e-01, v43;
	v0 =	vmul.f32 $2.449489830e+00, v0;
	[tilespmem:s25+$0x5130] =	vst v9;
	v9 =	vld [tilespmem:$0x1FF10]  }
0x148: {  	[tilespmem:s25+$0x7AB0] =	vst v22;
	v32 =	vmul.f32 v3, v56;
	v48 =	vmul.f32 $2.371708150e+00, v56;
	v44 =	vsub.f32 v11, v24;
	v11 =	vld [tilespmem:$0x1FE90]  }
0x149: {  	[tilespmem:s25+$0x2B40] =	vst v62;
	v56 =	vmul.f32 $6.123724570e-01, v56;
	v12 =	vadd.f32 v12, v19;
	v18 =	vmul.f32 $2.449489830e+00, v18;
	v24 =	vld [tilespmem:$0x1FEB0]  }
0x14a: {  	v34 =	vmul.f32 $1.118034010e+00, v35;
	v36 =	vmul.f32 $3.750000000e-01, v13;
	[tilespmem:s25+$0x2AB0] =	vst v7  }
0x14b: {  	v12 =	vadd.f32 v12, v14;
	v14 =	vmul.f32 $1.500000000e+00, v23;
	v22 =	vmul.f32 $1.936491730e+00, v23;
	[tilespmem:s25+$0x7830] =	vst v58;
	v58 =	vld [tilespmem:$0x1FF40]  }
0x14c: {  	v23 =	vsub.f32 v52, v27;
	v62 =	vsub.f32 v0, v56;
	v56 =	vmul.f32 $3.354101900e+00, v63;
	[tilespmem:s25+$0x5330] =	vst v9;
	v9 =	vld [tilespmem:$0x1FF50]  }
0x14d: {  	v7 =	vmul.f32 v6, v59;
	[tilespmem:s25+$0x2B30] =	vst v11;
	v11 =	vsub.f32 v33, v10;
	v33 =	vmul.f32 v43, v59  }
0x14e: {  	v40 =	vsub.f32 v18, v21;
	[tilespmem:s25+$0x5030] =	vst v24;
	v10 =	vmul.f32 $5.000000000e-01, v59;
	v59 =	vmul.f32 v43, v2;
	v24 =	vld [tilespmem:$0x1FEE0]  }
0x14f: {  	[tilespmem:s25+$0x2940] =	vst v5;
	v18 =	vmul.f32 $2.091650010e+00, v41;
	v61 =	vadd.f32 v23, v25;
	v23 =	vmul.f32 v6, v3  }
0x150: {  	v55 =	vmul.f32 v59, v3;
	v19 =	vmul.f32 $6.123724570e-01, v59;
	[tilespmem:s25+$0x78B0] =	vst v58  }
0x151: {  	v58 =	vmul.f32 v59, v4;
	[tilespmem:s25+$0x7930] =	vst v9;
	v9 =	vmul.f32 $7.905694240e-01, v59;
	v59 =	vld [tilespmem:$0x1FF60]  }
0x152: {  	[tilespmem:s25+$0x7B30] =	vst v51;
	v12 =	vadd.f32 v12, v57;
	v25 =	vmul.f32 $2.958040000e+00, v35;
	v51 =	vmul.f32 v23, v4  }
0x153: {  	v35 =	vmul.f32 v6, v6;
	v6 =	vsub.f32 v6, v10;
	[tilespmem:s25+$0x51B0] =	vst v24;
	v24 =	vsub.f32 v30, v28;
	v30 =	vld [tilespmem:$0x1FEF0]  }
0x154: {  	v52 =	vld [tilespmem:$0x1FF70];
	v50 =	vadd.f32 v61, v50;
	v5 =	vmul.f32 v23, v2;
	[tilespmem:s25+$0x51C0] =	vst v44;
	v44 =	vmul.f32 $3.162277700e+00, v51  }
0x155: {  	[tilespmem:s25+$0x7840] =	vst v20;
	v61 =	vld [tilespmem:$0x1FFB0];
	v51 =	vmul.f32 $2.371708150e+00, v41;
	v20 =	vmul.f32 $4.437059880e+00, v33;
	v6 =	vsub.f32 v6, v15  }
0x156: {  	[tilespmem:s25+$0x28C0] =	vst v8;
	v15 =	vmul.f32 $3.000000000e+00, v63;
	v8 =	vsub.f32 v59, v49;
	v49 =	vmul.f32 $6.708203790e+00, v60;
	v60 =	vld [tilespmem:$0x1FFA0]  }
0x157: {  	v57 =	vld [tilespmem:$0x1FF80];
	v19 =	vsub.f32 v62, v19;
	v62 =	vmul.f32 $5.590170030e-01, v13;
	v28 =	vmul.f32 v43, v43  }
0x158: {  	v63 =	vsub.f32 v23, v39;
	v23 =	vmul.f32 $0.0e+00, v33;
	[tilespmem:s25+$0x5230] =	vst v30;
	v30 =	vmul.f32 v43, v4  }
0x159: {  	v10 =	vld [tilespmem:s24+$0x160];
	v13 =	vmul.f32 $7.395099990e-01, v13;
	v39 =	vmul.f32 $5.590170030e-01, v28  }
0x15a: {  	[tilespmem:s25+$0x5040] =	vst v31;
	v43 =	vmul.f32 $8.660253880e-01, v43;
	v27 =	vmul.f32 v30, v3  }
0x15b: {  	[tilespmem:s25+$0xA030] =	vst v46;
	v46 =	vmul.f32 $6.123724570e-01, v30;
	v8 =	vsub.f32 v8, v52;
	v52 =	vsub.f32 v60, v61;
	v60 =	vld [tilespmem:$0x1FFC0]  }
0x15c: {  	[tilespmem:s25+$0x2A40] =	vst v57;
	v30 =	vmul.f32 $2.371708150e+00, v30;
	v57 =	vmul.f32 $2.958040000e+00, v58;
	v59 =	vld [tilespmem:$0x1FF90]  }
0x15d: {  	[tilespmem:s25+$0x5240] =	vst v37;
	v58 =	vmul.f32 $1.118034010e+00, v58;
	v42 =	vsub.f32 v42, v43;
	v43 =	vmul.f32 $7.500000000e-01, v33  }
0x15e: {  	[tilespmem:s25+$0x79C0] =	vst v38;
	v33 =	vmul.f32 v10, v10;
	v37 =	vmul.f32 $2.371708150e+00, v27;
	v61 =	vld [tilespmem:$0x1FFD0]  }
0x15f: {  	[tilespmem:s25+$0x7940] =	vst v29;
	v0 =	vld [tilespmem:s24+$0x60];
	v9 =	vsub.f32 v48, v9;
	v48 =	vmul.f32 $3.354101900e+00, v7;
	v21 =	vmul.f32 $6.274950030e+00, v27  }
0x160: {  	[tilespmem:s25+$0x53C0] =	vst v24;
	v24 =	vsub.f32 v40, v46;
	v27 =	vmul.f32 $7.395099990e-01, v28;
	v45 =	vsub.f32 v60, v45  }
0x161: {  	v34 =	vsub.f32 v49, v34;
	[tilespmem:s25+$0x2AC0] =	vst v59;
	v59 =	vmul.f32 $6.274950030e+00, v32;
	v32 =	vmul.f32 $2.371708150e+00, v32  }
0x162: {  	[tilespmem:s25+$0x52C0] =	vst v11;
	v60 =	vmul.f32 $2.091650010e+00, v55;
	v31 =	vadd.f32 v45, v54;
	v45 =	vmul.f32 $2.371708150e+00, v55;
	v55 =	vld [tilespmem:$0x1FFE0]  }
0x163: {  	v30 =	vsub.f32 v47, v30;
	[tilespmem:s25+$0x2BC0] =	vst v61;
	v61 =	vmul.f32 $3.162277700e+00, v5;
	v54 =	vmul.f32 $3.000000000e+00, v7;
	v7 =	vld [tilespmem:s24+$0xE0]  }
0x164: {  	v40 =	vmul.f32 v33, v10;
	v47 =	vmul.f32 v10, v0;
	[tilespmem:s25+$0xA040] =	vst v31;
	v31 =	vsub.f32 v34, v58  }
0x165: {  	[tilespmem:s25+$0x51D0] =	vst v19;
	v58 =	vsub.f32 v61, v32;
	v32 =	vmul.f32 v33, v0;
	v61 =	vsub.f32 v44, v51  }
0x166: {  	v22 =	vsub.f32 v1, v22;
	v11 =	vmul.f32 v33, v33;
	[tilespmem:s25+$0x50D0] =	vst v9;
	v19 =	vmul.f32 $1.732050780e+00, v47  }
0x167: {  	v9 =	vsub.f32 v61, v37;
	v61 =	vmul.f32 $2.449489830e+00, v32;
	[tilespmem:s25+$0x5140] =	vst v55;
	v55 =	vmul.f32 $3.750000000e-01, v28  }
0x168: {  	[tilespmem:s25+$0x7A40] =	vst v12;
	v14 =	vsub.f32 v63, v14;
	v28 =	vmul.f32 v0, v0;
	v29 =	vmul.f32 v7, v7  }
0x169: {  	[tilespmem:s25+$0x7B40] =	vst v50;
	v12 =	vsub.f32 v25, v57;
	v41 =	vmul.f32 v7, v0;
	v63 =	vmul.f32 v10, v7  }
0x16a: {  	[tilespmem:s25+$0x7AC0] =	vst v8;
	v8 =	vsub.f32 v59, v60;
	v50 =	vmul.f32 v33, v7;
	v38 =	vmul.f32 v28, v0  }
0x16b: {  	v35 =	vsub.f32 v35, v54;
	v5 =	vmul.f32 v28, v28;
	v25 =	vmul.f32 v29, v7  }
0x16c: {  	v59 =	vsub.f32 v48, v56;
	v1 =	vmul.f32 v29, v29;
	v49 =	vmul.f32 v7, v28  }
0x16d: {  	[tilespmem:s25+$0x2AD0] =	vst v17;
	v57 =	vsub.f32 v35, v15;
	v34 =	vmul.f32 v10, v41;
	v15 =	vmul.f32 v10, v28  }
0x16e: {  	[tilespmem:s25+$0x7BC0] =	vst v52;
	v35 =	vmul.f32 v10, v29;
	v52 =	vmul.f32 v29, v0  }
0x16f: {  	[tilespmem:s25+$0x2B50] =	vst v6;
	v6 =	vsub.f32 v59, v62;
	v17 =	vmul.f32 v33, v41;
	v48 =	vmul.f32 v33, v28  }
0x170: {  	[tilespmem:s25+$0x78C0] =	vst v53;
	v53 =	vmul.f32 v33, v29;
	v54 =	vmul.f32 v29, v28  }
0x171: {  	v6 =	vadd.f32 v6, v23;
	v41 =	vmul.f32 $1.732050780e+00, v41;
	v44 =	vmul.f32 $1.732050780e+00, v63  }
0x172: {  	[tilespmem:s25+$0x28D0] =	vst v2;
	v2 =	vadd.f32 v57, v36;
	v62 =	vmul.f32 $5.000000000e-01, v28;
	v63 =	vmul.f32 $5.000000000e-01, v29  }
0x173: {  	v6 =	vadd.f32 v6, v39;
	v28 =	vmul.f32 $8.660253880e-01, v28;
	v39 =	vmul.f32 $8.660253880e-01, v29  }
0x174: {  	[tilespmem:s25+$0x2950] =	vst v3;
	v51 =	vmul.f32 $2.449489830e+00, v50;
	v2 =	vadd.f32 v2, v43;
	v43 =	vmul.f32 v40, v7  }
0x175: {  	[tilespmem:s25+$0x29D0] =	vst v4;
	v4 =	vmul.f32 v38, v7;
	v36 =	vmul.f32 v25, v0  }
0x176: {  	[tilespmem:s25+$0x2A50] =	vst v16;
	v60 =	vld [tilespmem:$0x1FFF0];
	v3 =	vsub.f32 v58, v45;
	v16 =	vmul.f32 v10, v49;
	v45 =	vmul.f32 v25, v10  }
0x177: {  	[tilespmem:s25+$0x5050] =	vst v42;
	v42 =	vmul.f32 v10, v38;
	v56 =	vmul.f32 v52, v10  }
0x178: {  	v46 =	vmul.f32 $2.371708150e+00, v49;
	v47 =	vmul.f32 $7.905694240e-01, v25  }
0x179: {  	[tilespmem:s25+$0x52D0] =	vst v24;
	v24 =	vmul.f32 $3.872983460e+00, v34;
	v57 =	vmul.f32 $6.123724570e-01, v49  }
0x17a: {  	v13 =	vsub.f32 v13, v20;
	v25 =	vmul.f32 $6.123724570e-01, v25;
	v58 =	vmul.f32 $1.500000000e+00, v15  }
0x17b: {  	[tilespmem:s25+$0x2BD0] =	vst v60;
	v23 =	vsub.f32 v33, v62;
	v60 =	vmul.f32 $1.500000000e+00, v35;
	v62 =	vmul.f32 $6.123724570e-01, v38  }
0x17c: {  	[tilespmem:s25+$0x5350] =	vst v22;
	v59 =	vadd.f32 v13, v27;
	v15 =	vmul.f32 $1.936491730e+00, v15;
	v37 =	vmul.f32 $1.936491730e+00, v35  }
0x17d: {  	[tilespmem:s25+$0x5250] =	vst v14;
	v14 =	vsub.f32 v28, v39;
	v34 =	vmul.f32 $7.905694240e-01, v38;
	v39 =	vmul.f32 $2.371708150e+00, v52  }
0x17e: {  	[tilespmem:s25+$0x78D0] =	vst v8;
	v17 =	vmul.f32 $6.708203790e+00, v17;
	v38 =	vmul.f32 $7.500000000e-01, v54;
	v2 =	vadd.f32 v2, v55  }
0x17f: {  	[tilespmem:s25+$0x7950] =	vst v31;
	v31 =	vld [tilespmem:s24+$0x70];
	v55 =	vmul.f32 v40, v0;
	v8 =	vsub.f32 v23, v63;
	v63 =	vmul.f32 $6.123724570e-01, v52  }
0x180: {  	[tilespmem:s25+$0x5150] =	vst v26;
	v33 =	vsub.f32 v51, v57;
	v49 =	vmul.f32 $6.274950030e+00, v16;
	v50 =	vmul.f32 $2.091650010e+00, v45  }
0x181: {  	[tilespmem:s25+$0x53D0] =	vst v30;
	v51 =	vsub.f32 v40, v58;
	v57 =	vmul.f32 $1.118034010e+00, v36;
	v58 =	vmul.f32 $3.162277700e+00, v43  }
0x182: {  	[tilespmem:s25+$0xA050] =	vst v59;
	v52 =	vsub.f32 v61, v62;
	v59 =	vmul.f32 $2.371708150e+00, v16;
	v62 =	vmul.f32 $3.000000000e+00, v48  }
0x183: {  	[tilespmem:s25+$0x7850] =	vst v12;
	v20 =	vsub.f32 v34, v39;
	v39 =	vmul.f32 $3.750000000e-01, v1;
	v43 =	vmul.f32 $2.371708150e+00, v42  }
0x184: {  	v18 =	vsub.f32 v18, v21;
	v30 =	vmul.f32 $2.371708150e+00, v56;
	[tilespmem:s25+$0x5060] =	vst v14;
	v14 =	vmul.f32 v31, v31  }
0x185: {  	[tilespmem:s25+$0x7A50] =	vst v2;
	v2 =	vsub.f32 v46, v47;
	v46 =	vmul.f32 $2.958040000e+00, v4;
	v47 =	vmul.f32 $2.958040000e+00, v36  }
0x186: {  	[tilespmem:s25+$0x7BD0] =	vst v18;
	v4 =	vmul.f32 $1.118034010e+00, v4;
	v36 =	vsub.f32 v15, v37;
	v37 =	vmul.f32 $3.750000000e-01, v5  }
0x187: {  	[tilespmem:s25+$0x79D0] =	vst v3;
	v35 =	vimm.f32 $1.000000000e+00;
	v40 =	vmul.f32 $3.162277700e+00, v55;
	v55 =	vmul.f32 $4.437059880e+00, v54  }
0x188: {  	[tilespmem:s25+$0x7B50] =	vst v6;
	v3 =	vsub.f32 v33, v25;
	v6 =	vsub.f32 v51, v60;
	v60 =	vmul.f32 $2.371708150e+00, v45  }
0x189: {  	[tilespmem:s25+$0x2960] =	vst v10;
	v61 =	vsub.f32 v52, v63;
	v63 =	vmul.f32 $3.000000000e+00, v53;
	v45 =	vmul.f32 $3.354101900e+00, v48  }
0x18a: {  	[tilespmem:s25+$0x7AD0] =	vst v9;
	v9 =	vsub.f32 v49, v50;
	v48 =	vmul.f32 $5.590170030e-01, v5;
	v49 =	vmul.f32 $0.0e+00, v54  }
0x18b: {  	[tilespmem:s25+$0x29E0] =	vst v0;
	v33 =	vld [tilespmem:s24+$0xF0];
	v11 =	vsub.f32 v11, v62;
	v50 =	vmul.f32 $5.590170030e-01, v1;
	v51 =	vmul.f32 $2.091650010e+00, v42  }
0x18c: {  	[tilespmem:s25+$0x2BE0] =	vst v19;
	v52 =	vmul.f32 $6.274950030e+00, v56;
	v5 =	vmul.f32 $7.395099990e-01, v5;
	v56 =	vsub.f32 v58, v59  }
0x18d: {  	[tilespmem:s25+$0x5160] =	vst v24;
	v24 =	vmul.f32 v14, v31;
	v21 =	vsub.f32 v46, v47;
	v47 =	vsub.f32 v17, v4;
	v17 =	vld [tilespmem:s24+$0x170]  }
0x18e: {  	[tilespmem:s25+$0x28E0] =	vst v7;
	v54 =	vmul.f32 $5.000000000e-01, v14;
	v46 =	vmul.f32 $3.354101900e+00, v53;
	v53 =	vsub.f32 v11, v63  }
0x18f: {  	[tilespmem:s25+$0x2A60] =	vst v41;
	v23 =	vsub.f32 v47, v57;
	v57 =	vmul.f32 $7.395099990e-01, v1;
	v1 =	vmul.f32 v14, v14  }
0x190: {  	[tilespmem:s25+$0x52E0] =	vst v61;
	v61 =	vsub.f32 v45, v46;
	v58 =	vmul.f32 v33, v33;
	v62 =	vmul.f32 v33, v31  }
0x191: {  	[tilespmem:s25+$0x2AE0] =	vst v44;
	v0 =	vadd.f32 v53, v37;
	v37 =	vmul.f32 v33, v14;
	v45 =	vmul.f32 v24, v33  }
0x192: {  	[tilespmem:s25+$0x2800] =	vst v35;
	v4 =	vsub.f32 v61, v48;
	v61 =	vmul.f32 $6.123724570e-01, v24;
	v59 =	vmul.f32 v17, v17  }
0x193: {  	[tilespmem:s25+$0x5360] =	vst v36;
	v63 =	vmul.f32 v17, v33;
	v36 =	vmul.f32 v17, v31  }
0x194: {  	[tilespmem:s25+$0x50E0] =	vst v2;
	v2 =	vsub.f32 v56, v60;
	v41 =	vmul.f32 v17, v14;
	v32 =	vmul.f32 v17, v24  }
0x195: {  	[tilespmem:s25+$0x51E0] =	vst v3;
	v60 =	vadd.f32 v0, v38;
	v3 =	vmul.f32 v58, v33;
	v0 =	vmul.f32 v58, v58  }
0x196: {  	[tilespmem:s25+$0x2810] =	vst v35;
	v38 =	vmul.f32 v17, v62;
	v42 =	vmul.f32 v17, v58  }
0x197: {  	[tilespmem:s25+$0x2820] =	vst v35;
	v44 =	vmul.f32 v58, v31;
	v48 =	vmul.f32 v17, v37  }
0x198: {  	[tilespmem:s25+$0x2830] =	vst v35;
	v12 =	vmul.f32 v58, v14;
	v26 =	vmul.f32 $1.732050780e+00, v62  }
0x199: {  	[tilespmem:s25+$0x2840] =	vst v35;
	v5 =	vsub.f32 v5, v55;
	v55 =	vmul.f32 $5.000000000e-01, v58;
	v18 =	vmul.f32 $8.660253880e-01, v58  }
0x19a: {  	[tilespmem:s25+$0x2850] =	vst v35;
	v19 =	vsub.f32 v51, v52;
	v56 =	vmul.f32 $2.371708150e+00, v37;
	v7 =	vmul.f32 $6.123724570e-01, v37  }
0x19b: {  	[tilespmem:s25+$0x5260] =	vst v6;
	v13 =	vmul.f32 v59, v17;
	v25 =	vmul.f32 v59, v59;
	v6 =	vadd.f32 v60, v39  }
0x19c: {  	[tilespmem:s25+$0x2860] =	vst v35;
	v39 =	vsub.f32 v40, v43;
	v40 =	vmul.f32 v59, v33;
	v43 =	vmul.f32 v59, v31  }
0x19d: {  	[tilespmem:s25+$0x2B60] =	vst v8;
	v4 =	vadd.f32 v4, v49;
	v49 =	vmul.f32 v59, v62;
	v51 =	vmul.f32 v59, v14  }
0x19e: {  	[tilespmem:s25+$0x53E0] =	vst v20;
	v53 =	vmul.f32 v59, v58;
	v10 =	vmul.f32 $1.732050780e+00, v63  }
0x19f: {  	[tilespmem:s25+$0x2870] =	vst v35;
	v22 =	vmul.f32 $1.732050780e+00, v36;
	v14 =	vmul.f32 $8.660253880e-01, v14  }
0x1a0: {  	[tilespmem:s25+$0x29F0] =	vst v31;
	v60 =	vmul.f32 $1.500000000e+00, v41;
	v35 =	vmul.f32 $1.936491730e+00, v41  }
0x1a1: {  	[tilespmem:s25+$0x78E0] =	vst v9;
	v15 =	vsub.f32 v59, v54;
	v36 =	vmul.f32 $7.905694240e-01, v24;
	v54 =	vmul.f32 $5.590170030e-01, v1  }
0x1a2: {  	[tilespmem:s25+$0x79E0] =	vst v2;
	v47 =	vmul.f32 v3, v31;
	v2 =	vmul.f32 v44, v17  }
0x1a3: {  	[tilespmem:s25+$0x7860] =	vst v21;
	v52 =	vadd.f32 v5, v57;
	v57 =	vmul.f32 $7.905694240e-01, v3;
	v20 =	vmul.f32 $3.872983460e+00, v38  }
0x1a4: {  	[tilespmem:s25+$0x7BE0] =	vst v19;
	v62 =	vmul.f32 $1.500000000e+00, v42;
	v34 =	vmul.f32 $6.123724570e-01, v44  }
0x1a5: {  	[tilespmem:s25+$0x7960] =	vst v23;
	v8 =	vmul.f32 $1.936491730e+00, v42;
	v37 =	vmul.f32 $2.371708150e+00, v44  }
0x1a6: {  	[tilespmem:s25+$0x28F0] =	vst v33;
	v38 =	vmul.f32 $2.958040000e+00, v45;
	v41 =	vmul.f32 $6.274950030e+00, v48  }
0x1a7: {  	[tilespmem:s25+$0x2970] =	vst v17;
	v44 =	vmul.f32 $1.118034010e+00, v45;
	v48 =	vmul.f32 $2.371708150e+00, v48  }
0x1a8: {  	v46 =	vadd.f32 v4, v50;
	[tilespmem:s25+$0x7A60] =	vst v6;
	v6 =	vmul.f32 v3, v17;
	v50 =	vmul.f32 v13, v33  }
0x1a9: {  	[tilespmem:s25+$0xA060] =	vst v52;
	v19 =	vmul.f32 v13, v31;
	v58 =	vmul.f32 $2.449489830e+00, v40  }
0x1aa: {  	[tilespmem:s25+$0x2A70] =	vst v26;
	v21 =	vsub.f32 v39, v30;
	v3 =	vmul.f32 $6.123724570e-01, v3;
	v9 =	vmul.f32 $2.449489830e+00, v43  }
0x1ab: {  	v15 =	vsub.f32 v15, v55;
	[tilespmem:s25+$0x2AF0] =	vst v10;
	v39 =	vmul.f32 $3.000000000e+00, v51;
	v43 =	vmul.f32 $3.000000000e+00, v53  }
0x1ac: {  	v14 =	vsub.f32 v14, v18;
	[tilespmem:s25+$0x2BF0] =	vst v22;
	v11 =	vmul.f32 $6.708203790e+00, v49;
	v51 =	vmul.f32 $3.354101900e+00, v51  }
0x1ad: {  	v13 =	vsub.f32 v13, v60;
	v5 =	vmul.f32 $3.354101900e+00, v53;
	v53 =	vmul.f32 $3.750000000e-01, v0;
	[tilespmem:s25+$0x7B60] =	vst v46  }
0x1ae: {  	v59 =	vsub.f32 v56, v57;
	v40 =	vmul.f32 $2.958040000e+00, v47;
	v46 =	vmul.f32 $3.750000000e-01, v1;
	[tilespmem:s25+$0x5170] =	vst v20  }
0x1af: {  	v8 =	vsub.f32 v35, v8;
	v4 =	vmul.f32 $1.118034010e+00, v47;
	v56 =	vmul.f32 $2.371708150e+00, v32;
	[tilespmem:s25+$0x7AE0] =	vst v21  }
0x1b0: {  	v57 =	vmul.f32 $0.0e+00, v12;
	v7 =	vsub.f32 v58, v7;
	v63 =	vsub.f32 v9, v61;
	[tilespmem:s25+$0x2B70] =	vst v15  }
0x1b1: {  	v1 =	vmul.f32 $7.395099990e-01, v1;
	v13 =	vsub.f32 v13, v62;
	v9 =	vsub.f32 v36, v37;
	[tilespmem:s25+$0x5070] =	vst v14  }
0x1b2: {  	v42 =	vmul.f32 $2.091650010e+00, v6;
	v17 =	vsub.f32 v25, v39;
	v11 =	vsub.f32 v11, v44;
	[tilespmem:s25+$0x50F0] =	vst v59  }
0x1b3: {  	v47 =	vmul.f32 $3.162277700e+00, v50;
	v50 =	vmul.f32 $7.500000000e-01, v12;
	v5 =	vsub.f32 v51, v5;
	[tilespmem:s25+$0x5370] =	vst v8  }
0x1b4: {  	v58 =	vmul.f32 $2.371708150e+00, v2;
	v61 =	vmul.f32 $4.437059880e+00, v12;
	v10 =	vsub.f32 v38, v40;
	[tilespmem:s25+$0x5270] =	vst v13  }
0x1b5: {  	v2 =	vmul.f32 $6.274950030e+00, v2;
	v3 =	vsub.f32 v7, v3;
	v7 =	vsub.f32 v63, v34;
	[tilespmem:s25+$0x53F0] =	vst v9  }
0x1b6: {  	v59 =	vmul.f32 $5.590170030e-01, v0;
	v45 =	vsub.f32 v41, v42;
	v17 =	vsub.f32 v17, v43;
	[tilespmem:s25+$0x7870] =	vst v10  }
0x1b7: {  	v4 =	vsub.f32 v11, v4;
	v5 =	vsub.f32 v5, v54;
	v63 =	vmul.f32 $2.091650010e+00, v32;
	[tilespmem:s25+$0x51F0] =	vst v3  }
0x1b8: {  	v0 =	vmul.f32 $7.395099990e-01, v0;
	v1 =	vsub.f32 v1, v61;
	v49 =	vadd.f32 v17, v46;
	[tilespmem:s25+$0x52F0] =	vst v7  }
0x1b9: {  	v6 =	vmul.f32 $2.371708150e+00, v6;
	v3 =	vsub.f32 v47, v48;
	[tilespmem:s25+$0x78F0] =	vst v45;
	v2 =	vsub.f32 v63, v2  }
0x1ba: {  	v55 =	vmul.f32 $3.162277700e+00, v19;
	[tilespmem:s25+$0x7970] =	vst v4;
	v60 =	vadd.f32 v5, v57;
	v0 =	vadd.f32 v1, v0  }
0x1bb: {  	p1 =	slt.u32 s23, $0x480;
	v52 =	vadd.f32 v49, v50;
	v3 =	vsub.f32 v3, v6;
	[tilespmem:s25+$0x7BF0] =	vst v2  }
.Ltmp4:
0x1bc: {  	v6 =	vsub.f32 v55, v56;
	v4 =	vadd.f32 v60, v59;
	[tilespmem:s25+$0xA070] =	vst v0;
	(pc) =	sbr.rel @p1 .LBB2_3-.Ltmp4, $4  }
0x1bd: {  	v7 =	vadd.f32 v52, v53;
	[tilespmem:s25+$0x79F0] =	vst v3  }
0x1be: {  	v62 =	vsub.f32 v6, v58;
	[tilespmem:s25+$0x7B70] =	vst v4  }
0x1bf: {  	s31 =	sadd.s32 $0x80, s23;
	[tilespmem:s25+$0x7A70] =	vst v7  }
0x1c0: {  	s23 =	smov.u32 s31;
	[tilespmem:s25+$0x7AF0] =	vst v62  }
0x1c1: {  	s23 =	smul.u32 $0x500, s22;
	s24 =	sadd.s32 s8, s21  }
0x1c2: {  	p1 =	sgt.u32 s24, $0x270  }
0x1c3: {  	s23 =	sadd.s32 s3, s23;
	s24 =	smul.u32 @!p1 $0x280, s24  }
0x1c4: {  	[hbm4b:s23+s14] =	stream.strided.scatter [tilespmem:s14], [sflag:$0x3], $0xA000, s13, s14, $0x38;
	[tilespmem:$0x16800] =	vst v63  }
0x1c5: {  	s22 =	sor.u32 $0x20, s22;
	s23 =	sadd.s32 @!p1 s2, s24;
	s24 =	simm.s32 @!p1 $0x0  }
0x1c6: {  	[tilespmem:s24], [sflag:$0x1] =	stream.linear.gather @!p1 [hbm4b:s23+s24], $0x1400, $0x38;
	[tilespmem:$0x16800] =	vst v63  }
0x1c7: {  	p1 =	sgt.u32 s22, $0x270  }
.Ltmp5:
0x1c8: {  	_ = 	snop;
	(pc) =	sbr.rel @p1 .LBB2_8-.Ltmp5, $1  }
0x1c9: {  	_ =	sdelay $0x3  }
0x1ca: {  	_ =	swait.ge [sflag:s15], $0x1400  }
0x1cb: {  	[sflag:s15] =	ssyncset.done $0x0  }
0x1cc: {  	s23 =	simm.s32 @!p0 $0x4;
	[sflag:s15] =	ssyncadd.s32 $0xFFFFEC00  }
0x1cd: {  	_ =	swait.ge @!p0 [sflag:s23], $0xA000  }
0x1ce: {  	[sflag:s23] =	ssyncset.done @!p0 $0x0  }
0x1cf: {  	[sflag:s23] =	ssyncadd.s32 @!p0 $0xFFFF6000;
	s23 =	simm.s32 $0x0  }
.LBB2_6:
0x1d0: {  	s24 =	sshll.u32 s23, $0x2  }
0x1d1: {  	s24 =	sand.u32 $0x3FFFFFFC, s24  }
0x1d2: {  	v18 =	vld [tilespmem:s24+$0x1400]  }
0x1d3: {  	v21 =	vld [tilespmem:s24+$0x1480]  }
0x1d4: {  	v19 =	vld [tilespmem:s24+$0x1500];
	_ =	sdelay $0x3  }
0x1d5: {  	v2 =	vmul.f32 v18, v18  }
0x1d6: {  	v3 =	vmul.f32 v21, v21;
	v7 =	vmul.f32 v19, v19  }
0x1d7: {  	v6 =	vmul.f32 v21, v18;
	v0 =	vmul.f32 v19, v21  }
0x1d8: {  	v8 =	vmul.f32 v19, v18;
	v4 =	vmul.f32 v2, v18  }
0x1d9: {  	v16 =	vmul.f32 v2, v2;
	v5 =	vmul.f32 v3, v21  }
0x1da: {  	v20 =	vmul.f32 v3, v3;
	v30 =	vmul.f32 v7, v19  }
0x1db: {  	v9 =	vmul.f32 v21, v2;
	v10 =	vmul.f32 v19, v6  }
0x1dc: {  	v11 =	vmul.f32 v7, v21;
	v12 =	vmul.f32 v19, v2  }
0x1dd: {  	v13 =	vmul.f32 v19, v3;
	v14 =	vmul.f32 v7, v18  }
0x1de: {  	v15 =	vmul.f32 v3, v18;
	v25 =	vmul.f32 v7, v6  }
0x1df: {  	v27 =	vmul.f32 v7, v2;
	v28 =	vmul.f32 v7, v3  }
0x1e0: {  	v29 =	vmul.f32 v3, v2;
	v1 =	vmul.f32 $1.732050780e+00, v6  }
0x1e1: {  	v0 =	vmul.f32 $1.732050780e+00, v0;
	v41 =	vmul.f32 $5.000000000e-01, v2  }
0x1e2: {  	v51 =	vmul.f32 $5.000000000e-01, v3;
	v62 =	vmul.f32 $1.732050780e+00, v8  }
0x1e3: {  	v35 =	vmul.f32 $8.660253880e-01, v2;
	v31 =	vmul.f32 $8.660253880e-01, v3  }
0x1e4: {  	v17 =	vmul.f32 v4, v21;
	v22 =	vmul.f32 v5, v18  }
0x1e5: {  	v23 =	vmul.f32 v19, v9;
	v24 =	vmul.f32 v5, v19  }
0x1e6: {  	v26 =	vmul.f32 v30, v21;
	v33 =	vmul.f32 v30, v18  }
0x1e7: {  	v37 =	vmul.f32 v19, v4;
	v39 =	vmul.f32 v15, v19  }
0x1e8: {  	v42 =	vmul.f32 $2.371708150e+00, v9;
	v38 =	vmul.f32 $7.905694240e-01, v5  }
0x1e9: {  	v63 =	vmul.f32 $3.872983460e+00, v10;
	v34 =	vmul.f32 $2.449489830e+00, v11  }
0x1ea: {  	v32 =	vmul.f32 $6.123724570e-01, v9;
	v36 =	vmul.f32 $6.123724570e-01, v5  }
0x1eb: {  	v40 =	vmul.f32 $1.500000000e+00, v12;
	v46 =	vmul.f32 $1.500000000e+00, v13  }
0x1ec: {  	v45 =	vmul.f32 $2.449489830e+00, v14;
	v43 =	vmul.f32 $6.123724570e-01, v4  }
0x1ed: {  	v47 =	vmul.f32 $6.123724570e-01, v15;
	v49 =	vmul.f32 $1.936491730e+00, v12  }
0x1ee: {  	v48 =	vmul.f32 $1.936491730e+00, v13;
	v53 =	vmul.f32 $7.905694240e-01, v4  }
0x1ef: {  	v57 =	vmul.f32 $6.708203790e+00, v25;
	v61 =	vmul.f32 $3.750000000e-01, v16  }
0x1f0: {  	v9 =	vmul.f32 $7.500000000e-01, v29;
	v10 =	vmul.f32 $3.750000000e-01, v20  }
0x1f1: {  	v44 =	vmul.f32 $4.437059880e+00, v29;
	v50 =	vmul.f32 $7.395099990e-01, v20  }
0x1f2: {  	v55 =	vmul.f32 $2.958040000e+00, v17;
	v52 =	vmul.f32 $2.958040000e+00, v22  }
0x1f3: {  	[tilespmem:$0x1ED30] =	vst v1;
	v56 =	vmul.f32 $6.274950030e+00, v23;
	v54 =	vmul.f32 $2.091650010e+00, v24  }
0x1f4: {  	[tilespmem:$0x1ED50] =	vst v0;
	v25 =	vmul.f32 $1.118034010e+00, v17;
	v59 =	vmul.f32 $1.118034010e+00, v22  }
0x1f5: {  	[tilespmem:$0x1EDA0] =	vst v62;
	v5 =	vmul.f32 $3.162277700e+00, v26;
	v6 =	vmul.f32 $2.371708150e+00, v23  }
0x1f6: {  	v14 =	vld [tilespmem:s24+$0x1410];
	[tilespmem:$0x1EDF0] =	vst v63;
	v8 =	vmul.f32 $2.371708150e+00, v24;
	v17 =	vmul.f32 $3.000000000e+00, v27  }
0x1f7: {  	v22 =	vmul.f32 $3.000000000e+00, v28;
	[tilespmem:$0x1EAD0] =	vst v9;
	v13 =	vmul.f32 $2.371708150e+00, v39  }
0x1f8: {  	[tilespmem:$0x1EAF0] =	vst v10;
	v11 =	vmul.f32 $3.162277700e+00, v33;
	v12 =	vmul.f32 $2.371708150e+00, v37  }
0x1f9: {  	v23 =	vmul.f32 $3.354101900e+00, v27;
	v33 =	vmul.f32 $3.354101900e+00, v28;
	[tilespmem:$0x1EB40] =	vst v13;
	v13 =	vld [tilespmem:s24+$0x1490]  }
0x1fa: {  	v24 =	vmul.f32 $5.590170030e-01, v16;
	v26 =	vmul.f32 $0.0e+00, v29;
	[tilespmem:$0x1EB20] =	vst v12;
	v12 =	vld [tilespmem:s24+$0x1510]  }
0x1fb: {  	v27 =	vmul.f32 $5.590170030e-01, v20;
	[tilespmem:$0x1EAA0] =	vst v5;
	v5 =	vmul.f32 v14, v14  }
0x1fc: {  	v28 =	vmul.f32 $2.091650010e+00, v37;
	v37 =	vmul.f32 $6.274950030e+00, v39;
	[tilespmem:$0x1EB90] =	vst v44  }
0x1fd: {  	v31 =	vsub.f32 v35, v31;
	v39 =	vmul.f32 $7.395099990e-01, v16;
	[tilespmem:$0x1EBA0] =	vst v50;
	v29 =	vmul.f32 v5, v14  }
0x1fe: {  	[tilespmem:$0x1EB50] =	vst v27;
	v27 =	vmul.f32 $5.000000000e-01, v5;
	v9 =	vmul.f32 $8.660253880e-01, v5  }
0x1ff: {  	[tilespmem:$0x1EDC0] =	vst v31;
	v58 =	vmul.f32 v13, v14;
	v16 =	vmul.f32 v12, v12  }
0x200: {  	[tilespmem:$0x1EAB0] =	vst v6;
	v60 =	vmul.f32 v12, v13;
	v62 =	vmul.f32 v12, v14  }
0x201: {  	[tilespmem:$0x1EAE0] =	vst v23;
	v20 =	vmul.f32 v13, v13;
	v23 =	vmul.f32 v13, v5  }
0x202: {  	[tilespmem:$0x1EAC0] =	vst v8;
	v44 =	vmul.f32 v12, v5;
	v3 =	vmul.f32 v12, v29  }
0x203: {  	[tilespmem:$0x1EB30] =	vst v26;
	v26 =	vmul.f32 v12, v58;
	v50 =	vmul.f32 v16, v58  }
0x204: {  	[tilespmem:$0x1EB10] =	vst v11;
	v63 =	vmul.f32 $1.732050780e+00, v58;
	v4 =	vmul.f32 $1.732050780e+00, v60  }
0x205: {  	[tilespmem:$0x1EB00] =	vst v24;
	v8 =	vmul.f32 $1.732050780e+00, v62;
	v11 =	vmul.f32 v16, v5  }
0x206: {  	v30 =	vsub.f32 v30, v40;
	[tilespmem:$0x1EB60] =	vst v28;
	v10 =	vmul.f32 v20, v5;
	v2 =	vmul.f32 v20, v13  }
0x207: {  	v40 =	vsub.f32 v45, v43;
	[tilespmem:$0x1EBB0] =	vst v9;
	v9 =	vmul.f32 v20, v20;
	v24 =	vmul.f32 v16, v13  }
0x208: {  	[tilespmem:$0x1EB70] =	vst v37;
	v43 =	vsub.f32 v30, v46;
	v58 =	vmul.f32 v12, v20;
	v60 =	vmul.f32 v20, v14  }
0x209: {  	[tilespmem:$0x1EB80] =	vst v39;
	v6 =	vmul.f32 v16, v20;
	v37 =	vmul.f32 $5.000000000e-01, v20  }
0x20a: {  	[tilespmem:$0x1EE10] =	vst v43;
	v39 =	vmul.f32 $8.660253880e-01, v20;
	v62 =	vmul.f32 $2.371708150e+00, v23  }
0x20b: {  	v28 =	vmul.f32 $6.123724570e-01, v23;
	[tilespmem:$0x1EFF0] =	vst v8;
	v8 =	vmul.f32 v5, v5  }
0x20c: {  	v30 =	vsub.f32 v40, v47;
	[tilespmem:$0x1EF90] =	vst v63;
	v26 =	vmul.f32 $3.872983460e+00, v26;
	v63 =	vmul.f32 $2.449489830e+00, v24  }
0x20d: {  	[tilespmem:$0x1EFB0] =	vst v4;
	v5 =	vmul.f32 v12, v23;
	v4 =	vmul.f32 v16, v14  }
0x20e: {  	[tilespmem:$0x1EE30] =	vst v30;
	v0 =	vmul.f32 v2, v14;
	v1 =	vmul.f32 v2, v12  }
0x20f: {  	[tilespmem:$0x1EBC0] =	vst v62;
	v24 =	vmul.f32 $7.905694240e-01, v2;
	v20 =	vmul.f32 $1.500000000e+00, v58  }
0x210: {  	v23 =	vmul.f32 $1.936491730e+00, v58;
	v58 =	vmul.f32 $6.123724570e-01, v29;
	[tilespmem:$0x1F050] =	vst v26  }
0x211: {  	v50 =	vmul.f32 $6.708203790e+00, v50;
	v62 =	vmul.f32 $2.449489830e+00, v4;
	[tilespmem:$0x1EBE0] =	vst v20  }
0x212: {  	v26 =	vmul.f32 $6.123724570e-01, v2;
	v4 =	vmul.f32 $1.936491730e+00, v44;
	[tilespmem:$0x1EC00] =	vst v23  }
0x213: {  	v2 =	vmul.f32 v29, v13;
	[tilespmem:$0x1EBD0] =	vst v62;
	v62 =	vmul.f32 $1.500000000e+00, v44  }
0x214: {  	v34 =	vsub.f32 v34, v32;
	[tilespmem:$0x1EBF0] =	vst v4;
	v44 =	vmul.f32 $7.905694240e-01, v29;
	v4 =	vmul.f32 v60, v12  }
0x215: {  	[tilespmem:$0x1EC50] =	vst v50;
	v29 =	vmul.f32 $6.123724570e-01, v60;
	v60 =	vmul.f32 $2.371708150e+00, v60  }
0x216: {  	v36 =	vsub.f32 v34, v36;
	v34 =	vmul.f32 $5.590170030e-01, v9;
	[tilespmem:$0x1EC10] =	vst v44  }
0x217: {  	v44 =	vmul.f32 v16, v12;
	[tilespmem:$0x1EC20] =	vst v60;
	v60 =	vmul.f32 $2.958040000e+00, v2  }
0x218: {  	[tilespmem:$0x1ED40] =	vst v34;
	v2 =	vmul.f32 $1.118034010e+00, v2  }
0x219: {  	v50 =	vmul.f32 v44, v13;
	[tilespmem:$0x1EC30] =	vst v60;
	v60 =	vmul.f32 $2.958040000e+00, v0  }
0x21a: {  	[tilespmem:$0x1EC60] =	vst v2;
	v0 =	vmul.f32 $1.118034010e+00, v0  }
0x21b: {  	v23 =	vmul.f32 v44, v14;
	[tilespmem:$0x1EC40] =	vst v60;
	v20 =	vmul.f32 $3.162277700e+00, v50  }
0x21c: {  	[tilespmem:$0x1EC70] =	vst v0;
	v50 =	vmul.f32 $2.091650010e+00, v1;
	v1 =	vmul.f32 $2.371708150e+00, v1  }
0x21d: {  	v0 =	vmul.f32 $3.162277700e+00, v23;
	[tilespmem:$0x1EC90] =	vst v20  }
0x21e: {  	v23 =	vmul.f32 $3.354101900e+00, v11;
	[tilespmem:$0x1ECB0] =	vst v1  }
0x21f: {  	v20 =	vmul.f32 $2.371708150e+00, v5;
	[tilespmem:$0x1ECF0] =	vst v0  }
0x220: {  	v0 =	vsub.f32 v7, v41;
	[tilespmem:$0x1ECC0] =	vst v23;
	v41 =	vmul.f32 $3.000000000e+00, v6  }
0x221: {  	v60 =	vmul.f32 $6.274950030e+00, v5;
	v6 =	vmul.f32 $3.354101900e+00, v6;
	[tilespmem:$0x1ECA0] =	vst v20  }
0x222: {  	v5 =	vmul.f32 v7, v7;
	v7 =	vmul.f32 $2.371708150e+00, v3;
	[tilespmem:$0x1EC80] =	vst v41  }
0x223: {  	v1 =	vmul.f32 $3.000000000e+00, v11;
	v11 =	vmul.f32 $2.091650010e+00, v3;
	[tilespmem:$0x1ECD0] =	vst v6  }
0x224: {  	[tilespmem:$0x1ED00] =	vst v7;
	v0 =	vsub.f32 v0, v51  }
0x225: {  	[tilespmem:$0x1ED60] =	vst v11;
	v20 =	vmul.f32 $2.371708150e+00, v4  }
0x226: {  	v35 =	vmul.f32 $6.274950030e+00, v4;
	v4 =	vmul.f32 $5.590170030e-01, v8;
	[tilespmem:$0x1ED70] =	vst v0  }
0x227: {  	v6 =	vmul.f32 $7.395099990e-01, v8;
	[tilespmem:$0x1ED20] =	vst v20  }
0x228: {  	v7 =	vsub.f32 v42, v38;
	[tilespmem:$0x1ECE0] =	vst v4  }
0x229: {  	v51 =	vmul.f32 $3.750000000e-01, v8;
	v8 =	vmul.f32 $0.0e+00, v10;
	[tilespmem:$0x1ED80] =	vst v6  }
0x22a: {  	v11 =	vmul.f32 $4.437059880e+00, v10;
	[tilespmem:$0x1EDE0] =	vst v7  }
0x22b: {  	v43 =	vsub.f32 v57, v25;
	v38 =	vmul.f32 $7.395099990e-01, v9;
	[tilespmem:$0x1ED10] =	vst v8  }
0x22c: {  	v31 =	vld [tilespmem:s24+$0x1520];
	v34 =	vsub.f32 v49, v48;
	[tilespmem:$0x1ED90] =	vst v11  }
0x22d: {  	v49 =	vsub.f32 v43, v59;
	v23 =	vld [tilespmem:s24+$0x1420];
	[tilespmem:$0x1EDD0] =	vst v38  }
0x22e: {  	s25 =	sshll.u32 s23, $0x3;
	v20 =	vld [tilespmem:s24+$0x14A0];
	[tilespmem:$0x1EE40] =	vst v34  }
0x22f: {  	s25 =	sand.u32 $0x3FFFFFF8, s25;
	[tilespmem:$0x1EEA0] =	vst v49  }
0x230: {  	[tilespmem:s25+$0xC880] =	vst v21  }
0x231: {  	[tilespmem:s25+$0xC900] =	vst v19  }
0x232: {  	[tilespmem:s25+$0xC980] =	vst v18  }
0x233: {  	v15 =	vmul.f32 $2.371708150e+00, v15;
	[tilespmem:s25+$0xF180] =	vst v36  }
0x234: {  	v32 =	vmul.f32 $3.750000000e-01, v9;
	v0 =	vmul.f32 v31, v31;
	[tilespmem:s25+$0xC890] =	vst v13  }
0x235: {  	[tilespmem:s25+$0xC910] =	vst v12;
	v46 =	vmul.f32 v31, v23;
	v40 =	vmul.f32 v23, v23  }
0x236: {  	v41 =	vmul.f32 $7.500000000e-01, v10;
	[tilespmem:s25+$0xC990] =	vst v14;
	v43 =	vmul.f32 v0, v23  }
0x237: {  	v11 =	vsub.f32 v53, v15;
	[tilespmem:s25+$0xC920] =	vst v31;
	v30 =	vmul.f32 $1.732050780e+00, v46;
	v7 =	vmul.f32 v40, v23  }
0x238: {  	v34 =	vsub.f32 v55, v52;
	[tilespmem:s25+$0xC9A0] =	vst v23;
	v10 =	vmul.f32 v40, v40;
	v48 =	vmul.f32 $5.000000000e-01, v40  }
0x239: {  	v5 =	vsub.f32 v5, v17;
	v55 =	vld [tilespmem:$0x1EAB0];
	[tilespmem:$0x1EE50] =	vst v11;
	v52 =	vmul.f32 $8.660253880e-01, v40;
	v42 =	vmul.f32 v20, v23  }
0x23a: {  	v59 =	vld [tilespmem:$0x1EAD0];
	[tilespmem:$0x1EE70] =	vst v34;
	v43 =	vmul.f32 $2.449489830e+00, v43;
	v45 =	vmul.f32 v31, v20  }
0x23b: {  	v5 =	vsub.f32 v5, v22;
	v17 =	vld [tilespmem:$0x1EAE0];
	[tilespmem:$0x1F220] =	vst v30;
	v9 =	vmul.f32 v20, v40;
	v4 =	vmul.f32 v31, v42  }
0x23c: {  	[tilespmem:$0x1EDB0] =	vst v48;
	v8 =	vmul.f32 v0, v42;
	v38 =	vmul.f32 $1.732050780e+00, v42;
	v42 =	vsub.f32 v56, v54;
	v54 =	vld [tilespmem:$0x1EAA0]  }
0x23d: {  	v49 =	vld [tilespmem:$0x1EB30];
	v5 =	vadd.f32 v5, v61;
	[tilespmem:$0x1EE00] =	vst v52;
	v53 =	vmul.f32 v0, v20;
	v15 =	vmul.f32 $1.732050780e+00, v45  }
0x23e: {  	v45 =	vmul.f32 v0, v40;
	v56 =	vld [tilespmem:$0x1EAC0];
	[tilespmem:$0x1F1F0] =	vst v38;
	v38 =	vmul.f32 v20, v20  }
0x23f: {  	v61 =	vadd.f32 v5, v59;
	[tilespmem:$0x1EE60] =	vst v43;
	v43 =	vld [tilespmem:$0x1EB90];
	v59 =	vmul.f32 $2.449489830e+00, v53;
	v57 =	vmul.f32 $3.872983460e+00, v4  }
0x240: {  	[tilespmem:$0x1F200] =	vst v15;
	v15 =	vmul.f32 v31, v40;
	v47 =	vmul.f32 v38, v40;
	v40 =	vld [tilespmem:$0x1EAF0]  }
0x241: {  	v5 =	vmul.f32 v31, v9;
	v34 =	vmul.f32 v31, v38;
	[tilespmem:$0x1F250] =	vst v57;
	v57 =	vld [tilespmem:$0x1EB20];
	v6 =	vsub.f32 v54, v55  }
0x242: {  	[tilespmem:s25+$0xC8A0] =	vst v20;
	v25 =	vsub.f32 v17, v33;
	v33 =	vmul.f32 $2.371708150e+00, v9;
	v11 =	vmul.f32 v38, v20;
	v55 =	vld [tilespmem:$0x1EB00]  }
0x243: {  	v9 =	vmul.f32 $6.123724570e-01, v9;
	[tilespmem:$0x1EE90] =	vst v42;
	v54 =	vmul.f32 $1.500000000e+00, v34;
	v2 =	vsub.f32 v6, v56;
	v56 =	vld [tilespmem:$0x1EB10]  }
0x244: {  	v53 =	vld [tilespmem:$0x1EB40];
	[tilespmem:$0x1EE20] =	vst v33;
	v52 =	vmul.f32 $1.936491730e+00, v15;
	v17 =	vmul.f32 v11, v23  }
0x245: {  	v33 =	vld [tilespmem:$0x1EB80];
	v9 =	vsub.f32 v59, v9;
	v48 =	vmul.f32 v11, v31;
	[tilespmem:$0x1EE80] =	vst v54;
	v54 =	vmul.f32 $6.708203790e+00, v8  }
0x246: {  	[tilespmem:$0x1EED0] =	vst v2;
	v2 =	vadd.f32 v61, v40;
	v40 =	vmul.f32 $1.500000000e+00, v15;
	v15 =	vmul.f32 v31, v7  }
0x247: {  	[tilespmem:$0x1EEB0] =	vst v52;
	v4 =	vsub.f32 v25, v55;
	v55 =	vmul.f32 $7.905694240e-01, v11;
	v25 =	vmul.f32 $6.123724570e-01, v11  }
0x248: {  	v11 =	vmul.f32 v7, v20;
	[tilespmem:$0x1EF20] =	vst v54;
	v61 =	vsub.f32 v56, v57;
	v56 =	vmul.f32 $1.936491730e+00, v34;
	v57 =	vld [tilespmem:$0x1EB50]  }
0x249: {  	v6 =	vld [tilespmem:$0x1EB70];
	[tilespmem:$0x1EEF0] =	vst v2;
	v4 =	vadd.f32 v4, v49;
	v34 =	vmul.f32 $6.123724570e-01, v7;
	v7 =	vmul.f32 $7.905694240e-01, v7  }
0x24a: {  	v49 =	vsub.f32 v33, v43;
	v33 =	vmul.f32 $1.118034010e+00, v11;
	v2 =	vsub.f32 v61, v53;
	[tilespmem:$0x1EEC0] =	vst v56;
	v61 =	vld [tilespmem:$0x1EB60]  }
0x24b: {  	[tilespmem:$0x1EEE0] =	vst v7  }
0x24c: {  	v52 =	vmul.f32 v16, v16;
	v16 =	vsub.f32 v16, v27;
	v9 =	vsub.f32 v9, v25;
	[tilespmem:$0x1EF30] =	vst v33  }
0x24d: {  	v53 =	vld [tilespmem:$0x1EBA0];
	[tilespmem:$0x1EF00] =	vst v2;
	v2 =	vadd.f32 v4, v57  }
0x24e: {  	[tilespmem:$0x1F270] =	vst v9;
	v57 =	vsub.f32 v16, v37;
	v37 =	vsub.f32 v63, v28  }
0x24f: {  	v42 =	vmul.f32 v38, v23;
	[tilespmem:$0x1EF10] =	vst v2;
	v2 =	vsub.f32 v61, v6  }
0x250: {  	v4 =	vmul.f32 v0, v31;
	[tilespmem:$0x1EFC0] =	vst v57;
	v57 =	vsub.f32 v37, v26  }
0x251: {  	v27 =	vmul.f32 v42, v31;
	v37 =	vmul.f32 $3.354101900e+00, v45;
	[tilespmem:$0x1EF40] =	vst v2  }
0x252: {  	v56 =	vmul.f32 $6.123724570e-01, v42;
	v61 =	vmul.f32 v4, v20;
	v2 =	vadd.f32 v49, v53;
	[tilespmem:$0x1F070] =	vst v57  }
0x253: {  	v49 =	vmul.f32 $2.371708150e+00, v42;
	v42 =	vmul.f32 $1.118034010e+00, v17;
	[tilespmem:$0x1EFD0] =	vst v37  }
0x254: {  	v54 =	vmul.f32 v4, v23;
	v43 =	vmul.f32 $3.162277700e+00, v61;
	[tilespmem:$0x1EF50] =	vst v2  }
0x255: {  	v3 =	vmul.f32 $6.274950030e+00, v5;
	v28 =	vld [tilespmem:$0x1EBD0];
	v61 =	vmul.f32 $2.371708150e+00, v5;
	[tilespmem:$0x1EF60] =	vst v42  }
0x256: {  	v8 =	vmul.f32 $2.958040000e+00, v11;
	v11 =	vld [tilespmem:$0x1EC30];
	v26 =	vmul.f32 $3.162277700e+00, v54;
	[tilespmem:$0x1EF70] =	vst v43  }
0x257: {  	v7 =	vld [tilespmem:$0x1EBB0];
	v6 =	vmul.f32 $2.091650010e+00, v48;
	v57 =	vmul.f32 $2.371708150e+00, v27;
	[tilespmem:$0x1EF80] =	vst v61  }
0x258: {  	v16 =	vld [tilespmem:s24+$0x14B0];
	v5 =	vmul.f32 $5.590170030e-01, v10;
	[tilespmem:$0x1F030] =	vst v26  }
0x259: {  	v12 =	vld [tilespmem:$0x1EFC0];
	v25 =	vsub.f32 v3, v6;
	[tilespmem:$0x1F080] =	vst v57  }
0x25a: {  	v53 =	vld [tilespmem:$0x1EBC0];
	v33 =	vsub.f32 v28, v58;
	v58 =	vmul.f32 $6.274950030e+00, v27;
	[tilespmem:$0x1F010] =	vst v5  }
0x25b: {  	v54 =	vld [tilespmem:$0x1EC00];
	v27 =	vsub.f32 v60, v50;
	[tilespmem:$0x1F2F0] =	vst v25  }
0x25c: {  	v46 =	vmul.f32 v0, v38;
	v37 =	vld [tilespmem:$0x1EC50];
	v28 =	vmul.f32 $0.0e+00, v47;
	[tilespmem:$0x1F0C0] =	vst v58  }
0x25d: {  	v2 =	vsub.f32 v7, v39;
	v39 =	vmul.f32 $2.958040000e+00, v17;
	v42 =	vld [tilespmem:$0x1EBE0];
	[tilespmem:$0x1F130] =	vst v27  }
0x25e: {  	v60 =	vld [tilespmem:$0x1EC90];
	v7 =	vmul.f32 $3.000000000e+00, v45;
	v43 =	vmul.f32 $3.354101900e+00, v46;
	[tilespmem:$0x1F060] =	vst v28  }
0x25f: {  	v63 =	vsub.f32 v44, v62;
	v26 =	vmul.f32 $3.000000000e+00, v46;
	v45 =	vmul.f32 $2.371708150e+00, v15;
	v17 =	vld [tilespmem:s24+$0x1530];
	[tilespmem:$0x1F000] =	vst v2  }
0x260: {  	v46 =	vmul.f32 $2.091650010e+00, v15;
	[tilespmem:$0x1EFE0] =	vst v43;
	v2 =	vsub.f32 v53, v24;
	v24 =	vmul.f32 $2.371708150e+00, v48;
	v48 =	vld [tilespmem:$0x1EBF0]  }
0x261: {  	v61 =	vld [tilespmem:$0x1EC10];
	[tilespmem:$0x1F040] =	vst v45  }
0x262: {  	v44 =	vsub.f32 v33, v29;
	[tilespmem:$0x1F0B0] =	vst v46;
	v62 =	vsub.f32 v63, v42;
	v63 =	vld [tilespmem:$0x1EC20]  }
0x263: {  	[tilespmem:s25+$0xCB10] =	vst v12;
	v53 =	vld [tilespmem:s24+$0x1430]  }
0x264: {  	v22 =	vmul.f32 v38, v38;
	v15 =	vld [tilespmem:$0x1EC40];
	v33 =	vmul.f32 $4.437059880e+00, v47;
	[tilespmem:$0x1F0A0] =	vst v44  }
0x265: {  	v29 =	vmul.f32 $3.750000000e-01, v10;
	[tilespmem:$0x1F020] =	vst v2;
	v42 =	vld [tilespmem:$0x1EC60];
	v2 =	vsub.f32 v48, v54  }
0x266: {  	v57 =	vld [tilespmem:$0x1EC80];
	v58 =	vmul.f32 $3.750000000e-01, v22;
	v46 =	vmul.f32 $7.500000000e-01, v47;
	v45 =	vsub.f32 v52, v1;
	[tilespmem:$0x1F0F0] =	vst v33  }
0x267: {  	v52 =	vmul.f32 $7.395099990e-01, v22;
	v44 =	vmul.f32 $5.590170030e-01, v22;
	[tilespmem:$0x1F0D0] =	vst v2;
	v2 =	vsub.f32 v61, v63;
	v63 =	vld [tilespmem:$0x1ECA0]  }
0x268: {  	v59 =	vld [tilespmem:$0x1EE60];
	[tilespmem:$0x1EFA0] =	vst v24;
	v24 =	vmul.f32 $7.395099990e-01, v10;
	v47 =	vmul.f32 v16, v53  }
0x269: {  	v50 =	vld [tilespmem:$0x1EC70];
	[tilespmem:$0x1F120] =	vst v52;
	v54 =	vmul.f32 v17, v16;
	v28 =	vmul.f32 v17, v53  }
0x26a: {  	[tilespmem:$0x1F090] =	vst v44;
	v10 =	vld [tilespmem:$0x1ED40];
	v43 =	vsub.f32 v37, v42;
	v61 =	vmul.f32 v17, v17;
	v22 =	vmul.f32 v17, v47  }
0x26b: {  	v33 =	vmul.f32 $1.732050780e+00, v54;
	v54 =	vld [tilespmem:$0x1ECB0];
	[tilespmem:$0x1F100] =	vst v2;
	v2 =	vsub.f32 v11, v15;
	v11 =	vsub.f32 v45, v57  }
0x26c: {  	[tilespmem:$0x1F0E0] =	vst v24;
	v27 =	vmul.f32 $1.732050780e+00, v47;
	v15 =	vmul.f32 v16, v16;
	v5 =	vsub.f32 v60, v63;
	v60 =	vld [tilespmem:$0x1ECC0]  }
0x26d: {  	[tilespmem:s25+$0xF210] =	vst v62;
	v37 =	vmul.f32 v53, v53;
	v48 =	vmul.f32 v61, v47;
	v11 =	vadd.f32 v11, v51;
	v63 =	vld [tilespmem:$0x1ECD0]  }
0x26e: {  	[tilespmem:$0x1F3D0] =	vst v27;
	v57 =	vmul.f32 $1.732050780e+00, v28;
	v27 =	vld [tilespmem:$0x1ECE0];
	v19 =	vmul.f32 $8.660253880e-01, v15  }
0x26f: {  	[tilespmem:$0x1F3E0] =	vst v33;
	v44 =	vmul.f32 v16, v37;
	v47 =	vmul.f32 v17, v37;
	v33 =	vld [tilespmem:$0x1ED00];
	v11 =	vadd.f32 v11, v41  }
0x270: {  	v1 =	vsub.f32 v43, v50;
	v28 =	vmul.f32 $8.660253880e-01, v37;
	v43 =	vmul.f32 v15, v37;
	[tilespmem:$0x1F160] =	vst v19;
	v19 =	vld [tilespmem:$0x1EDC0]  }
0x271: {  	[tilespmem:$0x1F400] =	vst v57;
	v51 =	vmul.f32 $5.000000000e-01, v37;
	v57 =	vmul.f32 v15, v15;
	v11 =	vadd.f32 v11, v32;
	v32 =	vld [tilespmem:$0x1ECF0]  }
0x272: {  	v42 =	vld [tilespmem:$0x1ED10];
	[tilespmem:$0x1F140] =	vst v1;
	v52 =	vmul.f32 v17, v15;
	v1 =	vsub.f32 v5, v54;
	v5 =	vsub.f32 v60, v63  }
0x273: {  	[tilespmem:$0x1F150] =	vst v28;
	v18 =	vmul.f32 v61, v15;
	v28 =	vmul.f32 $5.000000000e-01, v15;
	v63 =	vld [tilespmem:$0x1ED20]  }
0x274: {  	v36 =	vmul.f32 $1.936491730e+00, v47;
	v41 =	vmul.f32 v37, v53;
	[tilespmem:$0x1F180] =	vst v11;
	v24 =	vsub.f32 v5, v27;
	v5 =	vld [tilespmem:$0x1ED30]  }
0x275: {  	v54 =	vmul.f32 v37, v37;
	v11 =	vmul.f32 v61, v37;
	[tilespmem:s25+$0xF000] =	vst v19;
	v19 =	vsub.f32 v59, v34;
	v27 =	vld [tilespmem:$0x1ED60]  }
0x276: {  	[tilespmem:$0x1F110] =	vst v2;
	v60 =	vmul.f32 v15, v53;
	v37 =	vsub.f32 v32, v33;
	v32 =	vmul.f32 v15, v16;
	v15 =	vld [tilespmem:$0x1EDB0]  }
0x277: {  	[tilespmem:$0x1F1D0] =	vst v36;
	v33 =	vmul.f32 $3.872983460e+00, v22;
	v36 =	vsub.f32 v19, v56;
	v56 =	vld [tilespmem:$0x1EED0]  }
0x278: {  	[tilespmem:$0x1F170] =	vst v1;
	v45 =	vadd.f32 v24, v42;
	v24 =	vld [tilespmem:$0x1ED50]  }
0x279: {  	v42 =	vld [tilespmem:$0x1ED90];
	v1 =	vsub.f32 v37, v63;
	[tilespmem:$0x1F430] =	vst v33  }
0x27a: {  	v37 =	vld [tilespmem:$0x1ED80];
	[tilespmem:$0x1F2A0] =	vst v36  }
0x27b: {  	v63 =	vld [tilespmem:$0x1EDA0];
	[tilespmem:$0x1F190] =	vst v1  }
0x27c: {  	[tilespmem:s25+$0xCA00] =	vst v5;
	v1 =	vadd.f32 v45, v10  }
0x27d: {  	[tilespmem:s25+$0x11980] =	vst v56  }
0x27e: {  	v21 =	vld [tilespmem:$0x1EDD0];
	v30 =	vmul.f32 $5.000000000e-01, v38;
	v5 =	vmul.f32 v0, v0;
	v0 =	vsub.f32 v0, v15;
	[tilespmem:$0x1F1A0] =	vst v1  }
0x27f: {  	v4 =	vsub.f32 v4, v40;
	v15 =	vmul.f32 v41, v16;
	[tilespmem:s25+$0xCA80] =	vst v24;
	v1 =	vsub.f32 v27, v35;
	v35 =	vld [tilespmem:$0x1ED70]  }
0x280: {  	v40 =	vld [tilespmem:$0x1EEB0];
	v45 =	vsub.f32 v37, v42;
	[tilespmem:s25+$0xCB80] =	vst v63;
	v0 =	vsub.f32 v0, v30  }
0x281: {  	v24 =	vld [tilespmem:$0x1EDE0];
	v36 =	vmul.f32 $2.958040000e+00, v15;
	v59 =	vmul.f32 $1.118034010e+00, v15;
	v15 =	vsub.f32 v8, v39;
	[tilespmem:$0x1F1B0] =	vst v1  }
0x282: {  	v27 =	vld [tilespmem:$0x1EDF0];
	[tilespmem:$0x1F210] =	vst v0  }
0x283: {  	v22 =	vmul.f32 v61, v53;
	v30 =	vld [tilespmem:$0x1EE00];
	v1 =	vadd.f32 v45, v21;
	[tilespmem:$0x1F2E0] =	vst v15  }
0x284: {  	v13 =	vld [tilespmem:$0x1EF70];
	v33 =	vmul.f32 $7.905694240e-01, v32;
	v63 =	vmul.f32 $2.371708150e+00, v44;
	[tilespmem:s25+$0xCB00] =	vst v35  }
0x285: {  	v38 =	vmul.f32 $8.660253880e-01, v38;
	v2 =	vmul.f32 v17, v44;
	v42 =	vld [tilespmem:$0x1EE20];
	[tilespmem:$0x1F1C0] =	vst v1  }
0x286: {  	v45 =	vmul.f32 $2.449489830e+00, v22;
	v21 =	vmul.f32 $1.500000000e+00, v47;
	v47 =	vld [tilespmem:$0x1EE30];
	v33 =	vsub.f32 v63, v33;
	[tilespmem:s25+$0xF080] =	vst v24  }
0x287: {  	v22 =	vld [tilespmem:$0x1EE70];
	v35 =	vmul.f32 $6.123724570e-01, v44;
	[tilespmem:s25+$0xF100] =	vst v27;
	v44 =	vmul.f32 $1.936491730e+00, v52  }
0x288: {  	v63 =	vld [tilespmem:$0x1F1A0];
	[tilespmem:$0x1F420] =	vst v33;
	v10 =	vsub.f32 v30, v38  }
0x289: {  	v20 =	vld [tilespmem:$0x1F2E0];
	[tilespmem:$0x1F1E0] =	vst v44  }
0x28a: {  	v14 =	vld [tilespmem:$0x1EFE0];
	[tilespmem:$0x1F230] =	vst v10  }
0x28b: {  	v27 =	vld [tilespmem:$0x1EE90];
	[tilespmem:s25+$0xF280] =	vst v47  }
0x28c: {  	v37 =	vmul.f32 $6.123724570e-01, v32;
	v0 =	vmul.f32 v32, v17;
	v24 =	vld [tilespmem:$0x1EE80];
	[tilespmem:s25+$0x11800] =	vst v22  }
0x28d: {  	v1 =	vmul.f32 v32, v53;
	v38 =	vld [tilespmem:$0x1EE10];
	v30 =	vmul.f32 v17, v41;
	v10 =	vsub.f32 v42, v55;
	[tilespmem:s25+$0x11B10] =	vst v63  }
0x28e: {  	v32 =	vmul.f32 $7.905694240e-01, v41;
	v44 =	vmul.f32 $6.123724570e-01, v41;
	v41 =	vld [tilespmem:$0x1EEC0];
	[tilespmem:s25+$0x11820] =	vst v20  }
0x28f: {  	v42 =	vmul.f32 $1.500000000e+00, v52;
	v52 =	vld [tilespmem:$0x1EE40];
	v25 =	vmul.f32 $2.091650010e+00, v30;
	[tilespmem:$0x1F240] =	vst v10  }
0x290: {  	v55 =	vld [tilespmem:$0x1EE50];
	[tilespmem:s25+$0x11880] =	vst v27  }
0x291: {  	v39 =	vld [tilespmem:$0x1EF20];
	v4 =	vsub.f32 v4, v24;
	[tilespmem:$0x1F380] =	vst v25  }
0x292: {  	v24 =	vld [tilespmem:$0x1EF00];
	[tilespmem:s25+$0xF200] =	vst v38  }
0x293: {  	v25 =	vld [tilespmem:$0x1EFF0];
	[tilespmem:$0x1F280] =	vst v4  }
0x294: {  	v10 =	vmul.f32 v61, v17;
	v38 =	vld [tilespmem:$0x1EEA0];
	v4 =	vsub.f32 v40, v41;
	[tilespmem:s25+$0xF300] =	vst v52  }
0x295: {  	v8 =	vld [tilespmem:$0x1EF60];
	[tilespmem:s25+$0xF380] =	vst v55  }
0x296: {  	v34 =	vmul.f32 v60, v17;
	v15 =	vld [tilespmem:$0x1EF80];
	v27 =	vmul.f32 v10, v53;
	[tilespmem:$0x1F2B0] =	vst v4  }
0x297: {  	v47 =	vmul.f32 $2.371708150e+00, v60;
	v41 =	vld [tilespmem:$0x1EF40];
	v52 =	vmul.f32 v10, v16;
	[tilespmem:s25+$0x11A80] =	vst v24  }
0x298: {  	v55 =	vmul.f32 $6.123724570e-01, v60;
	v60 =	vld [tilespmem:$0x1EEE0];
	v6 =	vmul.f32 $3.162277700e+00, v27;
	[tilespmem:s25+$0xCB90] =	vst v25  }
0x299: {  	v63 =	vld [tilespmem:$0x1F1D0];
	v22 =	vmul.f32 $3.162277700e+00, v52;
	[tilespmem:s25+$0x11900] =	vst v38  }
0x29a: {  	v40 =	vld [tilespmem:$0x1EF30];
	v52 =	vsub.f32 v5, v7;
	[tilespmem:$0x1F300] =	vst v6  }
0x29b: {  	v7 =	vld [tilespmem:$0x1EF50];
	[tilespmem:$0x1F260] =	vst v22;
	v22 =	vmul.f32 $2.091650010e+00, v0;
	v0 =	vmul.f32 $2.371708150e+00, v0  }
0x29c: {  	v5 =	vld [tilespmem:$0x1EFB0];
	[tilespmem:s25+$0x11B80] =	vst v41;
	v4 =	vsub.f32 v52, v26;
	v26 =	vmul.f32 $2.371708150e+00, v34  }
0x29d: {  	v25 =	vld [tilespmem:$0x1F050];
	v9 =	vsub.f32 v60, v49;
	[tilespmem:$0x1F290] =	vst v0  }
0x29e: {  	v56 =	vmul.f32 $6.274950030e+00, v2;
	v38 =	vld [tilespmem:$0x1EF10];
	[tilespmem:$0x1F350] =	vst v26  }
0x29f: {  	v41 =	vld [tilespmem:$0x1EFA0];
	v60 =	vmul.f32 $2.371708150e+00, v2;
	v2 =	vsub.f32 v39, v40;
	v39 =	vmul.f32 $6.274950030e+00, v34;
	[tilespmem:$0x1F2D0] =	vst v9  }
0x2a0: {  	v27 =	vmul.f32 $3.000000000e+00, v18;
	v52 =	vmul.f32 $3.354101900e+00, v18;
	v18 =	vsub.f32 v13, v15;
	v13 =	vld [tilespmem:$0x1EFD0];
	[tilespmem:s25+$0x14000] =	vst v7  }
0x2a1: {  	v40 =	vld [tilespmem:$0x1EF90];
	[tilespmem:$0x1F390] =	vst v39  }
0x2a2: {  	v9 =	vld [tilespmem:$0x1EEF0];
	[tilespmem:s25+$0xCA90] =	vst v5  }
0x2a3: {  	v0 =	vsub.f32 v2, v8;
	v8 =	vld [tilespmem:s24+$0x14C0];
	[tilespmem:s25+$0xF110] =	vst v25  }
0x2a4: {  	v7 =	vld [tilespmem:s24+$0x1540];
	v39 =	vmul.f32 $5.590170030e-01, v57;
	[tilespmem:s25+$0x11B00] =	vst v38  }
0x2a5: {  	v25 =	vld [tilespmem:$0x1F0D0];
	[tilespmem:$0x1F320] =	vst v0  }
0x2a6: {  	v38 =	vmul.f32 $3.000000000e+00, v11;
	[tilespmem:$0x1F370] =	vst v39;
	v39 =	vld [tilespmem:$0x1F070]  }
0x2a7: {  	v15 =	vsub.f32 v13, v14;
	v14 =	vld [tilespmem:$0x1F0A0];
	[tilespmem:s25+$0x11A00] =	vst v9;
	v9 =	vmul.f32 $3.354101900e+00, v11;
	v11 =	vmul.f32 $2.371708150e+00, v30  }
0x2a8: {  	v26 =	vmul.f32 $7.500000000e-01, v43;
	v13 =	vld [tilespmem:$0x1F150];
	[tilespmem:s25+$0xCA10] =	vst v40  }
0x2a9: {  	v0 =	vsub.f32 v18, v41;
	v18 =	vmul.f32 $4.437059880e+00, v43;
	v30 =	vadd.f32 v4, v29;
	[tilespmem:$0x1F310] =	vst v11;
	v11 =	vld [tilespmem:s24+$0x1440]  }
0x2aa: {  	v4 =	vmul.f32 $7.395099990e-01, v54;
	[tilespmem:$0x1F2C0] =	vst v9;
	v9 =	vmul.f32 $0.0e+00, v43;
	v43 =	vld [tilespmem:$0x1F000]  }
0x2ab: {  	[tilespmem:$0x1F340] =	vst v0;
	v6 =	vadd.f32 v30, v46;
	v46 =	vld [tilespmem:$0x1F010]  }
0x2ac: {  	v40 =	vmul.f32 $7.395099990e-01, v57;
	[tilespmem:$0x1F3A0] =	vst v4;
	v4 =	vld [tilespmem:$0x1F040]  }
0x2ad: {  	[tilespmem:$0x1F3B0] =	vst v18;
	v30 =	vadd.f32 v6, v58;
	v58 =	vld [tilespmem:$0x1F030]  }
0x2ae: {  	v24 =	vmul.f32 $3.750000000e-01, v54;
	v41 =	vmul.f32 $3.750000000e-01, v57;
	v57 =	vld [tilespmem:$0x1F020];
	[tilespmem:$0x1F3C0] =	vst v40  }
0x2af: {  	v34 =	vmul.f32 $5.590170030e-01, v54;
	[tilespmem:s25+$0xF310] =	vst v25;
	v40 =	vld [tilespmem:$0x1F100];
	v54 =	vmul.f32 v8, v11  }
0x2b0: {  	v25 =	vld [tilespmem:$0x1F160];
	[tilespmem:s25+$0xF190] =	vst v39;
	v6 =	vmul.f32 v7, v7  }
0x2b1: {  	[tilespmem:s25+$0xF010] =	vst v43;
	v29 =	vsub.f32 v15, v46;
	v18 =	vmul.f32 v7, v11;
	v43 =	vld [tilespmem:$0x1F080];
	v12 =	vmul.f32 v7, v54  }
0x2b2: {  	[tilespmem:$0x1F330] =	vst v9;
	v15 =	vld [tilespmem:$0x1F0B0];
	v5 =	vsub.f32 v58, v4;
	v58 =	vmul.f32 v6, v54;
	v54 =	vmul.f32 $1.732050780e+00, v54  }
0x2b3: {  	[tilespmem:$0x1F360] =	vst v30;
	v0 =	vmul.f32 $1.732050780e+00, v18;
	v18 =	vld [tilespmem:$0x1F0C0]  }
0x2b4: {  	v30 =	vld [tilespmem:$0x1F060];
	[tilespmem:$0x1F4E0] =	vst v54  }
0x2b5: {  	v9 =	vmul.f32 v7, v8;
	[tilespmem:$0x1F520] =	vst v0;
	v54 =	vld [tilespmem:$0x1F130];
	v0 =	vsub.f32 v13, v25;
	v25 =	vmul.f32 $3.872983460e+00, v12  }
0x2b6: {  	[tilespmem:s25+$0xF290] =	vst v14;
	v46 =	vsub.f32 v5, v43;
	v5 =	vld [tilespmem:$0x1F090]  }
0x2b7: {  	v50 =	vmul.f32 v61, v16;
	v4 =	vmul.f32 $1.732050780e+00, v9;
	[tilespmem:$0x1F530] =	vst v25;
	v25 =	vld [tilespmem:$0x1F1E0]  }
0x2b8: {  	[tilespmem:s25+$0xF090] =	vst v57;
	v43 =	vld [tilespmem:$0x1F110];
	v62 =	vsub.f32 v15, v18;
	v18 =	vmul.f32 v61, v61;
	v61 =	vsub.f32 v61, v51  }
0x2b9: {  	[tilespmem:s25+$0xF390] =	vst v40;
	v29 =	vadd.f32 v29, v30;
	v30 =	vld [tilespmem:$0x1F0F0]  }
0x2ba: {  	v50 =	vmul.f32 $2.449489830e+00, v50;
	[tilespmem:$0x1F4F0] =	vst v4;
	v61 =	vsub.f32 v61, v28;
	v28 =	vld [tilespmem:$0x1F170]  }
0x2bb: {  	v19 =	vmul.f32 $2.958040000e+00, v1;
	v49 =	vmul.f32 $1.118034010e+00, v1;
	[tilespmem:$0x1F410] =	vst v0;
	v57 =	vadd.f32 v29, v5;
	v29 =	vld [tilespmem:$0x1F0E0]  }
0x2bc: {  	v1 =	vmul.f32 v8, v8;
	v9 =	vmul.f32 v11, v11;
	[tilespmem:s25+$0x11890] =	vst v54;
	v12 =	vsub.f32 v63, v25  }
0x2bd: {  	v35 =	vsub.f32 v50, v35;
	v51 =	vld [tilespmem:$0x1F120];
	[tilespmem:s25+$0x11810] =	vst v43  }
0x2be: {  	v33 =	vmul.f32 v1, v11;
	v3 =	vmul.f32 v9, v11;
	[tilespmem:$0x1F470] =	vst v12;
	v12 =	vsub.f32 v18, v38;
	v18 =	vld [tilespmem:$0x1F270]  }
0x2bf: {  	v14 =	vmul.f32 v9, v9;
	v2 =	vmul.f32 v8, v9;
	v54 =	vsub.f32 v35, v37;
	[tilespmem:s25+$0x11990] =	vst v28;
	v28 =	vld [tilespmem:$0x1F1B0]  }
0x2c0: {  	v13 =	vmul.f32 v1, v1;
	v15 =	vmul.f32 v6, v9;
	[tilespmem:$0x1F3F0] =	vst v61;
	v39 =	vsub.f32 v29, v30  }
0x2c1: {  	v5 =	vmul.f32 v7, v9;
	v43 =	vmul.f32 $5.000000000e-01, v9;
	[tilespmem:$0x1F440] =	vst v54;
	v30 =	vld [tilespmem:$0x1F180]  }
0x2c2: {  	v61 =	vmul.f32 $8.660253880e-01, v9;
	[tilespmem:s25+$0x11B20] =	vst v57;
	v51 =	vadd.f32 v39, v51;
	v39 =	vmul.f32 v1, v9;
	v9 =	vld [tilespmem:$0x1F140]  }
0x2c3: {  	v20 =	vld [tilespmem:$0x1F350];
	v4 =	vmul.f32 v7, v1;
	v0 =	vmul.f32 v1, v8;
	[tilespmem:s25+$0xF1A0] =	vst v18  }
0x2c4: {  	v21 =	vsub.f32 v10, v21;
	v40 =	vld [tilespmem:$0x1F190];
	v37 =	vmul.f32 $5.000000000e-01, v1;
	v29 =	vmul.f32 v6, v8;
	[tilespmem:s25+$0x11B90] =	vst v28  }
0x2c5: {  	v35 =	vmul.f32 $8.660253880e-01, v1;
	v54 =	vmul.f32 v6, v11;
	v57 =	vld [tilespmem:$0x1F3B0];
	v28 =	vsub.f32 v32, v47;
	[tilespmem:s25+$0x14020] =	vst v51  }
0x2c6: {  	v32 =	vsub.f32 v36, v19;
	v36 =	vld [tilespmem:$0x1F200];
	[tilespmem:s25+$0x11A10] =	vst v30;
	v30 =	vmul.f32 $2.449489830e+00, v29;
	v29 =	vsub.f32 v45, v44  }
0x2c7: {  	v47 =	vmul.f32 $2.449489830e+00, v54;
	v54 =	vld [tilespmem:$0x1F210];
	[tilespmem:s25+$0x11910] =	vst v9;
	v9 =	vmul.f32 v6, v1;
	v1 =	vsub.f32 v21, v42  }
0x2c8: {  	v44 =	vld [tilespmem:$0x1F1C0];
	[tilespmem:$0x1F490] =	vst v32;
	v55 =	vsub.f32 v29, v55  }
0x2c9: {  	v48 =	vmul.f32 $6.708203790e+00, v48;
	v50 =	vmul.f32 $2.371708150e+00, v2;
	v29 =	vld [tilespmem:$0x1F1F0];
	[tilespmem:$0x1F450] =	vst v1  }
0x2ca: {  	v10 =	vmul.f32 v0, v7;
	v31 =	vmul.f32 $6.123724570e-01, v0;
	v18 =	vld [tilespmem:$0x1F2D0];
	[tilespmem:$0x1F460] =	vst v55  }
0x2cb: {  	v63 =	vmul.f32 $7.905694240e-01, v0;
	v25 =	vmul.f32 $1.500000000e+00, v4;
	[tilespmem:s25+$0xCAA0] =	vst v36;
	v55 =	vsub.f32 v48, v59;
	v59 =	vld [tilespmem:$0x1F220]  }
0x2cc: {  	v38 =	vsub.f32 v12, v27;
	v27 =	vmul.f32 $2.371708150e+00, v33;
	v45 =	vmul.f32 v7, v2;
	[tilespmem:s25+$0xCB20] =	vst v54;
	v36 =	vld [tilespmem:$0x1F240]  }
0x2cd: {  	v42 =	vmul.f32 $6.123724570e-01, v2;
	v2 =	vmul.f32 v0, v11;
	v54 =	vld [tilespmem:$0x1F260];
	[tilespmem:s25+$0x14010] =	vst v44;
	v44 =	vsub.f32 v56, v22  }
0x2ce: {  	v0 =	vmul.f32 v3, v8;
	v48 =	vmul.f32 $6.123724570e-01, v3;
	v22 =	vld [tilespmem:$0x1F2A0];
	v1 =	vsub.f32 v55, v49;
	[tilespmem:s25+$0xCA20] =	vst v29  }
0x2cf: {  	v19 =	vld [tilespmem:$0x1F280];
	v56 =	vmul.f32 $1.936491730e+00, v4;
	v4 =	vmul.f32 v7, v3;
	[tilespmem:$0x1F4A0] =	vst v44  }
0x2d0: {  	v32 =	vld [tilespmem:$0x1F230];
	v49 =	vmul.f32 $6.123724570e-01, v33;
	v29 =	vmul.f32 $7.905694240e-01, v3;
	[tilespmem:$0x1F4B0] =	vst v1  }
0x2d1: {  	v21 =	vld [tilespmem:$0x1F290];
	v3 =	vmul.f32 v33, v7;
	[tilespmem:s25+$0xCBA0] =	vst v59;
	v59 =	vmul.f32 v6, v7  }
0x2d2: {  	v33 =	vmul.f32 $6.708203790e+00, v58;
	v44 =	vld [tilespmem:$0x1F250];
	v1 =	vadd.f32 v38, v24;
	[tilespmem:s25+$0xF0A0] =	vst v36;
	v36 =	vmul.f32 $2.371708150e+00, v10  }
0x2d3: {  	v51 =	vld [tilespmem:$0x1F3E0];
	v55 =	vsub.f32 v54, v60;
	[tilespmem:s25+$0xF2A0] =	vst v22;
	v22 =	vmul.f32 $6.274950030e+00, v45;
	v12 =	vmul.f32 v59, v8  }
0x2d4: {  	[tilespmem:s25+$0xC8B0] =	vst v16;
	v1 =	vadd.f32 v1, v26;
	v26 =	vmul.f32 $2.371708150e+00, v45;
	v45 =	vmul.f32 $2.091650010e+00, v10;
	v10 =	vld [tilespmem:$0x1F320]  }
0x2d5: {  	[tilespmem:s25+$0xF020] =	vst v32;
	v32 =	vmul.f32 v59, v11;
	v58 =	vmul.f32 $3.162277700e+00, v12;
	v12 =	vld [tilespmem:$0x1F2C0]  }
0x2d6: {  	[tilespmem:s25+$0xF220] =	vst v19;
	v54 =	vsub.f32 v55, v21;
	v55 =	vld [tilespmem:$0x1F2B0]  }
0x2d7: {  	[tilespmem:s25+$0xF120] =	vst v44;
	v44 =	vld [tilespmem:$0x1F2F0];
	v19 =	vmul.f32 $3.162277700e+00, v32  }
0x2d8: {  	[tilespmem:s25+$0x11A90] =	vst v40;
	v38 =	vadd.f32 v1, v41;
	v1 =	vld [tilespmem:s24+$0x1450]  }
0x2d9: {  	[tilespmem:$0x1F4C0] =	vst v19;
	v19 =	vld [tilespmem:$0x1F340]  }
0x2da: {  	v23 =	vmul.f32 $1.500000000e+00, v5;
	[tilespmem:s25+$0xF3A0] =	vst v18;
	v52 =	vsub.f32 v12, v52;
	v12 =	vld [tilespmem:$0x1F330]  }
0x2db: {  	v40 =	vmul.f32 $1.936491730e+00, v5;
	v18 =	vmul.f32 $2.091650010e+00, v4;
	[tilespmem:s25+$0xF320] =	vst v55;
	v55 =	vld [tilespmem:$0x1F310]  }
0x2dc: {  	[tilespmem:$0x1F480] =	vst v28;
	v41 =	vmul.f32 $3.354101900e+00, v15;
	v32 =	vmul.f32 $3.354101900e+00, v9;
	v21 =	vsub.f32 v52, v34;
	v52 =	vld [tilespmem:$0x1F300]  }
0x2dd: {  	v35 =	vsub.f32 v61, v35;
	[tilespmem:s25+$0x11920] =	vst v10;
	v34 =	vmul.f32 $3.000000000e+00, v15;
	v15 =	vmul.f32 $3.000000000e+00, v9;
	v9 =	vld [tilespmem:$0x1F370]  }
0x2de: {  	v5 =	vmul.f32 $2.958040000e+00, v2;
	v47 =	vsub.f32 v47, v48;
	v10 =	vld [tilespmem:$0x1F380];
	[tilespmem:s25+$0x118A0] =	vst v44;
	v44 =	vmul.f32 $6.274950030e+00, v3  }
0x2df: {  	v24 =	vmul.f32 $1.118034010e+00, v0;
	v60 =	vmul.f32 $2.958040000e+00, v0;
	[tilespmem:$0x1F500] =	vst v18;
	v0 =	vadd.f32 v21, v12;
	v12 =	vld [tilespmem:$0x1F390]  }
0x2e0: {  	v50 =	vsub.f32 v50, v63;
	v28 =	vmul.f32 $1.118034010e+00, v2;
	v18 =	vmul.f32 $3.750000000e-01, v14;
	[tilespmem:$0x1F510] =	vst v44;
	v44 =	vld [tilespmem:$0x1F3A0]  }
0x2e1: {  	[tilespmem:s25+$0x11BA0] =	vst v62;
	v47 =	vsub.f32 v47, v49;
	v63 =	vmul.f32 v1, v1;
	v21 =	vmul.f32 $2.371708150e+00, v3;
	v3 =	vld [tilespmem:s24+$0x1550]  }
0x2e2: {  	[tilespmem:s25+$0x119A0] =	vst v19;
	v2 =	vsub.f32 v52, v55;
	v52 =	vmul.f32 $2.371708150e+00, v4;
	v55 =	vld [tilespmem:$0x1F360];
	v19 =	vadd.f32 v0, v9  }
0x2e3: {  	v62 =	vld [tilespmem:$0x1F3C0];
	[tilespmem:$0x1F4D0] =	vst v21;
	v21 =	vmul.f32 $5.590170030e-01, v14;
	v0 =	vmul.f32 v6, v6;
	v6 =	vsub.f32 v6, v43  }
0x2e4: {  	[tilespmem:s25+$0x11AA0] =	vst v46;
	v20 =	vsub.f32 v2, v20;
	v46 =	vsub.f32 v10, v12;
	v12 =	vmul.f32 $7.500000000e-01, v39  }
0x2e5: {  	[tilespmem:s25+$0xC930] =	vst v17;
	v2 =	vld [tilespmem:s24+$0x14D0];
	v10 =	vsub.f32 v44, v57;
	v44 =	vmul.f32 $4.437059880e+00, v39;
	v57 =	vmul.f32 $5.590170030e-01, v13  }
0x2e6: {  	[tilespmem:s25+$0xCAB0] =	vst v51;
	v51 =	vld [tilespmem:$0x1F430];
	v37 =	vsub.f32 v6, v37;
	v6 =	vmul.f32 v3, v3;
	v61 =	vmul.f32 v3, v1  }
0x2e7: {  	v0 =	vsub.f32 v0, v34;
	[tilespmem:s25+$0x11A20] =	vst v55;
	v55 =	vmul.f32 $7.395099990e-01, v14;
	v14 =	vmul.f32 $0.0e+00, v39  }
0x2e8: {  	[tilespmem:s25+$0xC9B0] =	vst v53;
	v39 =	vmul.f32 $3.750000000e-01, v13;
	v43 =	vadd.f32 v10, v62;
	v62 =	vmul.f32 $7.395099990e-01, v13  }
0x2e9: {  	[tilespmem:s25+$0xC940] =	vst v7;
	v23 =	vsub.f32 v59, v23;
	v61 =	vmul.f32 $1.732050780e+00, v61;
	v4 =	vmul.f32 v6, v63  }
0x2ea: {  	[tilespmem:s25+$0xF0C0] =	vst v50;
	v0 =	vsub.f32 v0, v15;
	v15 =	vmul.f32 v6, v1;
	v13 =	vmul.f32 v2, v1  }
0x2eb: {  	[tilespmem:s25+$0xF130] =	vst v51;
	v9 =	vsub.f32 v30, v42;
	v16 =	vmul.f32 v3, v2;
	v59 =	vmul.f32 v2, v2  }
0x2ec: {  	[tilespmem:$0x1F550] =	vst v61;
	v61 =	vmul.f32 v63, v1;
	v48 =	vmul.f32 v2, v63  }
0x2ed: {  	[tilespmem:s25+$0xF2C0] =	vst v47;
	v31 =	vsub.f32 v9, v31;
	v9 =	vld [tilespmem:$0x1F3F0];
	v15 =	vmul.f32 $2.449489830e+00, v15;
	v42 =	vmul.f32 v3, v13  }
0x2ee: {  	[tilespmem:s25+$0x119B0] =	vst v54;
	v53 =	vmul.f32 v6, v13;
	v30 =	vmul.f32 $1.732050780e+00, v13  }
0x2ef: {  	v33 =	vsub.f32 v33, v24;
	[tilespmem:s25+$0x11A30] =	vst v38;
	v10 =	vld [tilespmem:$0x1F3D0];
	v17 =	vmul.f32 $1.732050780e+00, v16;
	v16 =	vmul.f32 v63, v63  }
0x2f0: {  	v45 =	vsub.f32 v22, v45;
	v49 =	vmul.f32 v59, v63;
	v51 =	vmul.f32 v59, v2;
	[tilespmem:$0x1F540] =	vst v30;
	v30 =	vld [tilespmem:$0x1F420]  }
0x2f1: {  	v28 =	vsub.f32 v33, v28;
	[tilespmem:s25+$0x11B30] =	vst v19;
	v22 =	vmul.f32 v6, v59;
	v33 =	vmul.f32 $2.371708150e+00, v48  }
0x2f2: {  	v54 =	vsub.f32 v41, v32;
	[tilespmem:s25+$0xCB30] =	vst v9;
	v9 =	vld [tilespmem:$0x1F460];
	v38 =	vmul.f32 v3, v61;
	v41 =	vmul.f32 $6.123724570e-01, v61  }
0x2f3: {  	v26 =	vsub.f32 v58, v26;
	[tilespmem:s25+$0x11BB0] =	vst v46;
	v13 =	vld [tilespmem:$0x1F410];
	v46 =	vmul.f32 $7.905694240e-01, v61;
	v24 =	vmul.f32 $3.872983460e+00, v42  }
0x2f4: {  	v0 =	vadd.f32 v0, v18;
	[tilespmem:s25+$0xCA30] =	vst v10;
	v10 =	vld [tilespmem:$0x1F400];
	v58 =	vmul.f32 v51, v3;
	v18 =	vmul.f32 $6.123724570e-01, v51  }
0x2f5: {  	v50 =	vmul.f32 $3.750000000e-01, v16;
	v47 =	vmul.f32 $5.590170030e-01, v16;
	[tilespmem:s25+$0xF0B0] =	vst v30;
	v30 =	vsub.f32 v40, v56;
	v56 =	vld [tilespmem:$0x1F440]  }
0x2f6: {  	[tilespmem:s25+$0xCB40] =	vst v37;
	v42 =	vld [tilespmem:$0x1F480];
	v41 =	vsub.f32 v15, v41;
	v15 =	vmul.f32 $2.091650010e+00, v38;
	v16 =	vmul.f32 $7.395099990e-01, v16  }
0x2f7: {  	[tilespmem:s25+$0xF2B0] =	vst v9;
	v9 =	vmul.f32 $5.000000000e-01, v59;
	v37 =	vmul.f32 $2.371708150e+00, v58  }
0x2f8: {  	[tilespmem:s25+$0xF030] =	vst v13;
	v13 =	vsub.f32 v23, v25;
	v23 =	vmul.f32 v3, v63;
	v25 =	vsub.f32 v29, v27  }
0x2f9: {  	v27 =	vmul.f32 v59, v59;
	v29 =	vsub.f32 v60, v5;
	v60 =	vmul.f32 v3, v59;
	[tilespmem:s25+$0xCBB0] =	vst v10  }
0x2fa: {  	v10 =	vmul.f32 $5.000000000e-01, v63;
	[tilespmem:s25+$0xF1B0] =	vst v56;
	v56 =	vmul.f32 v6, v2  }
0x2fb: {  	v26 =	vsub.f32 v26, v36;
	v5 =	vld [tilespmem:$0x1F470];
	v40 =	vmul.f32 $8.660253880e-01, v63;
	[tilespmem:s25+$0xF3B0] =	vst v42;
	v42 =	vmul.f32 v3, v48  }
0x2fc: {  	[tilespmem:s25+$0x11AB0] =	vst v20;
	v0 =	vadd.f32 v0, v12;
	v12 =	vmul.f32 $1.500000000e+00, v60;
	v34 =	vmul.f32 $2.449489830e+00, v56;
	v56 =	vld [tilespmem:$0x1F490]  }
0x2fd: {  	[tilespmem:s25+$0xF1C0] =	vst v31;
	v63 =	vld [tilespmem:$0x1F450];
	v20 =	vmul.f32 $1.936491730e+00, v60;
	v60 =	vmul.f32 v61, v2;
	v61 =	vsub.f32 v54, v21  }
0x2fe: {  	v39 =	vadd.f32 v0, v39;
	v48 =	vmul.f32 $6.123724570e-01, v48;
	v36 =	vmul.f32 $1.500000000e+00, v23;
	v54 =	vld [tilespmem:$0x1F4E0];
	[tilespmem:s25+$0xF3C0] =	vst v25  }
0x2ff: {  	v23 =	vmul.f32 $1.936491730e+00, v23;
	v0 =	vadd.f32 v61, v14;
	v14 =	vmul.f32 v6, v3;
	[tilespmem:s25+$0xF340] =	vst v30  }
0x300: {  	v25 =	vmul.f32 $4.437059880e+00, v49;
	v32 =	vmul.f32 $1.118034010e+00, v60;
	[tilespmem:s25+$0xF330] =	vst v5;
	v5 =	vld [tilespmem:$0x1F4B0]  }
0x301: {  	v30 =	vmul.f32 $5.590170030e-01, v27;
	v7 =	vmul.f32 v14, v1;
	[tilespmem:s25+$0x11830] =	vst v56;
	v56 =	vld [tilespmem:$0x1F4A0]  }
0x302: {  	v36 =	vsub.f32 v14, v36;
	[tilespmem:s25+$0xF230] =	vst v63;
	v63 =	vmul.f32 v59, v1;
	v59 =	vmul.f32 $8.660253880e-01, v59  }
0x303: {  	[tilespmem:s25+$0xCA40] =	vst v54;
	v54 =	vadd.f32 v0, v57;
	v0 =	vmul.f32 v14, v2;
	v14 =	vmul.f32 $0.0e+00, v49  }
0x304: {  	[tilespmem:s25+$0x14030] =	vst v43;
	v31 =	vmul.f32 $3.162277700e+00, v7;
	v19 =	vmul.f32 v63, v3  }
0x305: {  	v20 =	vsub.f32 v23, v20;
	v7 =	vld [tilespmem:s24+$0x14E0];
	v21 =	vmul.f32 $6.123724570e-01, v63;
	v43 =	vmul.f32 $2.371708150e+00, v63;
	[tilespmem:s25+$0x11930] =	vst v5  }
0x306: {  	v12 =	vsub.f32 v36, v12;
	v5 =	vmul.f32 $7.905694240e-01, v51;
	[tilespmem:s25+$0x118B0] =	vst v56;
	v56 =	vmul.f32 v51, v1;
	v51 =	vld [tilespmem:$0x1F4C0]  }
0x307: {  	v63 =	vsub.f32 v55, v44;
	v55 =	vmul.f32 $2.091650010e+00, v58;
	v58 =	vmul.f32 $3.000000000e+00, v4  }
0x308: {  	[tilespmem:s25+$0xC9C0] =	vst v11;
	v61 =	vld [tilespmem:$0x1F510];
	v40 =	vsub.f32 v40, v59;
	v59 =	vmul.f32 $7.500000000e-01, v49;
	v11 =	vmul.f32 $2.958040000e+00, v56  }
0x309: {  	[tilespmem:s25+$0xF040] =	vst v35;
	v35 =	vadd.f32 v63, v62;
	v44 =	vmul.f32 $1.118034010e+00, v56;
	v56 =	vmul.f32 $3.162277700e+00, v0;
	v0 =	vld [tilespmem:s24+$0x1460]  }
0x30a: {  	[tilespmem:s25+$0xC8C0] =	vst v8;
	v57 =	vld [tilespmem:$0x1F4F0];
	v63 =	vsub.f32 v34, v48;
	v34 =	vmul.f32 $2.371708150e+00, v38;
	v48 =	vmul.f32 $3.354101900e+00, v4  }
0x30b: {  	[tilespmem:s25+$0x119C0] =	vst v26;
	v23 =	vmul.f32 v7, v7;
	v8 =	vsub.f32 v51, v52;
	v52 =	vmul.f32 $2.958040000e+00, v60;
	v60 =	vld [tilespmem:$0x1F500]  }
0x30c: {  	[tilespmem:s25+$0xF240] =	vst v13;
	v13 =	vsub.f32 v33, v5;
	v33 =	vmul.f32 $2.371708150e+00, v19;
	v51 =	vmul.f32 $6.708203790e+00, v53;
	v53 =	vld [tilespmem:$0x1F4D0]  }
0x30d: {  	[tilespmem:s25+$0x11A40] =	vst v39;
	v26 =	vsub.f32 v46, v43;
	v19 =	vmul.f32 $6.274950030e+00, v19;
	v39 =	vmul.f32 v23, v7  }
0x30e: {  	[tilespmem:s25+$0x11840] =	vst v29;
	v62 =	vld [tilespmem:$0x1F530];
	v18 =	vsub.f32 v63, v18;
	v4 =	vmul.f32 v23, v23;
	v29 =	vmul.f32 v0, v0  }
0x30f: {  	v38 =	vsub.f32 v52, v11;
	v43 =	vmul.f32 v7, v0;
	v52 =	vmul.f32 v23, v0  }
0x310: {  	[tilespmem:s25+$0xCAC0] =	vst v57;
	v36 =	vmul.f32 v29, v0;
	v5 =	vmul.f32 v29, v29;
	v57 =	vsub.f32 v60, v61;
	v61 =	vld [tilespmem:$0x1F520]  }
0x311: {  	[tilespmem:s25+$0x118C0] =	vst v45;
	v8 =	vsub.f32 v8, v53;
	v53 =	vmul.f32 v6, v6;
	v6 =	vsub.f32 v6, v10;
	v10 =	vld [tilespmem:s24+$0x1560]  }
0x312: {  	[tilespmem:s25+$0xC8D0] =	vst v2;
	v32 =	vsub.f32 v51, v32;
	v51 =	vmul.f32 v7, v29;
	v60 =	vmul.f32 $6.274950030e+00, v42  }
0x313: {  	[tilespmem:s25+$0xF140] =	vst v62;
	v42 =	vmul.f32 $2.371708150e+00, v42;
	v2 =	vmul.f32 v36, v7;
	v6 =	vsub.f32 v6, v9  }
0x314: {  	v9 =	vmul.f32 $3.000000000e+00, v22;
	v22 =	vmul.f32 $3.354101900e+00, v22;
	[tilespmem:s25+$0x11AC0] =	vst v8;
	v8 =	vsub.f32 v60, v55  }
0x315: {  	v62 =	vsub.f32 v53, v58;
	v55 =	vmul.f32 v23, v29;
	[tilespmem:s25+$0xCBC0] =	vst v61;
	v61 =	vmul.f32 $3.750000000e-01, v27  }
0x316: {  	[tilespmem:s25+$0x11940] =	vst v28;
	v56 =	vsub.f32 v56, v42;
	v27 =	vmul.f32 $7.395099990e-01, v27;
	v28 =	vmul.f32 v10, v10  }
0x317: {  	[tilespmem:s25+$0xC950] =	vst v3;
	v63 =	vsub.f32 v62, v9;
	v45 =	vmul.f32 v10, v7;
	v49 =	vmul.f32 v10, v0  }
0x318: {  	[tilespmem:s25+$0x14040] =	vst v35;
	v3 =	vsub.f32 v56, v37;
	v35 =	vmul.f32 v10, v43;
	v9 =	vmul.f32 v10, v29  }
0x319: {  	[tilespmem:s25+$0xF050] =	vst v40;
	v60 =	vsub.f32 v48, v22;
	v46 =	vmul.f32 v10, v23;
	v37 =	vmul.f32 v10, v51  }
0x31a: {  	[tilespmem:s25+$0x11BC0] =	vst v57;
	v53 =	vmul.f32 v39, v10;
	v40 =	vmul.f32 v10, v36;
	v57 =	vadd.f32 v63, v50  }
0x31b: {  	[tilespmem:s25+$0xCB50] =	vst v6;
	v50 =	vmul.f32 v39, v0;
	v6 =	vsub.f32 v60, v47;
	v47 =	vmul.f32 v52, v10  }
0x31c: {  	v63 =	vsub.f32 v31, v34;
	v31 =	vmul.f32 $1.732050780e+00, v43;
	v60 =	vmul.f32 $7.905694240e-01, v39  }
0x31d: {  	v21 =	vsub.f32 v41, v21;
	v58 =	vld [tilespmem:$0x1F540];
	v41 =	vmul.f32 v28, v10;
	v11 =	vmul.f32 v28, v28  }
0x31e: {  	v32 =	vsub.f32 v32, v44;
	v44 =	vmul.f32 v28, v7;
	v42 =	vmul.f32 v28, v0  }
0x31f: {  	[tilespmem:s25+$0xCAD0] =	vst v17;
	v17 =	vmul.f32 v28, v43;
	v22 =	vmul.f32 v28, v29  }
0x320: {  	[tilespmem:s25+$0xF2D0] =	vst v21;
	v48 =	vmul.f32 v28, v23;
	v34 =	vmul.f32 $1.732050780e+00, v45  }
0x321: {  	[tilespmem:s25+$0xF1D0] =	vst v18;
	v45 =	vmul.f32 $5.000000000e-01, v29;
	v18 =	vmul.f32 $1.732050780e+00, v49  }
0x322: {  	[tilespmem:s25+$0xCA50] =	vst v58;
	v29 =	vmul.f32 $8.660253880e-01, v29;
	v58 =	vmul.f32 $8.660253880e-01, v23  }
0x323: {  	[tilespmem:s25+$0x11850] =	vst v38;
	v21 =	vmul.f32 $3.872983460e+00, v35;
	v38 =	vmul.f32 $1.500000000e+00, v46  }
0x324: {  	v62 =	vld [tilespmem:$0x1F550];
	v43 =	vmul.f32 $6.123724570e-01, v52;
	v49 =	vmul.f32 $2.371708150e+00, v52  }
0x325: {  	[tilespmem:s25+$0xC9D0] =	vst v1;
	v1 =	vadd.f32 v57, v59;
	v57 =	vmul.f32 $5.000000000e-01, v23;
	v59 =	vmul.f32 $2.371708150e+00, v51  }
0x326: {  	[tilespmem:s25+$0xF0D0] =	vst v13;
	v13 =	vsub.f32 v63, v33;
	v63 =	vmul.f32 $6.123724570e-01, v39;
	v33 =	vmul.f32 $1.500000000e+00, v9  }
0x327: {  	v15 =	vsub.f32 v15, v19;
	v9 =	vmul.f32 $1.936491730e+00, v9;
	v52 =	vmul.f32 $2.958040000e+00, v50  }
0x328: {  	[tilespmem:s25+$0x11B40] =	vst v54;
	v35 =	vimm.f32 $1.000000000e+00;
	v54 =	vmul.f32 v41, v7;
	v56 =	vmul.f32 v41, v0  }
0x329: {  	v6 =	vadd.f32 v6, v14;
	[tilespmem:s25+$0xCBD0] =	vst v62;
	v62 =	vmul.f32 $6.123724570e-01, v51;
	v39 =	vmul.f32 $2.449489830e+00, v42  }
0x32a: {  	[tilespmem:s25+$0xF250] =	vst v12;
	v14 =	vsub.f32 v28, v45;
	v42 =	vmul.f32 $6.123724570e-01, v36;
	v51 =	vmul.f32 $2.958040000e+00, v2  }
0x32b: {  	[tilespmem:s25+$0x11950] =	vst v32;
	v32 =	vld [tilespmem:s24+$0x1470];
	v12 =	vsub.f32 v29, v58;
	v58 =	vmul.f32 $2.091650010e+00, v53;
	v17 =	vmul.f32 $6.708203790e+00, v17  }
0x32c: {  	[tilespmem:s25+$0xF350] =	vst v20;
	v2 =	vmul.f32 $1.118034010e+00, v2;
	v1 =	vadd.f32 v1, v61;
	v61 =	vmul.f32 $2.449489830e+00, v44  }
0x32d: {  	[tilespmem:s25+$0x118D0] =	vst v8;
	v44 =	vmul.f32 $1.936491730e+00, v46;
	v46 =	vmul.f32 $7.905694240e-01, v36;
	v8 =	vsub.f32 v14, v57  }
0x32e: {  	[tilespmem:s25+$0x119D0] =	vst v3;
	v57 =	vmul.f32 $6.274950030e+00, v37;
	v14 =	vsub.f32 v39, v42;
	v39 =	vmul.f32 $3.750000000e-01, v5  }
0x32f: {  	[tilespmem:s25+$0xC800] =	vst v35;
	v42 =	vmul.f32 $3.750000000e-01, v4;
	v19 =	vsub.f32 v51, v52;
	v51 =	vmul.f32 $5.590170030e-01, v4  }
0x330: {  	v16 =	vsub.f32 v16, v25;
	v52 =	vmul.f32 $2.091650010e+00, v40;
	[tilespmem:s25+$0xF060] =	vst v12;
	v12 =	vmul.f32 v32, v32  }
0x331: {  	v4 =	vmul.f32 $7.395099990e-01, v4;
	[tilespmem:s25+$0x11A50] =	vst v1;
	v1 =	vsub.f32 v59, v60;
	v60 =	vmul.f32 $1.118034010e+00, v50  }
0x332: {  	[tilespmem:s25+$0xC810] =	vst v35;
	v45 =	vsub.f32 v61, v62;
	v61 =	vmul.f32 $3.162277700e+00, v54;
	v62 =	vmul.f32 $2.371708150e+00, v37  }
0x333: {  	[tilespmem:s25+$0xC820] =	vst v35;
	v59 =	vsub.f32 v41, v33;
	v37 =	vmul.f32 $3.000000000e+00, v22;
	v41 =	vmul.f32 $7.500000000e-01, v55  }
0x334: {  	[tilespmem:s25+$0xC830] =	vst v35;
	v9 =	vsub.f32 v9, v44;
	v44 =	vmul.f32 $2.371708150e+00, v40;
	v22 =	vmul.f32 $3.354101900e+00, v22  }
0x335: {  	[tilespmem:s25+$0xC840] =	vst v35;
	v20 =	vsub.f32 v46, v49;
	v46 =	vmul.f32 $3.354101900e+00, v48;
	v49 =	vmul.f32 $5.590170030e-01, v5  }
0x336: {  	[tilespmem:s25+$0xC850] =	vst v35;
	v6 =	vadd.f32 v6, v30;
	v50 =	vmul.f32 $0.0e+00, v55;
	v5 =	vmul.f32 $7.395099990e-01, v5  }
0x337: {  	[tilespmem:s25+$0xF160] =	vst v21;
	v55 =	vmul.f32 $4.437059880e+00, v55;
	v36 =	vsub.f32 v14, v43;
	v43 =	vmul.f32 $3.162277700e+00, v56  }
0x338: {  	[tilespmem:s25+$0x11AD0] =	vst v13;
	v33 =	vld [tilespmem:s24+$0x14F0];
	v13 =	vsub.f32 v57, v58;
	v21 =	vmul.f32 v12, v32;
	v3 =	vsub.f32 v45, v63  }
0x339: {  	[tilespmem:s25+$0x11B50] =	vst v6;
	v6 =	vsub.f32 v59, v38;
	v63 =	vmul.f32 $2.371708150e+00, v53;
	v38 =	vmul.f32 $3.000000000e+00, v48  }
0x33a: {  	[tilespmem:s25+$0xC860] =	vst v35;
	v45 =	vmul.f32 $2.371708150e+00, v47;
	v48 =	vsub.f32 v17, v2;
	v11 =	vsub.f32 v11, v37  }
0x33b: {  	v17 =	vld [tilespmem:s24+$0x1570];
	v53 =	vmul.f32 $6.274950030e+00, v47;
	[tilespmem:s25+$0xF0E0] =	vst v1;
	v56 =	vsub.f32 v61, v62;
	v61 =	vsub.f32 v22, v46  }
0x33c: {  	v1 =	vmul.f32 v12, v12;
	[tilespmem:s25+$0xC870] =	vst v35;
	v35 =	vmul.f32 $7.905694240e-01, v21;
	v54 =	vsub.f32 v11, v38  }
0x33d: {  	[tilespmem:s25+$0xF150] =	vst v24;
	v2 =	vsub.f32 v61, v49;
	v61 =	vmul.f32 $6.123724570e-01, v21;
	v57 =	vmul.f32 v33, v33  }
0x33e: {  	[tilespmem:s25+$0xF3D0] =	vst v26;
	v16 =	vadd.f32 v16, v27;
	v62 =	vmul.f32 v33, v32;
	v37 =	vmul.f32 v33, v12  }
0x33f: {  	[tilespmem:s25+$0xC9E0] =	vst v0;
	v46 =	vmul.f32 v21, v33;
	v0 =	vadd.f32 v54, v39;
	v54 =	vmul.f32 $5.000000000e-01, v12  }
0x340: {  	[tilespmem:s25+$0x11BD0] =	vst v15;
	v5 =	vsub.f32 v5, v55;
	v58 =	vmul.f32 v17, v17;
	v24 =	vmul.f32 v57, v33  }
0x341: {  	[tilespmem:s25+$0xF2E0] =	vst v36;
	v59 =	vsub.f32 v56, v63;
	v63 =	vmul.f32 v17, v33;
	v36 =	vmul.f32 v17, v32  }
0x342: {  	[tilespmem:s25+$0xC8E0] =	vst v7;
	v49 =	vsub.f32 v52, v53;
	v38 =	vmul.f32 v17, v62;
	v14 =	vmul.f32 v17, v37  }
0x343: {  	[tilespmem:s25+$0xCA60] =	vst v31;
	v52 =	vadd.f32 v5, v4;
	v5 =	vmul.f32 v57, v12;
	v31 =	vmul.f32 v17, v21  }
0x344: {  	[tilespmem:s25+$0xC960] =	vst v10;
	v15 =	vsub.f32 v48, v60;
	v26 =	vmul.f32 $1.732050780e+00, v62;
	v55 =	vmul.f32 $5.000000000e-01, v57  }
0x345: {  	[tilespmem:s25+$0x14050] =	vst v16;
	v39 =	vsub.f32 v43, v44;
	v16 =	vmul.f32 $8.660253880e-01, v57;
	v56 =	vmul.f32 $2.371708150e+00, v37  }
0x346: {  	[tilespmem:s25+$0xCAE0] =	vst v34;
	v7 =	vmul.f32 $6.123724570e-01, v37;
	v60 =	vadd.f32 v0, v41;
	v0 =	vmul.f32 v57, v57  }
0x347: {  	[tilespmem:s25+$0xCBE0] =	vst v18;
	v41 =	vmul.f32 v17, v12;
	v44 =	vsub.f32 v39, v45;
	v45 =	vmul.f32 v57, v32  }
0x348: {  	[tilespmem:s25+$0xCB60] =	vst v8;
	v27 =	vmul.f32 v58, v17;
	v22 =	vmul.f32 v58, v58  }
0x349: {  	[tilespmem:s25+$0x11860] =	vst v19;
	v2 =	vadd.f32 v2, v50;
	v40 =	vmul.f32 v58, v33;
	v43 =	vmul.f32 v58, v32  }
0x34a: {  	[tilespmem:s25+$0xF360] =	vst v9;
	v47 =	vmul.f32 v24, v32;
	v48 =	vmul.f32 v58, v62  }
0x34b: {  	[tilespmem:s25+$0xF3E0] =	vst v20;
	v2 =	vadd.f32 v2, v51;
	v51 =	vmul.f32 v58, v12;
	v53 =	vmul.f32 v58, v57  }
0x34c: {  	[tilespmem:s25+$0xC9F0] =	vst v32;
	v9 =	vmul.f32 $1.732050780e+00, v63;
	v25 =	vmul.f32 $1.732050780e+00, v36  }
0x34d: {  	[tilespmem:s25+$0x118E0] =	vst v13;
	v12 =	vmul.f32 $8.660253880e-01, v12;
	v20 =	vmul.f32 $3.872983460e+00, v38  }
0x34e: {  	[tilespmem:s25+$0xF260] =	vst v6;
	v10 =	vsub.f32 v58, v54;
	v36 =	vmul.f32 $2.958040000e+00, v46;
	v54 =	vmul.f32 $5.590170030e-01, v1  }
0x34f: {  	v6 =	vadd.f32 v60, v42;
	v42 =	vmul.f32 v17, v57;
	[tilespmem:s25+$0x11B60] =	vst v2;
	v2 =	vmul.f32 v45, v17  }
0x350: {  	[tilespmem:s25+$0xF1E0] =	vst v3;
	v57 =	vmul.f32 $7.905694240e-01, v24;
	v60 =	vmul.f32 $1.500000000e+00, v41  }
0x351: {  	[tilespmem:s25+$0xC8F0] =	vst v33;
	v63 =	vmul.f32 $6.123724570e-01, v45;
	v34 =	vmul.f32 $1.936491730e+00, v41  }
0x352: {  	[tilespmem:s25+$0x11960] =	vst v15;
	v19 =	vmul.f32 $2.371708150e+00, v45;
	v50 =	vmul.f32 v27, v33  }
0x353: {  	[tilespmem:s25+$0x119E0] =	vst v59;
	v15 =	vmul.f32 v27, v32;
	v58 =	vmul.f32 $2.449489830e+00, v40  }
0x354: {  	[tilespmem:s25+$0x11BE0] =	vst v49;
	v13 =	vmul.f32 $2.449489830e+00, v43;
	v37 =	vmul.f32 $3.000000000e+00, v51  }
0x355: {  	[tilespmem:s25+$0x14060] =	vst v52;
	v39 =	vmul.f32 $2.958040000e+00, v47;
	v40 =	vmul.f32 $6.274950030e+00, v14  }
0x356: {  	[tilespmem:s25+$0xC970] =	vst v17;
	v11 =	vmul.f32 $6.708203790e+00, v48;
	v43 =	vmul.f32 $1.118034010e+00, v46  }
0x357: {  	[tilespmem:s25+$0xCA70] =	vst v26;
	v46 =	vmul.f32 $3.750000000e-01, v1;
	v3 =	vmul.f32 $1.118034010e+00, v47  }
0x358: {  	[tilespmem:s25+$0x11AE0] =	vst v44;
	v10 =	vsub.f32 v10, v55;
	v48 =	vmul.f32 $2.371708150e+00, v14;
	v51 =	vmul.f32 $3.354101900e+00, v51  }
0x359: {  	v12 =	vsub.f32 v12, v16;
	[tilespmem:s25+$0xCAF0] =	vst v9;
	v4 =	vmul.f32 $3.354101900e+00, v53;
	v1 =	vmul.f32 $7.395099990e-01, v1  }
0x35a: {  	[tilespmem:s25+$0x11A60] =	vst v6;
	v6 =	vmul.f32 v24, v17;
	v59 =	vsub.f32 v56, v57;
	v24 =	vmul.f32 $6.123724570e-01, v24  }
0x35b: {  	[tilespmem:s25+$0xCBF0] =	vst v25;
	v27 =	vsub.f32 v27, v60;
	v62 =	vmul.f32 $1.500000000e+00, v42;
	v8 =	vmul.f32 $1.936491730e+00, v42  }
0x35c: {  	[tilespmem:s25+$0xF170] =	vst v20;
	v38 =	vsub.f32 v35, v19;
	v42 =	vmul.f32 $3.000000000e+00, v53;
	v53 =	vmul.f32 $3.750000000e-01, v0  }
0x35d: {  	v56 =	vmul.f32 $2.371708150e+00, v31;
	v7 =	vsub.f32 v58, v7;
	v13 =	vsub.f32 v13, v61;
	[tilespmem:s25+$0xCB70] =	vst v10  }
0x35e: {  	v57 =	vmul.f32 $0.0e+00, v5;
	v21 =	vsub.f32 v22, v37;
	[tilespmem:s25+$0xF070] =	vst v12;
	v9 =	vsub.f32 v36, v39  }
0x35f: {  	v11 =	vsub.f32 v11, v43;
	v47 =	vmul.f32 $3.162277700e+00, v50;
	v50 =	vmul.f32 $7.500000000e-01, v5;
	[tilespmem:s25+$0xF0F0] =	vst v59  }
0x360: {  	v4 =	vsub.f32 v51, v4;
	v58 =	vmul.f32 $2.371708150e+00, v2;
	v33 =	vsub.f32 v27, v62;
	[tilespmem:s25+$0xF3F0] =	vst v38  }
0x361: {  	v61 =	vmul.f32 $4.437059880e+00, v5;
	v2 =	vmul.f32 $6.274950030e+00, v2;
	v8 =	vsub.f32 v34, v8;
	[tilespmem:s25+$0x11870] =	vst v9  }
0x362: {  	v41 =	vmul.f32 $2.091650010e+00, v6;
	v7 =	vsub.f32 v7, v24;
	v13 =	vsub.f32 v13, v63;
	[tilespmem:s25+$0xF270] =	vst v33  }
0x363: {  	v59 =	vmul.f32 $5.590170030e-01, v0;
	v45 =	vsub.f32 v21, v42;
	v3 =	vsub.f32 v11, v3;
	[tilespmem:s25+$0xF370] =	vst v8  }
0x364: {  	v4 =	vsub.f32 v4, v54;
	v63 =	vmul.f32 $2.091650010e+00, v31;
	v1 =	vsub.f32 v1, v61;
	[tilespmem:s25+$0xF1F0] =	vst v7  }
0x365: {  	v0 =	vmul.f32 $7.395099990e-01, v0;
	v44 =	vsub.f32 v40, v41;
	v49 =	vadd.f32 v45, v46;
	[tilespmem:s25+$0xF2F0] =	vst v13  }
0x366: {  	v6 =	vmul.f32 $2.371708150e+00, v6;
	v7 =	vsub.f32 v47, v48;
	[tilespmem:s25+$0x11970] =	vst v3;
	v2 =	vsub.f32 v63, v2  }
0x367: {  	v55 =	vmul.f32 $3.162277700e+00, v15;
	v60 =	vadd.f32 v4, v57;
	v0 =	vadd.f32 v1, v0;
	[tilespmem:s25+$0x118F0] =	vst v44  }
0x368: {  	p0 =	slt.u32 s23, $0x480;
	v52 =	vadd.f32 v49, v50;
	v6 =	vsub.f32 v7, v6;
	[tilespmem:s25+$0x11BF0] =	vst v2  }
.Ltmp6:
0x369: {  	v7 =	vsub.f32 v55, v56;
	v3 =	vadd.f32 v60, v59;
	[tilespmem:s25+$0x14070] =	vst v0;
	(pc) =	sbr.rel @p0 .LBB2_6-.Ltmp6, $4  }
0x36a: {  	v8 =	vadd.f32 v52, v53;
	[tilespmem:s25+$0x119F0] =	vst v6  }
0x36b: {  	v62 =	vsub.f32 v7, v58;
	[tilespmem:s25+$0x11B70] =	vst v3  }
0x36c: {  	s31 =	sadd.s32 $0x80, s23;
	[tilespmem:s25+$0x11A70] =	vst v8  }
0x36d: {  	s23 =	smov.u32 s31;
	[tilespmem:s25+$0x11AF0] =	vst v62  }
0x36e: {  	s22 =	smul.u32 $0x500, s22;
	s21 =	sadd.s32 s9, s21  }
.Ltmp7:
0x36f: {  	p0 =	sgt.u32 s21, $0x270;
	(pc) =	sbr.rel .LBB2_8-.Ltmp7, $4  }
0x370: {  	s22 =	sadd.s32 s3, s22;
	s21 =	smul.u32 @!p0 $0x280, s21  }
0x371: {  	[hbm4b:s22+s14] =	stream.strided.scatter [tilespmem:s16], [sflag:$0x4], $0xA000, s13, s14, $0x38;
	[tilespmem:$0x16800] =	vst v63  }
0x372: {  	s23 =	simm.s32 @!p0 $0x1400;
	s22 =	simm.s32 @!p0 $0x0;
	s21 =	sadd.s32 @!p0 s2, s21  }
0x373: {  	[tilespmem:s23], [sflag:$0x2] =	stream.linear.gather @!p0 [hbm4b:s21+s22], $0x1400, $0x38;
	[tilespmem:$0x16800] =	vst v63  }
.LBB2_10:
0x374: {  	_ =	sfence.sel $0x180000  }
0x375: {  	[bflag:$0x0] =	sbarrier.arrive $0xFFFF  }
0x376: {  	p0 =	sne.s32 s0, $0x0;
	_ =	strace $0x90000047  }
0x377: {  	s0 =	sadd.s32 @!p0 $0x100000, s1;
	[bflag:$0x2] =	sbarrier.arrive $0xFFFF  }
0x378: {  	[sflag:s0] =	ssyncadd.tile.s32 @!p0 $0x1;
	_ =	shalt  }
.Lfunc_end2:
_tile_overlayer_lowered:
.L_overlay_start_2:
0x379: {  	(tag) =	ssettag $0x2  }
0x37a: {  	s0 =	rddreg [dreg:$0x0];
	s2 =	stileid.u32  }
0x37b: {  	s1 =	rddreg [dreg:$0x1];
	p0 =	sne.s32 s2, $0x0  }
0x37c: {  	s3 =	rddreg [dreg:$0x2];
	[bflag:$0x3] =	sbarrier.arrive $0xFFFF;
	s2 =	simm.s32 @!p0 $0x1C05  }
0x37d: {  	[timem:s3], [sflag:s2] =	dma.local @!p0 [hbm:s0], s1  }
0x37e: {  	s0 =	simm.s32 @!p0 $0x5  }
0x37f: {  	_ =	swait.ge @!p0 [sflag:s0], s1  }
0x380: {  	s1 =	ssub.s32 @!p0 $0x0, s1;
	[sflag:s0] =	ssyncset.done @!p0 $0x0  }
0x381: {  	[sflag:s0] =	ssyncadd.s32 @!p0 s1  }
0x382: {  	[bflag:$0x3] =	sbarrier.arrive $0xFFFF  }
0x383: {  	_ =	shalt  }

</sc_bundles>
